<compile_context>
chip_gen: v7x
topology: tpu7x:2x2x1
jax: 0.10.2.dev20260603
libtpu: 0.0.44.dev20260713+nightly
codegen_flags: <defaults>
</compile_context>

<pallas_src>
import functools

import jax
import jax.numpy as jnp
from jax import lax
from jax.experimental import pallas as pl
from jax.experimental.pallas import tpu as pltpu
from jax.experimental.pallas import tpu_sc as plsc

T, D, E, K = 2048, 768, 8, 2
H = 4 * D
A = T * K
NB = 256
G_MAX = A // NB + E
A_PAD = G_MAX * NB

NC, NS, L = 2, 16, 16
NW = NC * NS


@functools.cache
def _mesh():
    return plsc.VectorSubcoreMesh(core_axis_name="c", subcore_axis_name="s")


_SC_PARAMS = pltpu.CompilerParams(needs_layout_passes=False)


def _router_body(x_ref, n_ref, wg_ref, bg_ref, wn_ref, bn_ref,
                 e_ref, g_ref):
    xb = x_ref[0]
    logits = jnp.dot(xb, wg_ref[...],
                     preferred_element_type=jnp.float32) + bg_ref[...]
    nlog = jnp.dot(xb, wn_ref[...],
                   preferred_element_type=jnp.float32) + bn_ref[...]
    sp = jnp.maximum(nlog, 0.0) + jnp.log1p(jnp.exp(-jnp.abs(nlog)))
    noisy = logits + n_ref[...] * sp
    lane = lax.broadcasted_iota(jnp.int32, (T, E), 1)
    top1 = jnp.max(noisy, axis=1, keepdims=True)
    idx1 = jnp.min(jnp.where(noisy == top1, lane, E), axis=1, keepdims=True)
    noisy2 = jnp.where(lane == idx1, -jnp.inf, noisy)
    top2 = jnp.max(noisy2, axis=1, keepdims=True)
    idx2 = jnp.min(jnp.where(noisy2 == top2, lane, E), axis=1, keepdims=True)
    sel = (lane == idx1) | (lane == idx2)
    p = jnp.where(sel, jnp.exp(noisy - top1), 0.0)
    z = jnp.sum(p, axis=1, keepdims=True)
    p1 = jnp.sum(jnp.where(lane == idx1, p, 0.0), axis=1, keepdims=True)
    p2 = jnp.sum(jnp.where(lane == idx2, p, 0.0), axis=1, keepdims=True)
    e_ref[0:T, :] = idx1
    e_ref[T:2 * T, :] = idx2
    g_ref[0:T, :] = p1 / z
    g_ref[T:2 * T, :] = p2 / z


def _router(x, nf, Wg, bg, Wn, bn):
    full = lambda s: pl.BlockSpec(s, lambda: (0,) * len(s))
    return pl.pallas_call(
        _router_body,
        in_specs=[full((1, T, D)), full((T, E)), full((D, E)), full((1, E)),
                  full((D, E)), full((1, E))],
        out_specs=[full((A, 1)), full((A, 1))],
        out_shape=[jax.ShapeDtypeStruct((A, 1), jnp.int32),
                   jax.ShapeDtypeStruct((A, 1), jnp.float32)],
        name="tc_router",
    )(x, nf, Wg, bg.reshape(1, E), Wn, bn.reshape(1, E))


_G_ROWS = A_PAD // NW
_G_CHUNK = 64


def _dispatch_body(e_hbm, g_hbm, x_hbm,
                   xg_hbm, gate_hbm, bexp_hbm, dest_hbm, nblk_hbm,
                   toks_sh, ev, gv, rank, destv, toks, gts, offs_v, bexp_v,
                   nblk_v, idx_v, r0, r1, sg0, sg1, sw0, sw1):
    core = lax.axis_index("c")
    sub = lax.axis_index("s")

    @pl.when(sub == 0)
    def _():
        iota = lax.iota(jnp.int32, L)
        zz = jnp.zeros((L,), jnp.int32)
        one = jnp.ones((L,), jnp.int32)
        pltpu.sync_copy(e_hbm, ev)
        pltpu.sync_copy(g_hbm, gv)

        def p1(i, cnts):
            v = ev[pl.ds(i * L, L)]
            r = zz
            new = []
            for ex in range(E):
                m = v == jnp.full((L,), ex, jnp.int32)
                mi = jnp.where(m, one, zz)
                pc = plsc.cumsum(mi)
                r = jnp.where(m, cnts[ex] + pc - one, r)
                new.append(cnts[ex] + jnp.full((L,), pc[L - 1], jnp.int32))
            rank[pl.ds(i * L, L)] = r
            return tuple(new)
        counts = lax.fori_loop(0, A // L, p1, (zz,) * E)

        nbv = jnp.full((L,), NB, jnp.int32)
        nbm1 = jnp.full((L,), NB - 1, jnp.int32)
        cb = jnp.zeros((L,), jnp.int32)
        off_v = jnp.zeros((L,), jnp.int32)
        be0 = jnp.zeros((L,), jnp.int32)
        be1 = jnp.zeros((L,), jnp.int32)
        iota_hi = iota + jnp.full((L,), L, jnp.int32)
        for ex in range(E):
            off_v = jnp.where(iota == jnp.full((L,), ex, jnp.int32),
                              cb * nbv, off_v)
            cb = cb + (counts[ex] + nbm1) // nbv
            be0 = be0 + jnp.where(iota >= cb, one, zz)
            be1 = be1 + jnp.where(iota_hi >= cb, one, zz)
        emax = jnp.full((L,), E - 1, jnp.int32)
        offs_v[...] = off_v
        bexp_v[pl.ds(0, L)] = jnp.minimum(be0, emax)
        bexp_v[pl.ds(L, L)] = jnp.minimum(be1, emax)
        nblk_v[...] = cb

        def p2(i, _):
            v = ev[pl.ds(i * L, L)]
            r = rank[pl.ds(i * L, L)]
            g = gv[pl.ds(i * L, L)]
            dst = plsc.load_gather(offs_v, [v]) + r
            tok = (jnp.full((L,), i * L, jnp.int32) + iota) & jnp.full(
                (L,), T - 1, jnp.int32)
            plsc.store_scatter(toks, [dst], tok)
            plsc.store_scatter(gts, [dst], g)
            destv[pl.ds(i * L, L)] = dst
            return 0
        lax.fori_loop(0, A // L, p2, 0)

        pltpu.sync_copy(toks, toks_sh)

        @pl.when(core == 0)
        def _outs():
            pltpu.sync_copy(gts, gate_hbm)
            pltpu.sync_copy(destv, dest_hbm)
            pltpu.sync_copy(bexp_v, bexp_hbm)
            pltpu.sync_copy(nblk_v, nblk_hbm)

    plsc.subcore_barrier()

    wid = sub * NC + core
    base = wid * _G_ROWS
    tmask = jnp.full((L,), T - 1, jnp.int32)
    pltpu.sync_copy(toks_sh.at[pl.ds(base, _G_ROWS)], idx_v)
    for j in range(_G_ROWS // L):
        s = pl.ds(j * L, L)
        idx_v[s] = idx_v[s] & tmask
    g0 = pltpu.async_copy(x_hbm.at[idx_v.at[pl.ds(0, _G_CHUNK)]], r0, sg0)
    g1 = pltpu.async_copy(
        x_hbm.at[idx_v.at[pl.ds(_G_CHUNK, _G_CHUNK)]], r1, sg1)
    g0.wait()
    w0 = pltpu.async_copy(r0, xg_hbm.at[pl.ds(base, _G_CHUNK)], sw0)
    g1.wait()
    w1 = pltpu.async_copy(
        r1, xg_hbm.at[pl.ds(base + _G_CHUNK, _G_CHUNK)], sw1)
    w0.wait()
    g2 = pltpu.async_copy(
        x_hbm.at[idx_v.at[pl.ds(2 * _G_CHUNK, _G_CHUNK)]], r0, sg0)
    g2.wait()
    w2 = pltpu.async_copy(
        r0, xg_hbm.at[pl.ds(base + 2 * _G_CHUNK, _G_CHUNK)], sw0)
    w1.wait()
    w2.wait()


def _dispatch(*args):
    return pl.kernel(
        _dispatch_body,
        mesh=_mesh(),
        compiler_params=_SC_PARAMS,
        out_type=[jax.ShapeDtypeStruct((A_PAD, D), jnp.float32),
                  jax.ShapeDtypeStruct((A_PAD,), jnp.float32),
                  jax.ShapeDtypeStruct((2 * L,), jnp.int32),
                  jax.ShapeDtypeStruct((A,), jnp.int32),
                  jax.ShapeDtypeStruct((L,), jnp.int32)],
        scratch_types=[pltpu.VMEM_SHARED((A_PAD,), jnp.int32),
                       pltpu.VMEM((A,), jnp.int32),
                       pltpu.VMEM((A,), jnp.float32),
                       pltpu.VMEM((A,), jnp.int32),
                       pltpu.VMEM((A,), jnp.int32),
                       pltpu.VMEM((A_PAD,), jnp.int32),
                       pltpu.VMEM((A_PAD,), jnp.float32),
                       pltpu.VMEM((L,), jnp.int32),
                       pltpu.VMEM((2 * L,), jnp.int32),
                       pltpu.VMEM((L,), jnp.int32),
                       pltpu.VMEM((_G_ROWS,), jnp.int32),
                       pltpu.VMEM((_G_CHUNK, D), jnp.float32),
                       pltpu.VMEM((_G_CHUNK, D), jnp.float32),
                       pltpu.SemaphoreType.DMA,
                       pltpu.SemaphoreType.DMA,
                       pltpu.SemaphoreType.DMA,
                       pltpu.SemaphoreType.DMA],
        name="sc_dispatch",
    )(*args)


def _ffn_body(bexp_ref, nblk_ref, xg_ref, gate_ref, w1_ref, b1_ref, w2_ref,
              b2_ref, out_ref):
    @pl.when(pl.program_id(0) < nblk_ref[0])
    def _():
        xb = xg_ref[...].astype(jnp.bfloat16)
        w1 = w1_ref[0].astype(jnp.bfloat16)
        h = jnp.dot(xb, w1, preferred_element_type=jnp.float32) + b1_ref[0]
        h = jnp.maximum(h, 0.0).astype(jnp.bfloat16)
        w2 = w2_ref[0].astype(jnp.bfloat16)
        o = jnp.dot(h, w2, preferred_element_type=jnp.float32) + b2_ref[0]
        out_ref[...] = o * gate_ref[...]


def _ffn(bexp, nblk, xg, gates, W1, b1, W2, b2):
    return pl.pallas_call(
        _ffn_body,
        grid_spec=pltpu.PrefetchScalarGridSpec(
            num_scalar_prefetch=2,
            grid=(G_MAX,),
            in_specs=[
                pl.BlockSpec((NB, D), lambda g, be, nb: (g, 0)),
                pl.BlockSpec((NB, 1), lambda g, be, nb: (g, 0)),
                pl.BlockSpec((1, D, H), lambda g, be, nb: (be[g], 0, 0)),
                pl.BlockSpec((1, 1, H), lambda g, be, nb: (be[g], 0, 0)),
                pl.BlockSpec((1, H, D), lambda g, be, nb: (be[g], 0, 0)),
                pl.BlockSpec((1, 1, D), lambda g, be, nb: (be[g], 0, 0)),
            ],
            out_specs=pl.BlockSpec((NB, D), lambda g, be, nb: (g, 0)),
        ),
        out_shape=jax.ShapeDtypeStruct((A_PAD, D), jnp.float32),
        compiler_params=pltpu.CompilerParams(
            vmem_limit_bytes=100 * 1024 * 1024),
        name="tc_ffn",
    )(bexp, nblk, xg, gates, W1, b1.reshape(E, 1, H), W2,
      b2.reshape(E, 1, D))


_C_CHUNK = T // NW


def _combine_body(os_hbm, dest_hbm, fin_hbm, d0_v, d1_v, acc_v, row_v,
                  s0, s1):
    wid = lax.axis_index("s") * NC + lax.axis_index("c")
    base = wid * _C_CHUNK
    pltpu.sync_copy(dest_hbm.at[pl.ds(base, _C_CHUNK)], d0_v)
    pltpu.sync_copy(dest_hbm.at[pl.ds(T + base, _C_CHUNK)], d1_v)
    g0 = pltpu.async_copy(os_hbm.at[d0_v], acc_v, s0)
    g1 = pltpu.async_copy(os_hbm.at[d1_v], row_v, s1)
    g0.wait()
    g1.wait()

    def add(i, _):
        for j in range(D // L):
            s = pl.ds(j * L, L)
            acc_v[i, s] = acc_v[i, s] + row_v[i, s]
        return 0
    lax.fori_loop(0, _C_CHUNK, add, 0)
    pltpu.sync_copy(acc_v, fin_hbm.at[pl.ds(base, _C_CHUNK)])


def _combine(*args):
    return pl.kernel(
        _combine_body,
        mesh=_mesh(),
        compiler_params=_SC_PARAMS,
        out_type=jax.ShapeDtypeStruct((T, D), jnp.float32),
        scratch_types=[pltpu.VMEM((_C_CHUNK,), jnp.int32),
                       pltpu.VMEM((_C_CHUNK,), jnp.int32),
                       pltpu.VMEM((_C_CHUNK, D), jnp.float32),
                       pltpu.VMEM((_C_CHUNK, D), jnp.float32),
                       pltpu.SemaphoreType.DMA,
                       pltpu.SemaphoreType.DMA],
        name="sc_combine",
    )(*args)


@jax.jit
def kernel(x, noise, Wg, bg, Wn, bn, W1, b1, W2, b2):
    nf = noise.reshape(T, E)
    e_all, g_all = _router(x, nf, Wg, bg, Wn, bn)
    xg, gate_sorted, bexp, dest, nblk = _dispatch(
        e_all.reshape(A), g_all.reshape(A), x.reshape(T, D))
    out_sorted = _ffn(bexp[:G_MAX], nblk[:1], xg,
                      gate_sorted.reshape(A_PAD, 1), W1, b1, W2, b2)
    final = _combine(out_sorted, dest)
    return final.reshape(1, T, D)

# --- scband reference (transcript-rebuilt; emitter-appended) ---
"""Pipeline reference for scband-sparse-mo-e-515396076109 (READ-ONLY COPY).

The authoritative reference and input builder live on the scoring server;
editing this copy changes nothing except your own understanding.
"""

import jax, jax.numpy as jnp
import numpy as np

B, S, D, E, K = 1, 2048, 768, 8, 2
H = 4 * D


def setup_inputs(seed: int = 0) -> dict:
    key = jax.random.key(seed)
    ks = jax.random.split(key, 8)
    x = jax.random.normal(ks[0], (B, S, D), dtype=jnp.float32)
    # noise ~ N(0,1), sampled once (stands in for torch.randn_like)
    noise = jax.random.normal(ks[1], (B, S, E), dtype=jnp.float32)
    # router params
    Wg = jax.random.normal(ks[2], (D, E), dtype=jnp.float32) / np.sqrt(D)
    bg = jnp.zeros((E,), dtype=jnp.float32)
    Wn = jax.random.normal(ks[3], (D, E), dtype=jnp.float32) / np.sqrt(D)
    bn = jnp.zeros((E,), dtype=jnp.float32)
    # expert FFN params, stacked over experts
    W1 = jax.random.normal(ks[4], (E, D, H), dtype=jnp.float32) / np.sqrt(D)
    b1 = jnp.zeros((E, H), dtype=jnp.float32)
    W2 = jax.random.normal(ks[5], (E, H, D), dtype=jnp.float32) / np.sqrt(H)
    b2 = jnp.zeros((E, D), dtype=jnp.float32)
    return {"x": x, "noise": noise, "Wg": Wg, "bg": bg, "Wn": Wn, "bn": bn,
            "W1": W1, "b1": b1, "W2": W2, "b2": b2}


def reference(x, noise, Wg, bg, Wn, bn, W1, b1, W2, b2):
    # NoisyTopkRouter
    logits = x @ Wg + bg                      # [B,S,E]
    noise_logits = x @ Wn + bn                # [B,S,E]
    noisy = logits + noise * jax.nn.softplus(noise_logits)
    top_vals, top_idx = jax.lax.top_k(noisy, K)           # [B,S,K]
    sel = (jax.nn.one_hot(top_idx, E, dtype=jnp.float32).sum(axis=-2) > 0)  # [B,S,E]
    sparse_logits = jnp.where(sel, noisy, -jnp.inf)
    gating = jax.nn.softmax(sparse_logits, axis=-1)       # zeros for non-topk experts
    # SparseMoE expert combine. In the torch module, tokens not routed to expert i
    # are skipped; their gating weight for expert i is exactly 0, so a dense
    # compute weighted by the (sparse) gating is mathematically identical.
    flat_x = x.reshape(-1, D)                              # [T,D]
    h = jax.nn.relu(jnp.einsum('td,edh->eth', flat_x, W1) + b1[:, None, :])
    out = jnp.einsum('eth,ehd->etd', h, W2) + b2[:, None, :]  # [E,T,D]
    g = gating.reshape(-1, E)                              # [T,E]
    final = jnp.einsum('etd,te->td', out, g)               # [T,D]
    return final.reshape(B, S, D)

if __name__ == "__main__":
    import jax
    _d = setup_inputs()
    print(jax.jit(kernel)(*tuple(_d.values())))

</pallas_src>

<mosaic_0001>
#map = affine_map<(d0, d1) -> (0)>
#map1 = affine_map<(d0, d1) -> (0, 0)>
module attributes {stable_mosaic.version = 14 : i64} {
  func.func @sc_dispatch(%arg0: i32, %arg1: i32, %arg2: memref<4096xi32, #tpu.memory_space<hbm>>, %arg3: memref<4096xf32, #tpu.memory_space<hbm>>, %arg4: memref<2048x768xf32, #tpu.memory_space<hbm>>, %arg5: memref<6144x768xf32, #tpu.memory_space<hbm>>, %arg6: memref<6144xf32, #tpu.memory_space<hbm>>, %arg7: memref<32xi32, #tpu.memory_space<hbm>>, %arg8: memref<4096xi32, #tpu.memory_space<hbm>>, %arg9: memref<16xi32, #tpu.memory_space<hbm>>, %arg10: memref<6144xi32, #tpu.memory_space<vmem_shared>>, %arg11: memref<4096xi32, #tpu.memory_space<vmem>>, %arg12: memref<4096xf32, #tpu.memory_space<vmem>>, %arg13: memref<4096xi32, #tpu.memory_space<vmem>>, %arg14: memref<4096xi32, #tpu.memory_space<vmem>>, %arg15: memref<6144xi32, #tpu.memory_space<vmem>>, %arg16: memref<6144xf32, #tpu.memory_space<vmem>>, %arg17: memref<16xi32, #tpu.memory_space<vmem>>, %arg18: memref<32xi32, #tpu.memory_space<vmem>>, %arg19: memref<16xi32, #tpu.memory_space<vmem>>, %arg20: memref<192xi32, #tpu.memory_space<vmem>>, %arg21: memref<64x768xf32, #tpu.memory_space<vmem>>, %arg22: memref<64x768xf32, #tpu.memory_space<vmem>>, %arg23: memref<!tpu.dma_semaphore, #tpu.memory_space<semaphore_mem>>, %arg24: memref<!tpu.dma_semaphore, #tpu.memory_space<semaphore_mem>>, %arg25: memref<!tpu.dma_semaphore, #tpu.memory_space<semaphore_mem>>, %arg26: memref<!tpu.dma_semaphore, #tpu.memory_space<semaphore_mem>>) attributes {dimension_semantics = [#tpu.dimension_semantics<core_parallel>, #tpu.dimension_semantics<subcore_parallel>], iteration_bounds = array<i64: 2, 16>, scalar_prefetch = 0 : i64, scratch_operands = 17 : i64, tpu.core_type = #tpu.core_type<sc_vector_subcore>, window_params = [{transform_indices = #map}, {transform_indices = #map}, {transform_indices = #map1}, {transform_indices = #map1}, {transform_indices = #map}, {transform_indices = #map}, {transform_indices = #map}, {transform_indices = #map}]} {
    %eq3A = arith.constant 0 : i32
    %eq3A_0 = arith.cmpi eq, %arg1, %eq3A : i32
    %convert_element_type3A = arith.extui %eq3A_0 : i1 to i32
    %cond3A = arith.constant 0 : i32
    %cond3A_1 = arith.cmpi ne, %convert_element_type3A, %cond3A : i32
    scf.if %cond3A_1 {
      %iota3A = tpu.iota {dimensions = array<i32: 0>} : vector<16xi32>
      %broadcast_in_dim3A_119 = arith.constant 0 : i32
      %broadcast_in_dim3A_120 = vector.broadcast %broadcast_in_dim3A_119 : i32 to vector<16xi32>
      %broadcast_in_dim3A_121 = arith.constant 1 : i32
      %broadcast_in_dim3A_122 = vector.broadcast %broadcast_in_dim3A_121 : i32 to vector<16xi32>
      "tpu.region"() ({
        %run_scoped3A = tpu.sem_alloc : memref<!tpu.dma_semaphore, #tpu.memory_space<semaphore_mem>>
        tpu.enqueue_dma source(%arg2 : memref<4096xi32, #tpu.memory_space<hbm>>) target(%arg11 : memref<4096xi32, #tpu.memory_space<vmem>>) target_semaphore(%run_scoped3A : memref<!tpu.dma_semaphore, #tpu.memory_space<semaphore_mem>>)
        tpu.wait_dma2 semaphore(%run_scoped3A : memref<!tpu.dma_semaphore, #tpu.memory_space<semaphore_mem>>) src(%arg2 : memref<4096xi32, #tpu.memory_space<hbm>>) dst(%arg11 : memref<4096xi32, #tpu.memory_space<vmem>>)
        tpu.yield
      }) : () -> ()
      "tpu.region"() ({
        %run_scoped3A = tpu.sem_alloc : memref<!tpu.dma_semaphore, #tpu.memory_space<semaphore_mem>>
        tpu.enqueue_dma source(%arg3 : memref<4096xf32, #tpu.memory_space<hbm>>) target(%arg12 : memref<4096xf32, #tpu.memory_space<vmem>>) target_semaphore(%run_scoped3A : memref<!tpu.dma_semaphore, #tpu.memory_space<semaphore_mem>>)
        tpu.wait_dma2 semaphore(%run_scoped3A : memref<!tpu.dma_semaphore, #tpu.memory_space<semaphore_mem>>) src(%arg3 : memref<4096xf32, #tpu.memory_space<hbm>>) dst(%arg12 : memref<4096xf32, #tpu.memory_space<vmem>>)
        tpu.yield
      }) : () -> ()
      %scan3A = arith.constant 0 : i32
      %scan3A_123 = arith.constant 256 : i32
      %scan3A_124 = arith.addi %scan3A, %scan3A_123 : i32
      %scan3A_125 = arith.constant 1 : i32
      %scan3A_126:8 = scf.for %scan3A_495 = %scan3A to %scan3A_124 step %scan3A_125 iter_args(%scan3A_496 = %broadcast_in_dim3A_120, %scan3A_497 = %broadcast_in_dim3A_120, %scan3A_498 = %broadcast_in_dim3A_120, %scan3A_499 = %broadcast_in_dim3A_120, %scan3A_500 = %broadcast_in_dim3A_120, %scan3A_501 = %broadcast_in_dim3A_120, %scan3A_502 = %broadcast_in_dim3A_120, %scan3A_503 = %broadcast_in_dim3A_120) -> (vector<16xi32>, vector<16xi32>, vector<16xi32>, vector<16xi32>, vector<16xi32>, vector<16xi32>, vector<16xi32>, vector<16xi32>)  : i32 {
        %mul3A_504 = arith.constant 16 : i32
        %mul3A_505 = arith.muli %scan3A_495, %mul3A_504 : i32
        %get3A_506 = arith.index_cast %mul3A_505 : i32 to index
        %get3A_507 = tpu.vector_load %arg11[%get3A_506] {strides = array<i32>} : memref<4096xi32, #tpu.memory_space<vmem>>, vector<16xi32>,
        %broadcast_in_dim3A_508 = arith.constant 0 : i32
        %broadcast_in_dim3A_509 = vector.broadcast %broadcast_in_dim3A_508 : i32 to vector<16xi32>
        %eq3A_510 = arith.cmpi eq, %get3A_507, %broadcast_in_dim3A_509 : vector<16xi32>
        %select_n3A_511 = arith.select %eq3A_510, %broadcast_in_dim3A_122, %broadcast_in_dim3A_120 : vector<16xi1>, vector<16xi32>
        %broadcast_in_dim3A_512 = arith.constant true
        %broadcast_in_dim3A_513 = vector.broadcast %broadcast_in_dim3A_512 : i1 to vector<16xi1>
        %masked_cumsum3A = tpu.scan <sum>, %select_n3A_511 masked %broadcast_in_dim3A_513 : vector<16xi32>, vector<16xi1> -> vector<16xi32>
        %add3A_514 = arith.addi %scan3A_496, %masked_cumsum3A : vector<16xi32>
        %sub3A_515 = arith.subi %add3A_514, %broadcast_in_dim3A_122 : vector<16xi32>
        %select_n3A_516 = arith.select %eq3A_510, %sub3A_515, %broadcast_in_dim3A_120 : vector<16xi1>, vector<16xi32>
        %slice3A = vector.extract_strided_slice %masked_cumsum3A {offsets = [15], sizes = [1], strides = [1]} : vector<16xi32> to vector<1xi32>
        %squeeze3A = vector.extract %slice3A[0] : i32 from vector<1xi32>
        %broadcast_in_dim3A_517 = vector.broadcast %squeeze3A : i32 to vector<16xi32>
        %add3A_518 = arith.addi %scan3A_496, %broadcast_in_dim3A_517 : vector<16xi32>
        %broadcast_in_dim3A_519 = arith.constant 1 : i32
        %broadcast_in_dim3A_520 = vector.broadcast %broadcast_in_dim3A_519 : i32 to vector<16xi32>
        %eq3A_521 = arith.cmpi eq, %get3A_507, %broadcast_in_dim3A_520 : vector<16xi32>
        %select_n3A_522 = arith.select %eq3A_521, %broadcast_in_dim3A_122, %broadcast_in_dim3A_120 : vector<16xi1>, vector<16xi32>
        %broadcast_in_dim3A_523 = arith.constant true
        %broadcast_in_dim3A_524 = vector.broadcast %broadcast_in_dim3A_523 : i1 to vector<16xi1>
        %masked_cumsum3A_525 = tpu.scan <sum>, %select_n3A_522 masked %broadcast_in_dim3A_524 : vector<16xi32>, vector<16xi1> -> vector<16xi32>
        %add3A_526 = arith.addi %scan3A_497, %masked_cumsum3A_525 : vector<16xi32>
        %sub3A_527 = arith.subi %add3A_526, %broadcast_in_dim3A_122 : vector<16xi32>
        %select_n3A_528 = arith.select %eq3A_521, %sub3A_527, %select_n3A_516 : vector<16xi1>, vector<16xi32>
        %slice3A_529 = vector.extract_strided_slice %masked_cumsum3A_525 {offsets = [15], sizes = [1], strides = [1]} : vector<16xi32> to vector<1xi32>
        %squeeze3A_530 = vector.extract %slice3A_529[0] : i32 from vector<1xi32>
        %broadcast_in_dim3A_531 = vector.broadcast %squeeze3A_530 : i32 to vector<16xi32>
        %add3A_532 = arith.addi %scan3A_497, %broadcast_in_dim3A_531 : vector<16xi32>
        %broadcast_in_dim3A_533 = arith.constant 2 : i32
        %broadcast_in_dim3A_534 = vector.broadcast %broadcast_in_dim3A_533 : i32 to vector<16xi32>
        %eq3A_535 = arith.cmpi eq, %get3A_507, %broadcast_in_dim3A_534 : vector<16xi32>
        %select_n3A_536 = arith.select %eq3A_535, %broadcast_in_dim3A_122, %broadcast_in_dim3A_120 : vector<16xi1>, vector<16xi32>
        %broadcast_in_dim3A_537 = arith.constant true
        %broadcast_in_dim3A_538 = vector.broadcast %broadcast_in_dim3A_537 : i1 to vector<16xi1>
        %masked_cumsum3A_539 = tpu.scan <sum>, %select_n3A_536 masked %broadcast_in_dim3A_538 : vector<16xi32>, vector<16xi1> -> vector<16xi32>
        %add3A_540 = arith.addi %scan3A_498, %masked_cumsum3A_539 : vector<16xi32>
        %sub3A_541 = arith.subi %add3A_540, %broadcast_in_dim3A_122 : vector<16xi32>
        %select_n3A_542 = arith.select %eq3A_535, %sub3A_541, %select_n3A_528 : vector<16xi1>, vector<16xi32>
        %slice3A_543 = vector.extract_strided_slice %masked_cumsum3A_539 {offsets = [15], sizes = [1], strides = [1]} : vector<16xi32> to vector<1xi32>
        %squeeze3A_544 = vector.extract %slice3A_543[0] : i32 from vector<1xi32>
        %broadcast_in_dim3A_545 = vector.broadcast %squeeze3A_544 : i32 to vector<16xi32>
        %add3A_546 = arith.addi %scan3A_498, %broadcast_in_dim3A_545 : vector<16xi32>
        %broadcast_in_dim3A_547 = arith.constant 3 : i32
        %broadcast_in_dim3A_548 = vector.broadcast %broadcast_in_dim3A_547 : i32 to vector<16xi32>
        %eq3A_549 = arith.cmpi eq, %get3A_507, %broadcast_in_dim3A_548 : vector<16xi32>
        %select_n3A_550 = arith.select %eq3A_549, %broadcast_in_dim3A_122, %broadcast_in_dim3A_120 : vector<16xi1>, vector<16xi32>
        %broadcast_in_dim3A_551 = arith.constant true
        %broadcast_in_dim3A_552 = vector.broadcast %broadcast_in_dim3A_551 : i1 to vector<16xi1>
        %masked_cumsum3A_553 = tpu.scan <sum>, %select_n3A_550 masked %broadcast_in_dim3A_552 : vector<16xi32>, vector<16xi1> -> vector<16xi32>
        %add3A_554 = arith.addi %scan3A_499, %masked_cumsum3A_553 : vector<16xi32>
        %sub3A_555 = arith.subi %add3A_554, %broadcast_in_dim3A_122 : vector<16xi32>
        %select_n3A_556 = arith.select %eq3A_549, %sub3A_555, %select_n3A_542 : vector<16xi1>, vector<16xi32>
        %slice3A_557 = vector.extract_strided_slice %masked_cumsum3A_553 {offsets = [15], sizes = [1], strides = [1]} : vector<16xi32> to vector<1xi32>
        %squeeze3A_558 = vector.extract %slice3A_557[0] : i32 from vector<1xi32>
        %broadcast_in_dim3A_559 = vector.broadcast %squeeze3A_558 : i32 to vector<16xi32>
        %add3A_560 = arith.addi %scan3A_499, %broadcast_in_dim3A_559 : vector<16xi32>
        %broadcast_in_dim3A_561 = arith.constant 4 : i32
        %broadcast_in_dim3A_562 = vector.broadcast %broadcast_in_dim3A_561 : i32 to vector<16xi32>
        %eq3A_563 = arith.cmpi eq, %get3A_507, %broadcast_in_dim3A_562 : vector<16xi32>
        %select_n3A_564 = arith.select %eq3A_563, %broadcast_in_dim3A_122, %broadcast_in_dim3A_120 : vector<16xi1>, vector<16xi32>
        %broadcast_in_dim3A_565 = arith.constant true
        %broadcast_in_dim3A_566 = vector.broadcast %broadcast_in_dim3A_565 : i1 to vector<16xi1>
        %masked_cumsum3A_567 = tpu.scan <sum>, %select_n3A_564 masked %broadcast_in_dim3A_566 : vector<16xi32>, vector<16xi1> -> vector<16xi32>
        %add3A_568 = arith.addi %scan3A_500, %masked_cumsum3A_567 : vector<16xi32>
        %sub3A_569 = arith.subi %add3A_568, %broadcast_in_dim3A_122 : vector<16xi32>
        %select_n3A_570 = arith.select %eq3A_563, %sub3A_569, %select_n3A_556 : vector<16xi1>, vector<16xi32>
        %slice3A_571 = vector.extract_strided_slice %masked_cumsum3A_567 {offsets = [15], sizes = [1], strides = [1]} : vector<16xi32> to vector<1xi32>
        %squeeze3A_572 = vector.extract %slice3A_571[0] : i32 from vector<1xi32>
        %broadcast_in_dim3A_573 = vector.broadcast %squeeze3A_572 : i32 to vector<16xi32>
        %add3A_574 = arith.addi %scan3A_500, %broadcast_in_dim3A_573 : vector<16xi32>
        %broadcast_in_dim3A_575 = arith.constant 5 : i32
        %broadcast_in_dim3A_576 = vector.broadcast %broadcast_in_dim3A_575 : i32 to vector<16xi32>
        %eq3A_577 = arith.cmpi eq, %get3A_507, %broadcast_in_dim3A_576 : vector<16xi32>
        %select_n3A_578 = arith.select %eq3A_577, %broadcast_in_dim3A_122, %broadcast_in_dim3A_120 : vector<16xi1>, vector<16xi32>
        %broadcast_in_dim3A_579 = arith.constant true
        %broadcast_in_dim3A_580 = vector.broadcast %broadcast_in_dim3A_579 : i1 to vector<16xi1>
        %masked_cumsum3A_581 = tpu.scan <sum>, %select_n3A_578 masked %broadcast_in_dim3A_580 : vector<16xi32>, vector<16xi1> -> vector<16xi32>
        %add3A_582 = arith.addi %scan3A_501, %masked_cumsum3A_581 : vector<16xi32>
        %sub3A_583 = arith.subi %add3A_582, %broadcast_in_dim3A_122 : vector<16xi32>
        %select_n3A_584 = arith.select %eq3A_577, %sub3A_583, %select_n3A_570 : vector<16xi1>, vector<16xi32>
        %slice3A_585 = vector.extract_strided_slice %masked_cumsum3A_581 {offsets = [15], sizes = [1], strides = [1]} : vector<16xi32> to vector<1xi32>
        %squeeze3A_586 = vector.extract %slice3A_585[0] : i32 from vector<1xi32>
        %broadcast_in_dim3A_587 = vector.broadcast %squeeze3A_586 : i32 to vector<16xi32>
        %add3A_588 = arith.addi %scan3A_501, %broadcast_in_dim3A_587 : vector<16xi32>
        %broadcast_in_dim3A_589 = arith.constant 6 : i32
        %broadcast_in_dim3A_590 = vector.broadcast %broadcast_in_dim3A_589 : i32 to vector<16xi32>
        %eq3A_591 = arith.cmpi eq, %get3A_507, %broadcast_in_dim3A_590 : vector<16xi32>
        %select_n3A_592 = arith.select %eq3A_591, %broadcast_in_dim3A_122, %broadcast_in_dim3A_120 : vector<16xi1>, vector<16xi32>
        %broadcast_in_dim3A_593 = arith.constant true
        %broadcast_in_dim3A_594 = vector.broadcast %broadcast_in_dim3A_593 : i1 to vector<16xi1>
        %masked_cumsum3A_595 = tpu.scan <sum>, %select_n3A_592 masked %broadcast_in_dim3A_594 : vector<16xi32>, vector<16xi1> -> vector<16xi32>
        %add3A_596 = arith.addi %scan3A_502, %masked_cumsum3A_595 : vector<16xi32>
        %sub3A_597 = arith.subi %add3A_596, %broadcast_in_dim3A_122 : vector<16xi32>
        %select_n3A_598 = arith.select %eq3A_591, %sub3A_597, %select_n3A_584 : vector<16xi1>, vector<16xi32>
        %slice3A_599 = vector.extract_strided_slice %masked_cumsum3A_595 {offsets = [15], sizes = [1], strides = [1]} : vector<16xi32> to vector<1xi32>
        %squeeze3A_600 = vector.extract %slice3A_599[0] : i32 from vector<1xi32>
        %broadcast_in_dim3A_601 = vector.broadcast %squeeze3A_600 : i32 to vector<16xi32>
        %add3A_602 = arith.addi %scan3A_502, %broadcast_in_dim3A_601 : vector<16xi32>
        %broadcast_in_dim3A_603 = arith.constant 7 : i32
        %broadcast_in_dim3A_604 = vector.broadcast %broadcast_in_dim3A_603 : i32 to vector<16xi32>
        %eq3A_605 = arith.cmpi eq, %get3A_507, %broadcast_in_dim3A_604 : vector<16xi32>
        %select_n3A_606 = arith.select %eq3A_605, %broadcast_in_dim3A_122, %broadcast_in_dim3A_120 : vector<16xi1>, vector<16xi32>
        %broadcast_in_dim3A_607 = arith.constant true
        %broadcast_in_dim3A_608 = vector.broadcast %broadcast_in_dim3A_607 : i1 to vector<16xi1>
        %masked_cumsum3A_609 = tpu.scan <sum>, %select_n3A_606 masked %broadcast_in_dim3A_608 : vector<16xi32>, vector<16xi1> -> vector<16xi32>
        %add3A_610 = arith.addi %scan3A_503, %masked_cumsum3A_609 : vector<16xi32>
        %sub3A_611 = arith.subi %add3A_610, %broadcast_in_dim3A_122 : vector<16xi32>
        %select_n3A_612 = arith.select %eq3A_605, %sub3A_611, %select_n3A_598 : vector<16xi1>, vector<16xi32>
        %slice3A_613 = vector.extract_strided_slice %masked_cumsum3A_609 {offsets = [15], sizes = [1], strides = [1]} : vector<16xi32> to vector<1xi32>
        %squeeze3A_614 = vector.extract %slice3A_613[0] : i32 from vector<1xi32>
        %broadcast_in_dim3A_615 = vector.broadcast %squeeze3A_614 : i32 to vector<16xi32>
        %add3A_616 = arith.addi %scan3A_503, %broadcast_in_dim3A_615 : vector<16xi32>
        %mul3A_617 = arith.constant 16 : i32
        %mul3A_618 = arith.muli %scan3A_495, %mul3A_617 : i32
        %swap3A_619 = arith.index_cast %mul3A_618 : i32 to index
        %swap3A_620 = tpu.vector_load %arg13[%swap3A_619] {strides = array<i32>} : memref<4096xi32, #tpu.memory_space<vmem>>, vector<16xi32>,
        tpu.vector_store %arg13[%swap3A_619], %select_n3A_612 {strides = array<i32>} : memref<4096xi32, #tpu.memory_space<vmem>>, vector<16xi32>,
        scf.yield %add3A_518, %add3A_532, %add3A_546, %add3A_560, %add3A_574, %add3A_588, %add3A_602, %add3A_616 : vector<16xi32>, vector<16xi32>, vector<16xi32>, vector<16xi32>, vector<16xi32>, vector<16xi32>, vector<16xi32>, vector<16xi32>
      }
      %scan3A_127 = arith.constant 256 : i32
      %broadcast_in_dim3A_128 = arith.constant 256 : i32
      %broadcast_in_dim3A_129 = vector.broadcast %broadcast_in_dim3A_128 : i32 to vector<16xi32>
      %broadcast_in_dim3A_130 = arith.constant 255 : i32
      %broadcast_in_dim3A_131 = vector.broadcast %broadcast_in_dim3A_130 : i32 to vector<16xi32>
      %broadcast_in_dim3A_132 = arith.constant 0 : i32
      %broadcast_in_dim3A_133 = vector.broadcast %broadcast_in_dim3A_132 : i32 to vector<16xi32>
      %broadcast_in_dim3A_134 = arith.constant 0 : i32
      %broadcast_in_dim3A_135 = vector.broadcast %broadcast_in_dim3A_134 : i32 to vector<16xi32>
      %broadcast_in_dim3A_136 = arith.constant 0 : i32
      %broadcast_in_dim3A_137 = vector.broadcast %broadcast_in_dim3A_136 : i32 to vector<16xi32>
      %broadcast_in_dim3A_138 = arith.constant 0 : i32
      %broadcast_in_dim3A_139 = vector.broadcast %broadcast_in_dim3A_138 : i32 to vector<16xi32>
      %broadcast_in_dim3A_140 = arith.constant 16 : i32
      %broadcast_in_dim3A_141 = vector.broadcast %broadcast_in_dim3A_140 : i32 to vector<16xi32>
      %add3A_142 = arith.addi %iota3A, %broadcast_in_dim3A_141 : vector<16xi32>
      %broadcast_in_dim3A_143 = arith.constant 0 : i32
      %broadcast_in_dim3A_144 = vector.broadcast %broadcast_in_dim3A_143 : i32 to vector<16xi32>
      %eq3A_145 = arith.cmpi eq, %iota3A, %broadcast_in_dim3A_144 : vector<16xi32>
      %mul3A_146 = arith.muli %broadcast_in_dim3A_133, %broadcast_in_dim3A_129 : vector<16xi32>
      %select_n3A = arith.select %eq3A_145, %mul3A_146, %broadcast_in_dim3A_135 : vector<16xi1>, vector<16xi32>
      %add3A_147 = arith.addi %scan3A_126#0, %broadcast_in_dim3A_131 : vector<16xi32>
      %div3A = arith.divsi %add3A_147, %broadcast_in_dim3A_129 : vector<16xi32>
      %sign3A = arith.constant 0 : i32
      %sign3A_148 = vector.broadcast %sign3A : i32 to vector<16xi32>
      %sign3A_149 = arith.cmpi sgt, %add3A_147, %sign3A_148 : vector<16xi32>
      %sign3A_150 = arith.extui %sign3A_149 : vector<16xi1> to vector<16xi32>
      %sign3A_151 = arith.constant 0 : i32
      %sign3A_152 = vector.broadcast %sign3A_151 : i32 to vector<16xi32>
      %sign3A_153 = arith.cmpi slt, %add3A_147, %sign3A_152 : vector<16xi32>
      %sign3A_154 = arith.extui %sign3A_153 : vector<16xi1> to vector<16xi32>
      %sign3A_155 = arith.subi %sign3A_150, %sign3A_154 : vector<16xi32>
      %sign3A_156 = arith.constant 0 : i32
      %sign3A_157 = vector.broadcast %sign3A_156 : i32 to vector<16xi32>
      %sign3A_158 = arith.cmpi sgt, %broadcast_in_dim3A_129, %sign3A_157 : vector<16xi32>
      %sign3A_159 = arith.extui %sign3A_158 : vector<16xi1> to vector<16xi32>
      %sign3A_160 = arith.constant 0 : i32
      %sign3A_161 = vector.broadcast %sign3A_160 : i32 to vector<16xi32>
      %sign3A_162 = arith.cmpi slt, %broadcast_in_dim3A_129, %sign3A_161 : vector<16xi32>
      %sign3A_163 = arith.extui %sign3A_162 : vector<16xi1> to vector<16xi32>
      %sign3A_164 = arith.subi %sign3A_159, %sign3A_163 : vector<16xi32>
      %ne3A = arith.cmpi ne, %sign3A_155, %sign3A_164 : vector<16xi32>
      %rem3A = arith.remsi %add3A_147, %broadcast_in_dim3A_129 : vector<16xi32>
      %ne3A_165 = arith.constant 0 : i32
      %ne3A_166 = vector.broadcast %ne3A_165 : i32 to vector<16xi32>
      %ne3A_167 = arith.cmpi ne, %rem3A, %ne3A_166 : vector<16xi32>
      %and3A_168 = arith.andi %ne3A, %ne3A_167 : vector<16xi1>
      %sub3A = arith.constant 1 : i32
      %sub3A_169 = vector.broadcast %sub3A : i32 to vector<16xi32>
      %sub3A_170 = arith.subi %div3A, %sub3A_169 : vector<16xi32>
      %select_n3A_171 = arith.select %and3A_168, %sub3A_170, %div3A : vector<16xi1>, vector<16xi32>
      %add3A_172 = arith.addi %broadcast_in_dim3A_133, %select_n3A_171 : vector<16xi32>
      %ge3A = arith.cmpi sge, %iota3A, %add3A_172 : vector<16xi32>
      %select_n3A_173 = arith.select %ge3A, %broadcast_in_dim3A_122, %broadcast_in_dim3A_120 : vector<16xi1>, vector<16xi32>
      %add3A_174 = arith.addi %broadcast_in_dim3A_137, %select_n3A_173 : vector<16xi32>
      %ge3A_175 = arith.cmpi sge, %add3A_142, %add3A_172 : vector<16xi32>
      %select_n3A_176 = arith.select %ge3A_175, %broadcast_in_dim3A_122, %broadcast_in_dim3A_120 : vector<16xi1>, vector<16xi32>
      %add3A_177 = arith.addi %broadcast_in_dim3A_139, %select_n3A_176 : vector<16xi32>
      %broadcast_in_dim3A_178 = arith.constant 1 : i32
      %broadcast_in_dim3A_179 = vector.broadcast %broadcast_in_dim3A_178 : i32 to vector<16xi32>
      %eq3A_180 = arith.cmpi eq, %iota3A, %broadcast_in_dim3A_179 : vector<16xi32>
      %mul3A_181 = arith.muli %add3A_172, %broadcast_in_dim3A_129 : vector<16xi32>
      %select_n3A_182 = arith.select %eq3A_180, %mul3A_181, %select_n3A : vector<16xi1>, vector<16xi32>
      %add3A_183 = arith.addi %scan3A_126#1, %broadcast_in_dim3A_131 : vector<16xi32>
      %div3A_184 = arith.divsi %add3A_183, %broadcast_in_dim3A_129 : vector<16xi32>
      %sign3A_185 = arith.constant 0 : i32
      %sign3A_186 = vector.broadcast %sign3A_185 : i32 to vector<16xi32>
      %sign3A_187 = arith.cmpi sgt, %add3A_183, %sign3A_186 : vector<16xi32>
      %sign3A_188 = arith.extui %sign3A_187 : vector<16xi1> to vector<16xi32>
      %sign3A_189 = arith.constant 0 : i32
      %sign3A_190 = vector.broadcast %sign3A_189 : i32 to vector<16xi32>
      %sign3A_191 = arith.cmpi slt, %add3A_183, %sign3A_190 : vector<16xi32>
      %sign3A_192 = arith.extui %sign3A_191 : vector<16xi1> to vector<16xi32>
      %sign3A_193 = arith.subi %sign3A_188, %sign3A_192 : vector<16xi32>
      %sign3A_194 = arith.constant 0 : i32
      %sign3A_195 = vector.broadcast %sign3A_194 : i32 to vector<16xi32>
      %sign3A_196 = arith.cmpi sgt, %broadcast_in_dim3A_129, %sign3A_195 : vector<16xi32>
      %sign3A_197 = arith.extui %sign3A_196 : vector<16xi1> to vector<16xi32>
      %sign3A_198 = arith.constant 0 : i32
      %sign3A_199 = vector.broadcast %sign3A_198 : i32 to vector<16xi32>
      %sign3A_200 = arith.cmpi slt, %broadcast_in_dim3A_129, %sign3A_199 : vector<16xi32>
      %sign3A_201 = arith.extui %sign3A_200 : vector<16xi1> to vector<16xi32>
      %sign3A_202 = arith.subi %sign3A_197, %sign3A_201 : vector<16xi32>
      %ne3A_203 = arith.cmpi ne, %sign3A_193, %sign3A_202 : vector<16xi32>
      %rem3A_204 = arith.remsi %add3A_183, %broadcast_in_dim3A_129 : vector<16xi32>
      %ne3A_205 = arith.constant 0 : i32
      %ne3A_206 = vector.broadcast %ne3A_205 : i32 to vector<16xi32>
      %ne3A_207 = arith.cmpi ne, %rem3A_204, %ne3A_206 : vector<16xi32>
      %and3A_208 = arith.andi %ne3A_203, %ne3A_207 : vector<16xi1>
      %sub3A_209 = arith.constant 1 : i32
      %sub3A_210 = vector.broadcast %sub3A_209 : i32 to vector<16xi32>
      %sub3A_211 = arith.subi %div3A_184, %sub3A_210 : vector<16xi32>
      %select_n3A_212 = arith.select %and3A_208, %sub3A_211, %div3A_184 : vector<16xi1>, vector<16xi32>
      %add3A_213 = arith.addi %add3A_172, %select_n3A_212 : vector<16xi32>
      %ge3A_214 = arith.cmpi sge, %iota3A, %add3A_213 : vector<16xi32>
      %select_n3A_215 = arith.select %ge3A_214, %broadcast_in_dim3A_122, %broadcast_in_dim3A_120 : vector<16xi1>, vector<16xi32>
      %add3A_216 = arith.addi %add3A_174, %select_n3A_215 : vector<16xi32>
      %ge3A_217 = arith.cmpi sge, %add3A_142, %add3A_213 : vector<16xi32>
      %select_n3A_218 = arith.select %ge3A_217, %broadcast_in_dim3A_122, %broadcast_in_dim3A_120 : vector<16xi1>, vector<16xi32>
      %add3A_219 = arith.addi %add3A_177, %select_n3A_218 : vector<16xi32>
      %broadcast_in_dim3A_220 = arith.constant 2 : i32
      %broadcast_in_dim3A_221 = vector.broadcast %broadcast_in_dim3A_220 : i32 to vector<16xi32>
      %eq3A_222 = arith.cmpi eq, %iota3A, %broadcast_in_dim3A_221 : vector<16xi32>
      %mul3A_223 = arith.muli %add3A_213, %broadcast_in_dim3A_129 : vector<16xi32>
      %select_n3A_224 = arith.select %eq3A_222, %mul3A_223, %select_n3A_182 : vector<16xi1>, vector<16xi32>
      %add3A_225 = arith.addi %scan3A_126#2, %broadcast_in_dim3A_131 : vector<16xi32>
      %div3A_226 = arith.divsi %add3A_225, %broadcast_in_dim3A_129 : vector<16xi32>
      %sign3A_227 = arith.constant 0 : i32
      %sign3A_228 = vector.broadcast %sign3A_227 : i32 to vector<16xi32>
      %sign3A_229 = arith.cmpi sgt, %add3A_225, %sign3A_228 : vector<16xi32>
      %sign3A_230 = arith.extui %sign3A_229 : vector<16xi1> to vector<16xi32>
      %sign3A_231 = arith.constant 0 : i32
      %sign3A_232 = vector.broadcast %sign3A_231 : i32 to vector<16xi32>
      %sign3A_233 = arith.cmpi slt, %add3A_225, %sign3A_232 : vector<16xi32>
      %sign3A_234 = arith.extui %sign3A_233 : vector<16xi1> to vector<16xi32>
      %sign3A_235 = arith.subi %sign3A_230, %sign3A_234 : vector<16xi32>
      %sign3A_236 = arith.constant 0 : i32
      %sign3A_237 = vector.broadcast %sign3A_236 : i32 to vector<16xi32>
      %sign3A_238 = arith.cmpi sgt, %broadcast_in_dim3A_129, %sign3A_237 : vector<16xi32>
      %sign3A_239 = arith.extui %sign3A_238 : vector<16xi1> to vector<16xi32>
      %sign3A_240 = arith.constant 0 : i32
      %sign3A_241 = vector.broadcast %sign3A_240 : i32 to vector<16xi32>
      %sign3A_242 = arith.cmpi slt, %broadcast_in_dim3A_129, %sign3A_241 : vector<16xi32>
      %sign3A_243 = arith.extui %sign3A_242 : vector<16xi1> to vector<16xi32>
      %sign3A_244 = arith.subi %sign3A_239, %sign3A_243 : vector<16xi32>
      %ne3A_245 = arith.cmpi ne, %sign3A_235, %sign3A_244 : vector<16xi32>
      %rem3A_246 = arith.remsi %add3A_225, %broadcast_in_dim3A_129 : vector<16xi32>
      %ne3A_247 = arith.constant 0 : i32
      %ne3A_248 = vector.broadcast %ne3A_247 : i32 to vector<16xi32>
      %ne3A_249 = arith.cmpi ne, %rem3A_246, %ne3A_248 : vector<16xi32>
      %and3A_250 = arith.andi %ne3A_245, %ne3A_249 : vector<16xi1>
      %sub3A_251 = arith.constant 1 : i32
      %sub3A_252 = vector.broadcast %sub3A_251 : i32 to vector<16xi32>
      %sub3A_253 = arith.subi %div3A_226, %sub3A_252 : vector<16xi32>
      %select_n3A_254 = arith.select %and3A_250, %sub3A_253, %div3A_226 : vector<16xi1>, vector<16xi32>
      %add3A_255 = arith.addi %add3A_213, %select_n3A_254 : vector<16xi32>
      %ge3A_256 = arith.cmpi sge, %iota3A, %add3A_255 : vector<16xi32>
      %select_n3A_257 = arith.select %ge3A_256, %broadcast_in_dim3A_122, %broadcast_in_dim3A_120 : vector<16xi1>, vector<16xi32>
      %add3A_258 = arith.addi %add3A_216, %select_n3A_257 : vector<16xi32>
      %ge3A_259 = arith.cmpi sge, %add3A_142, %add3A_255 : vector<16xi32>
      %select_n3A_260 = arith.select %ge3A_259, %broadcast_in_dim3A_122, %broadcast_in_dim3A_120 : vector<16xi1>, vector<16xi32>
      %add3A_261 = arith.addi %add3A_219, %select_n3A_260 : vector<16xi32>
      %broadcast_in_dim3A_262 = arith.constant 3 : i32
      %broadcast_in_dim3A_263 = vector.broadcast %broadcast_in_dim3A_262 : i32 to vector<16xi32>
      %eq3A_264 = arith.cmpi eq, %iota3A, %broadcast_in_dim3A_263 : vector<16xi32>
      %mul3A_265 = arith.muli %add3A_255, %broadcast_in_dim3A_129 : vector<16xi32>
      %select_n3A_266 = arith.select %eq3A_264, %mul3A_265, %select_n3A_224 : vector<16xi1>, vector<16xi32>
      %add3A_267 = arith.addi %scan3A_126#3, %broadcast_in_dim3A_131 : vector<16xi32>
      %div3A_268 = arith.divsi %add3A_267, %broadcast_in_dim3A_129 : vector<16xi32>
      %sign3A_269 = arith.constant 0 : i32
      %sign3A_270 = vector.broadcast %sign3A_269 : i32 to vector<16xi32>
      %sign3A_271 = arith.cmpi sgt, %add3A_267, %sign3A_270 : vector<16xi32>
      %sign3A_272 = arith.extui %sign3A_271 : vector<16xi1> to vector<16xi32>
      %sign3A_273 = arith.constant 0 : i32
      %sign3A_274 = vector.broadcast %sign3A_273 : i32 to vector<16xi32>
      %sign3A_275 = arith.cmpi slt, %add3A_267, %sign3A_274 : vector<16xi32>
      %sign3A_276 = arith.extui %sign3A_275 : vector<16xi1> to vector<16xi32>
      %sign3A_277 = arith.subi %sign3A_272, %sign3A_276 : vector<16xi32>
      %sign3A_278 = arith.constant 0 : i32
      %sign3A_279 = vector.broadcast %sign3A_278 : i32 to vector<16xi32>
      %sign3A_280 = arith.cmpi sgt, %broadcast_in_dim3A_129, %sign3A_279 : vector<16xi32>
      %sign3A_281 = arith.extui %sign3A_280 : vector<16xi1> to vector<16xi32>
      %sign3A_282 = arith.constant 0 : i32
      %sign3A_283 = vector.broadcast %sign3A_282 : i32 to vector<16xi32>
      %sign3A_284 = arith.cmpi slt, %broadcast_in_dim3A_129, %sign3A_283 : vector<16xi32>
      %sign3A_285 = arith.extui %sign3A_284 : vector<16xi1> to vector<16xi32>
      %sign3A_286 = arith.subi %sign3A_281, %sign3A_285 : vector<16xi32>
      %ne3A_287 = arith.cmpi ne, %sign3A_277, %sign3A_286 : vector<16xi32>
      %rem3A_288 = arith.remsi %add3A_267, %broadcast_in_dim3A_129 : vector<16xi32>
      %ne3A_289 = arith.constant 0 : i32
      %ne3A_290 = vector.broadcast %ne3A_289 : i32 to vector<16xi32>
      %ne3A_291 = arith.cmpi ne, %rem3A_288, %ne3A_290 : vector<16xi32>
      %and3A_292 = arith.andi %ne3A_287, %ne3A_291 : vector<16xi1>
      %sub3A_293 = arith.constant 1 : i32
      %sub3A_294 = vector.broadcast %sub3A_293 : i32 to vector<16xi32>
      %sub3A_295 = arith.subi %div3A_268, %sub3A_294 : vector<16xi32>
      %select_n3A_296 = arith.select %and3A_292, %sub3A_295, %div3A_268 : vector<16xi1>, vector<16xi32>
      %add3A_297 = arith.addi %add3A_255, %select_n3A_296 : vector<16xi32>
      %ge3A_298 = arith.cmpi sge, %iota3A, %add3A_297 : vector<16xi32>
      %select_n3A_299 = arith.select %ge3A_298, %broadcast_in_dim3A_122, %broadcast_in_dim3A_120 : vector<16xi1>, vector<16xi32>
      %add3A_300 = arith.addi %add3A_258, %select_n3A_299 : vector<16xi32>
      %ge3A_301 = arith.cmpi sge, %add3A_142, %add3A_297 : vector<16xi32>
      %select_n3A_302 = arith.select %ge3A_301, %broadcast_in_dim3A_122, %broadcast_in_dim3A_120 : vector<16xi1>, vector<16xi32>
      %add3A_303 = arith.addi %add3A_261, %select_n3A_302 : vector<16xi32>
      %broadcast_in_dim3A_304 = arith.constant 4 : i32
      %broadcast_in_dim3A_305 = vector.broadcast %broadcast_in_dim3A_304 : i32 to vector<16xi32>
      %eq3A_306 = arith.cmpi eq, %iota3A, %broadcast_in_dim3A_305 : vector<16xi32>
      %mul3A_307 = arith.muli %add3A_297, %broadcast_in_dim3A_129 : vector<16xi32>
      %select_n3A_308 = arith.select %eq3A_306, %mul3A_307, %select_n3A_266 : vector<16xi1>, vector<16xi32>
      %add3A_309 = arith.addi %scan3A_126#4, %broadcast_in_dim3A_131 : vector<16xi32>
      %div3A_310 = arith.divsi %add3A_309, %broadcast_in_dim3A_129 : vector<16xi32>
      %sign3A_311 = arith.constant 0 : i32
      %sign3A_312 = vector.broadcast %sign3A_311 : i32 to vector<16xi32>
      %sign3A_313 = arith.cmpi sgt, %add3A_309, %sign3A_312 : vector<16xi32>
      %sign3A_314 = arith.extui %sign3A_313 : vector<16xi1> to vector<16xi32>
      %sign3A_315 = arith.constant 0 : i32
      %sign3A_316 = vector.broadcast %sign3A_315 : i32 to vector<16xi32>
      %sign3A_317 = arith.cmpi slt, %add3A_309, %sign3A_316 : vector<16xi32>
      %sign3A_318 = arith.extui %sign3A_317 : vector<16xi1> to vector<16xi32>
      %sign3A_319 = arith.subi %sign3A_314, %sign3A_318 : vector<16xi32>
      %sign3A_320 = arith.constant 0 : i32
      %sign3A_321 = vector.broadcast %sign3A_320 : i32 to vector<16xi32>
      %sign3A_322 = arith.cmpi sgt, %broadcast_in_dim3A_129, %sign3A_321 : vector<16xi32>
      %sign3A_323 = arith.extui %sign3A_322 : vector<16xi1> to vector<16xi32>
      %sign3A_324 = arith.constant 0 : i32
      %sign3A_325 = vector.broadcast %sign3A_324 : i32 to vector<16xi32>
      %sign3A_326 = arith.cmpi slt, %broadcast_in_dim3A_129, %sign3A_325 : vector<16xi32>
      %sign3A_327 = arith.extui %sign3A_326 : vector<16xi1> to vector<16xi32>
      %sign3A_328 = arith.subi %sign3A_323, %sign3A_327 : vector<16xi32>
      %ne3A_329 = arith.cmpi ne, %sign3A_319, %sign3A_328 : vector<16xi32>
      %rem3A_330 = arith.remsi %add3A_309, %broadcast_in_dim3A_129 : vector<16xi32>
      %ne3A_331 = arith.constant 0 : i32
      %ne3A_332 = vector.broadcast %ne3A_331 : i32 to vector<16xi32>
      %ne3A_333 = arith.cmpi ne, %rem3A_330, %ne3A_332 : vector<16xi32>
      %and3A_334 = arith.andi %ne3A_329, %ne3A_333 : vector<16xi1>
      %sub3A_335 = arith.constant 1 : i32
      %sub3A_336 = vector.broadcast %sub3A_335 : i32 to vector<16xi32>
      %sub3A_337 = arith.subi %div3A_310, %sub3A_336 : vector<16xi32>
      %select_n3A_338 = arith.select %and3A_334, %sub3A_337, %div3A_310 : vector<16xi1>, vector<16xi32>
      %add3A_339 = arith.addi %add3A_297, %select_n3A_338 : vector<16xi32>
      %ge3A_340 = arith.cmpi sge, %iota3A, %add3A_339 : vector<16xi32>
      %select_n3A_341 = arith.select %ge3A_340, %broadcast_in_dim3A_122, %broadcast_in_dim3A_120 : vector<16xi1>, vector<16xi32>
      %add3A_342 = arith.addi %add3A_300, %select_n3A_341 : vector<16xi32>
      %ge3A_343 = arith.cmpi sge, %add3A_142, %add3A_339 : vector<16xi32>
      %select_n3A_344 = arith.select %ge3A_343, %broadcast_in_dim3A_122, %broadcast_in_dim3A_120 : vector<16xi1>, vector<16xi32>
      %add3A_345 = arith.addi %add3A_303, %select_n3A_344 : vector<16xi32>
      %broadcast_in_dim3A_346 = arith.constant 5 : i32
      %broadcast_in_dim3A_347 = vector.broadcast %broadcast_in_dim3A_346 : i32 to vector<16xi32>
      %eq3A_348 = arith.cmpi eq, %iota3A, %broadcast_in_dim3A_347 : vector<16xi32>
      %mul3A_349 = arith.muli %add3A_339, %broadcast_in_dim3A_129 : vector<16xi32>
      %select_n3A_350 = arith.select %eq3A_348, %mul3A_349, %select_n3A_308 : vector<16xi1>, vector<16xi32>
      %add3A_351 = arith.addi %scan3A_126#5, %broadcast_in_dim3A_131 : vector<16xi32>
      %div3A_352 = arith.divsi %add3A_351, %broadcast_in_dim3A_129 : vector<16xi32>
      %sign3A_353 = arith.constant 0 : i32
      %sign3A_354 = vector.broadcast %sign3A_353 : i32 to vector<16xi32>
      %sign3A_355 = arith.cmpi sgt, %add3A_351, %sign3A_354 : vector<16xi32>
      %sign3A_356 = arith.extui %sign3A_355 : vector<16xi1> to vector<16xi32>
      %sign3A_357 = arith.constant 0 : i32
      %sign3A_358 = vector.broadcast %sign3A_357 : i32 to vector<16xi32>
      %sign3A_359 = arith.cmpi slt, %add3A_351, %sign3A_358 : vector<16xi32>
      %sign3A_360 = arith.extui %sign3A_359 : vector<16xi1> to vector<16xi32>
      %sign3A_361 = arith.subi %sign3A_356, %sign3A_360 : vector<16xi32>
      %sign3A_362 = arith.constant 0 : i32
      %sign3A_363 = vector.broadcast %sign3A_362 : i32 to vector<16xi32>
      %sign3A_364 = arith.cmpi sgt, %broadcast_in_dim3A_129, %sign3A_363 : vector<16xi32>
      %sign3A_365 = arith.extui %sign3A_364 : vector<16xi1> to vector<16xi32>
      %sign3A_366 = arith.constant 0 : i32
      %sign3A_367 = vector.broadcast %sign3A_366 : i32 to vector<16xi32>
      %sign3A_368 = arith.cmpi slt, %broadcast_in_dim3A_129, %sign3A_367 : vector<16xi32>
      %sign3A_369 = arith.extui %sign3A_368 : vector<16xi1> to vector<16xi32>
      %sign3A_370 = arith.subi %sign3A_365, %sign3A_369 : vector<16xi32>
      %ne3A_371 = arith.cmpi ne, %sign3A_361, %sign3A_370 : vector<16xi32>
      %rem3A_372 = arith.remsi %add3A_351, %broadcast_in_dim3A_129 : vector<16xi32>
      %ne3A_373 = arith.constant 0 : i32
      %ne3A_374 = vector.broadcast %ne3A_373 : i32 to vector<16xi32>
      %ne3A_375 = arith.cmpi ne, %rem3A_372, %ne3A_374 : vector<16xi32>
      %and3A_376 = arith.andi %ne3A_371, %ne3A_375 : vector<16xi1>
      %sub3A_377 = arith.constant 1 : i32
      %sub3A_378 = vector.broadcast %sub3A_377 : i32 to vector<16xi32>
      %sub3A_379 = arith.subi %div3A_352, %sub3A_378 : vector<16xi32>
      %select_n3A_380 = arith.select %and3A_376, %sub3A_379, %div3A_352 : vector<16xi1>, vector<16xi32>
      %add3A_381 = arith.addi %add3A_339, %select_n3A_380 : vector<16xi32>
      %ge3A_382 = arith.cmpi sge, %iota3A, %add3A_381 : vector<16xi32>
      %select_n3A_383 = arith.select %ge3A_382, %broadcast_in_dim3A_122, %broadcast_in_dim3A_120 : vector<16xi1>, vector<16xi32>
      %add3A_384 = arith.addi %add3A_342, %select_n3A_383 : vector<16xi32>
      %ge3A_385 = arith.cmpi sge, %add3A_142, %add3A_381 : vector<16xi32>
      %select_n3A_386 = arith.select %ge3A_385, %broadcast_in_dim3A_122, %broadcast_in_dim3A_120 : vector<16xi1>, vector<16xi32>
      %add3A_387 = arith.addi %add3A_345, %select_n3A_386 : vector<16xi32>
      %broadcast_in_dim3A_388 = arith.constant 6 : i32
      %broadcast_in_dim3A_389 = vector.broadcast %broadcast_in_dim3A_388 : i32 to vector<16xi32>
      %eq3A_390 = arith.cmpi eq, %iota3A, %broadcast_in_dim3A_389 : vector<16xi32>
      %mul3A_391 = arith.muli %add3A_381, %broadcast_in_dim3A_129 : vector<16xi32>
      %select_n3A_392 = arith.select %eq3A_390, %mul3A_391, %select_n3A_350 : vector<16xi1>, vector<16xi32>
      %add3A_393 = arith.addi %scan3A_126#6, %broadcast_in_dim3A_131 : vector<16xi32>
      %div3A_394 = arith.divsi %add3A_393, %broadcast_in_dim3A_129 : vector<16xi32>
      %sign3A_395 = arith.constant 0 : i32
      %sign3A_396 = vector.broadcast %sign3A_395 : i32 to vector<16xi32>
      %sign3A_397 = arith.cmpi sgt, %add3A_393, %sign3A_396 : vector<16xi32>
      %sign3A_398 = arith.extui %sign3A_397 : vector<16xi1> to vector<16xi32>
      %sign3A_399 = arith.constant 0 : i32
      %sign3A_400 = vector.broadcast %sign3A_399 : i32 to vector<16xi32>
      %sign3A_401 = arith.cmpi slt, %add3A_393, %sign3A_400 : vector<16xi32>
      %sign3A_402 = arith.extui %sign3A_401 : vector<16xi1> to vector<16xi32>
      %sign3A_403 = arith.subi %sign3A_398, %sign3A_402 : vector<16xi32>
      %sign3A_404 = arith.constant 0 : i32
      %sign3A_405 = vector.broadcast %sign3A_404 : i32 to vector<16xi32>
      %sign3A_406 = arith.cmpi sgt, %broadcast_in_dim3A_129, %sign3A_405 : vector<16xi32>
      %sign3A_407 = arith.extui %sign3A_406 : vector<16xi1> to vector<16xi32>
      %sign3A_408 = arith.constant 0 : i32
      %sign3A_409 = vector.broadcast %sign3A_408 : i32 to vector<16xi32>
      %sign3A_410 = arith.cmpi slt, %broadcast_in_dim3A_129, %sign3A_409 : vector<16xi32>
      %sign3A_411 = arith.extui %sign3A_410 : vector<16xi1> to vector<16xi32>
      %sign3A_412 = arith.subi %sign3A_407, %sign3A_411 : vector<16xi32>
      %ne3A_413 = arith.cmpi ne, %sign3A_403, %sign3A_412 : vector<16xi32>
      %rem3A_414 = arith.remsi %add3A_393, %broadcast_in_dim3A_129 : vector<16xi32>
      %ne3A_415 = arith.constant 0 : i32
      %ne3A_416 = vector.broadcast %ne3A_415 : i32 to vector<16xi32>
      %ne3A_417 = arith.cmpi ne, %rem3A_414, %ne3A_416 : vector<16xi32>
      %and3A_418 = arith.andi %ne3A_413, %ne3A_417 : vector<16xi1>
      %sub3A_419 = arith.constant 1 : i32
      %sub3A_420 = vector.broadcast %sub3A_419 : i32 to vector<16xi32>
      %sub3A_421 = arith.subi %div3A_394, %sub3A_420 : vector<16xi32>
      %select_n3A_422 = arith.select %and3A_418, %sub3A_421, %div3A_394 : vector<16xi1>, vector<16xi32>
      %add3A_423 = arith.addi %add3A_381, %select_n3A_422 : vector<16xi32>
      %ge3A_424 = arith.cmpi sge, %iota3A, %add3A_423 : vector<16xi32>
      %select_n3A_425 = arith.select %ge3A_424, %broadcast_in_dim3A_122, %broadcast_in_dim3A_120 : vector<16xi1>, vector<16xi32>
      %add3A_426 = arith.addi %add3A_384, %select_n3A_425 : vector<16xi32>
      %ge3A_427 = arith.cmpi sge, %add3A_142, %add3A_423 : vector<16xi32>
      %select_n3A_428 = arith.select %ge3A_427, %broadcast_in_dim3A_122, %broadcast_in_dim3A_120 : vector<16xi1>, vector<16xi32>
      %add3A_429 = arith.addi %add3A_387, %select_n3A_428 : vector<16xi32>
      %broadcast_in_dim3A_430 = arith.constant 7 : i32
      %broadcast_in_dim3A_431 = vector.broadcast %broadcast_in_dim3A_430 : i32 to vector<16xi32>
      %eq3A_432 = arith.cmpi eq, %iota3A, %broadcast_in_dim3A_431 : vector<16xi32>
      %mul3A_433 = arith.muli %add3A_423, %broadcast_in_dim3A_129 : vector<16xi32>
      %select_n3A_434 = arith.select %eq3A_432, %mul3A_433, %select_n3A_392 : vector<16xi1>, vector<16xi32>
      %add3A_435 = arith.addi %scan3A_126#7, %broadcast_in_dim3A_131 : vector<16xi32>
      %div3A_436 = arith.divsi %add3A_435, %broadcast_in_dim3A_129 : vector<16xi32>
      %sign3A_437 = arith.constant 0 : i32
      %sign3A_438 = vector.broadcast %sign3A_437 : i32 to vector<16xi32>
      %sign3A_439 = arith.cmpi sgt, %add3A_435, %sign3A_438 : vector<16xi32>
      %sign3A_440 = arith.extui %sign3A_439 : vector<16xi1> to vector<16xi32>
      %sign3A_441 = arith.constant 0 : i32
      %sign3A_442 = vector.broadcast %sign3A_441 : i32 to vector<16xi32>
      %sign3A_443 = arith.cmpi slt, %add3A_435, %sign3A_442 : vector<16xi32>
      %sign3A_444 = arith.extui %sign3A_443 : vector<16xi1> to vector<16xi32>
      %sign3A_445 = arith.subi %sign3A_440, %sign3A_444 : vector<16xi32>
      %sign3A_446 = arith.constant 0 : i32
      %sign3A_447 = vector.broadcast %sign3A_446 : i32 to vector<16xi32>
      %sign3A_448 = arith.cmpi sgt, %broadcast_in_dim3A_129, %sign3A_447 : vector<16xi32>
      %sign3A_449 = arith.extui %sign3A_448 : vector<16xi1> to vector<16xi32>
      %sign3A_450 = arith.constant 0 : i32
      %sign3A_451 = vector.broadcast %sign3A_450 : i32 to vector<16xi32>
      %sign3A_452 = arith.cmpi slt, %broadcast_in_dim3A_129, %sign3A_451 : vector<16xi32>
      %sign3A_453 = arith.extui %sign3A_452 : vector<16xi1> to vector<16xi32>
      %sign3A_454 = arith.subi %sign3A_449, %sign3A_453 : vector<16xi32>
      %ne3A_455 = arith.cmpi ne, %sign3A_445, %sign3A_454 : vector<16xi32>
      %rem3A_456 = arith.remsi %add3A_435, %broadcast_in_dim3A_129 : vector<16xi32>
      %ne3A_457 = arith.constant 0 : i32
      %ne3A_458 = vector.broadcast %ne3A_457 : i32 to vector<16xi32>
      %ne3A_459 = arith.cmpi ne, %rem3A_456, %ne3A_458 : vector<16xi32>
      %and3A_460 = arith.andi %ne3A_455, %ne3A_459 : vector<16xi1>
      %sub3A_461 = arith.constant 1 : i32
      %sub3A_462 = vector.broadcast %sub3A_461 : i32 to vector<16xi32>
      %sub3A_463 = arith.subi %div3A_436, %sub3A_462 : vector<16xi32>
      %select_n3A_464 = arith.select %and3A_460, %sub3A_463, %div3A_436 : vector<16xi1>, vector<16xi32>
      %add3A_465 = arith.addi %add3A_423, %select_n3A_464 : vector<16xi32>
      %ge3A_466 = arith.cmpi sge, %iota3A, %add3A_465 : vector<16xi32>
      %select_n3A_467 = arith.select %ge3A_466, %broadcast_in_dim3A_122, %broadcast_in_dim3A_120 : vector<16xi1>, vector<16xi32>
      %add3A_468 = arith.addi %add3A_426, %select_n3A_467 : vector<16xi32>
      %ge3A_469 = arith.cmpi sge, %add3A_142, %add3A_465 : vector<16xi32>
      %select_n3A_470 = arith.select %ge3A_469, %broadcast_in_dim3A_122, %broadcast_in_dim3A_120 : vector<16xi1>, vector<16xi32>
      %add3A_471 = arith.addi %add3A_429, %select_n3A_470 : vector<16xi32>
      %broadcast_in_dim3A_472 = arith.constant 7 : i32
      %broadcast_in_dim3A_473 = vector.broadcast %broadcast_in_dim3A_472 : i32 to vector<16xi32>
      %swap3A_474 = arith.constant 0 : index
      %swap3A_475 = tpu.vector_load %arg17[%swap3A_474] {strides = array<i32>} : memref<16xi32, #tpu.memory_space<vmem>>, vector<16xi32>,
      tpu.vector_store %arg17[%swap3A_474], %select_n3A_434 {strides = array<i32>} : memref<16xi32, #tpu.memory_space<vmem>>, vector<16xi32>,
      %min3A = arith.minsi %add3A_468, %broadcast_in_dim3A_473 : vector<16xi32>
      %swap3A_476 = arith.constant 0 : index
      %swap3A_477 = tpu.vector_load %arg18[%swap3A_476] {strides = array<i32>} : memref<32xi32, #tpu.memory_space<vmem>>, vector<16xi32>,
      tpu.vector_store %arg18[%swap3A_476], %min3A {strides = array<i32>} : memref<32xi32, #tpu.memory_space<vmem>>, vector<16xi32>,
      %min3A_478 = arith.minsi %add3A_471, %broadcast_in_dim3A_473 : vector<16xi32>
      %swap3A_479 = arith.constant 16 : index
      %swap3A_480 = tpu.vector_load %arg18[%swap3A_479] {strides = array<i32>} : memref<32xi32, #tpu.memory_space<vmem>>, vector<16xi32>,
      tpu.vector_store %arg18[%swap3A_479], %min3A_478 {strides = array<i32>} : memref<32xi32, #tpu.memory_space<vmem>>, vector<16xi32>,
      %swap3A_481 = arith.constant 0 : index
      %swap3A_482 = tpu.vector_load %arg19[%swap3A_481] {strides = array<i32>} : memref<16xi32, #tpu.memory_space<vmem>>, vector<16xi32>,
      tpu.vector_store %arg19[%swap3A_481], %add3A_465 {strides = array<i32>} : memref<16xi32, #tpu.memory_space<vmem>>, vector<16xi32>,
      %scan3A_483 = arith.constant 0 : i32
      %scan3A_484 = arith.constant 0 : i32
      %scan3A_485 = arith.constant 256 : i32
      %scan3A_486 = arith.addi %scan3A_484, %scan3A_485 : i32
      %scan3A_487 = arith.constant 1 : i32
      %scan3A_488 = scf.for %scan3A_495 = %scan3A_484 to %scan3A_486 step %scan3A_487 iter_args(%scan3A_496 = %scan3A_483) -> (i32)  : i32 {
        %mul3A_497 = arith.constant 16 : i32
        %mul3A_498 = arith.muli %scan3A_495, %mul3A_497 : i32
        %get3A_499 = arith.index_cast %mul3A_498 : i32 to index
        %get3A_500 = tpu.vector_load %arg11[%get3A_499] {strides = array<i32>} : memref<4096xi32, #tpu.memory_space<vmem>>, vector<16xi32>,
        %mul3A_501 = arith.constant 16 : i32
        %mul3A_502 = arith.muli %scan3A_495, %mul3A_501 : i32
        %get3A_503 = arith.index_cast %mul3A_502 : i32 to index
        %get3A_504 = tpu.vector_load %arg13[%get3A_503] {strides = array<i32>} : memref<4096xi32, #tpu.memory_space<vmem>>, vector<16xi32>,
        %mul3A_505 = arith.constant 16 : i32
        %mul3A_506 = arith.muli %scan3A_495, %mul3A_505 : i32
        %get3A_507 = arith.index_cast %mul3A_506 : i32 to index
        %get3A_508 = tpu.vector_load %arg12[%get3A_507] {strides = array<i32>} : memref<4096xf32, #tpu.memory_space<vmem>>, vector<16xf32>,
        %gather3A = tpu.vector_load_idx %arg17[%get3A_500] : memref<16xi32, #tpu.memory_space<vmem>>[vector<16xi32>], vector<16xi32>,
        %add3A_509 = arith.addi %gather3A, %get3A_504 : vector<16xi32>
        %mul3A_510 = arith.constant 16 : i32
        %mul3A_511 = arith.muli %scan3A_495, %mul3A_510 : i32
        %broadcast_in_dim3A_512 = vector.broadcast %mul3A_511 : i32 to vector<16xi32>
        %add3A_513 = arith.addi %broadcast_in_dim3A_512, %iota3A : vector<16xi32>
        %broadcast_in_dim3A_514 = arith.constant 2047 : i32
        %broadcast_in_dim3A_515 = vector.broadcast %broadcast_in_dim3A_514 : i32 to vector<16xi32>
        %and3A_516 = arith.andi %add3A_513, %broadcast_in_dim3A_515 : vector<16xi32>
        tpu.vector_store_idx %arg15[%add3A_509], %and3A_516 : memref<6144xi32, #tpu.memory_space<vmem>>[vector<16xi32>], vector<16xi32>,
        tpu.vector_store_idx %arg16[%add3A_509], %get3A_508 : memref<6144xf32, #tpu.memory_space<vmem>>[vector<16xi32>], vector<16xf32>,
        %mul3A_517 = arith.constant 16 : i32
        %mul3A_518 = arith.muli %scan3A_495, %mul3A_517 : i32
        %swap3A_519 = arith.index_cast %mul3A_518 : i32 to index
        %swap3A_520 = tpu.vector_load %arg14[%swap3A_519] {strides = array<i32>} : memref<4096xi32, #tpu.memory_space<vmem>>, vector<16xi32>,
        tpu.vector_store %arg14[%swap3A_519], %add3A_509 {strides = array<i32>} : memref<4096xi32, #tpu.memory_space<vmem>>, vector<16xi32>,
        %scan3A_521 = arith.constant 0 : i32
        scf.yield %scan3A_521 : i32
      }
      %scan3A_489 = arith.constant 256 : i32
      "tpu.region"() ({
        %run_scoped3A = tpu.sem_alloc : memref<!tpu.dma_semaphore, #tpu.memory_space<semaphore_mem>>
        tpu.enqueue_dma source(%arg15 : memref<6144xi32, #tpu.memory_space<vmem>>) target(%arg10 : memref<6144xi32, #tpu.memory_space<vmem_shared>>) target_semaphore(%run_scoped3A : memref<!tpu.dma_semaphore, #tpu.memory_space<semaphore_mem>>)
        tpu.wait_dma2 semaphore(%run_scoped3A : memref<!tpu.dma_semaphore, #tpu.memory_space<semaphore_mem>>) src(%arg15 : memref<6144xi32, #tpu.memory_space<vmem>>) dst(%arg10 : memref<6144xi32, #tpu.memory_space<vmem_shared>>)
        tpu.yield
      }) : () -> ()
      %eq3A_490 = arith.constant 0 : i32
      %eq3A_491 = arith.cmpi eq, %arg0, %eq3A_490 : i32
      %convert_element_type3A_492 = arith.extui %eq3A_491 : i1 to i32
      %cond3A_493 = arith.constant 0 : i32
      %cond3A_494 = arith.cmpi ne, %convert_element_type3A_492, %cond3A_493 : i32
      scf.if %cond3A_494 {
        "tpu.region"() ({
          %run_scoped3A = tpu.sem_alloc : memref<!tpu.dma_semaphore, #tpu.memory_space<semaphore_mem>>
          tpu.enqueue_dma source(%arg16 : memref<6144xf32, #tpu.memory_space<vmem>>) target(%arg6 : memref<6144xf32, #tpu.memory_space<hbm>>) target_semaphore(%run_scoped3A : memref<!tpu.dma_semaphore, #tpu.memory_space<semaphore_mem>>)
          tpu.wait_dma2 semaphore(%run_scoped3A : memref<!tpu.dma_semaphore, #tpu.memory_space<semaphore_mem>>) src(%arg16 : memref<6144xf32, #tpu.memory_space<vmem>>) dst(%arg6 : memref<6144xf32, #tpu.memory_space<hbm>>)
          tpu.yield
        }) : () -> ()
        "tpu.region"() ({
          %run_scoped3A = tpu.sem_alloc : memref<!tpu.dma_semaphore, #tpu.memory_space<semaphore_mem>>
          tpu.enqueue_dma source(%arg14 : memref<4096xi32, #tpu.memory_space<vmem>>) target(%arg8 : memref<4096xi32, #tpu.memory_space<hbm>>) target_semaphore(%run_scoped3A : memref<!tpu.dma_semaphore, #tpu.memory_space<semaphore_mem>>)
          tpu.wait_dma2 semaphore(%run_scoped3A : memref<!tpu.dma_semaphore, #tpu.memory_space<semaphore_mem>>) src(%arg14 : memref<4096xi32, #tpu.memory_space<vmem>>) dst(%arg8 : memref<4096xi32, #tpu.memory_space<hbm>>)
          tpu.yield
        }) : () -> ()
        "tpu.region"() ({
          %run_scoped3A = tpu.sem_alloc : memref<!tpu.dma_semaphore, #tpu.memory_space<semaphore_mem>>
          tpu.enqueue_dma source(%arg18 : memref<32xi32, #tpu.memory_space<vmem>>) target(%arg7 : memref<32xi32, #tpu.memory_space<hbm>>) target_semaphore(%run_scoped3A : memref<!tpu.dma_semaphore, #tpu.memory_space<semaphore_mem>>)
          tpu.wait_dma2 semaphore(%run_scoped3A : memref<!tpu.dma_semaphore, #tpu.memory_space<semaphore_mem>>) src(%arg18 : memref<32xi32, #tpu.memory_space<vmem>>) dst(%arg7 : memref<32xi32, #tpu.memory_space<hbm>>)
          tpu.yield
        }) : () -> ()
        "tpu.region"() ({
          %run_scoped3A = tpu.sem_alloc : memref<!tpu.dma_semaphore, #tpu.memory_space<semaphore_mem>>
          tpu.enqueue_dma source(%arg19 : memref<16xi32, #tpu.memory_space<vmem>>) target(%arg9 : memref<16xi32, #tpu.memory_space<hbm>>) target_semaphore(%run_scoped3A : memref<!tpu.dma_semaphore, #tpu.memory_space<semaphore_mem>>)
          tpu.wait_dma2 semaphore(%run_scoped3A : memref<!tpu.dma_semaphore, #tpu.memory_space<semaphore_mem>>) src(%arg19 : memref<16xi32, #tpu.memory_space<vmem>>) dst(%arg9 : memref<16xi32, #tpu.memory_space<hbm>>)
          tpu.yield
        }) : () -> ()
      } else {
      }
    } else {
    }
    %barrier3A = arith.constant 0 : index
    tpu.barrier barrier_id(%barrier3A)
    %mul3A = arith.constant 2 : i32
    %mul3A_2 = arith.muli %arg1, %mul3A : i32
    %add3A = arith.addi %mul3A_2, %arg0 : i32
    %mul3A_3 = arith.constant 192 : i32
    %mul3A_4 = arith.muli %add3A, %mul3A_3 : i32
    %broadcast_in_dim3A = arith.constant 2047 : i32
    %broadcast_in_dim3A_5 = vector.broadcast %broadcast_in_dim3A : i32 to vector<16xi32>
    "tpu.region"() ({
      %run_scoped3A = tpu.sem_alloc : memref<!tpu.dma_semaphore, #tpu.memory_space<semaphore_mem>>
      %dma_start3A_119 = tpu.memref_slice %arg10[%mul3A_4] : memref<6144xi32, #tpu.memory_space<vmem_shared>> -> memref<192xi32, #tpu.memory_space<vmem_shared>>
      %dma_start3A_120 = tpu.memref_slice %arg10[%mul3A_4] : memref<6144xi32, #tpu.memory_space<vmem_shared>> -> memref<192xi32, #tpu.memory_space<vmem_shared>>
      tpu.enqueue_dma source(%dma_start3A_120 : memref<192xi32, #tpu.memory_space<vmem_shared>>) target(%arg20 : memref<192xi32, #tpu.memory_space<vmem>>) target_semaphore(%run_scoped3A : memref<!tpu.dma_semaphore, #tpu.memory_space<semaphore_mem>>)
      %dma_wait3A_121 = tpu.memref_slice %arg10[%mul3A_4] : memref<6144xi32, #tpu.memory_space<vmem_shared>> -> memref<192xi32, #tpu.memory_space<vmem_shared>>
      %dma_wait3A_122 = tpu.memref_slice %arg10[%mul3A_4] : memref<6144xi32, #tpu.memory_space<vmem_shared>> -> memref<192xi32, #tpu.memory_space<vmem_shared>>
      tpu.wait_dma2 semaphore(%run_scoped3A : memref<!tpu.dma_semaphore, #tpu.memory_space<semaphore_mem>>) src(%dma_wait3A_122 : memref<192xi32, #tpu.memory_space<vmem_shared>>) dst(%arg20 : memref<192xi32, #tpu.memory_space<vmem>>)
      tpu.yield
    }) : () -> ()
    %get3A = arith.constant 0 : index
    %get3A_6 = tpu.vector_load %arg20[%get3A] {strides = array<i32>} : memref<192xi32, #tpu.memory_space<vmem>>, vector<16xi32>,
    %and3A = arith.andi %get3A_6, %broadcast_in_dim3A_5 : vector<16xi32>
    %swap3A = arith.constant 0 : index
    %swap3A_7 = tpu.vector_load %arg20[%swap3A] {strides = array<i32>} : memref<192xi32, #tpu.memory_space<vmem>>, vector<16xi32>,
    tpu.vector_store %arg20[%swap3A], %and3A {strides = array<i32>} : memref<192xi32, #tpu.memory_space<vmem>>, vector<16xi32>,
    %get3A_8 = arith.constant 16 : index
    %get3A_9 = tpu.vector_load %arg20[%get3A_8] {strides = array<i32>} : memref<192xi32, #tpu.memory_space<vmem>>, vector<16xi32>,
    %and3A_10 = arith.andi %get3A_9, %broadcast_in_dim3A_5 : vector<16xi32>
    %swap3A_11 = arith.constant 16 : index
    %swap3A_12 = tpu.vector_load %arg20[%swap3A_11] {strides = array<i32>} : memref<192xi32, #tpu.memory_space<vmem>>, vector<16xi32>,
    tpu.vector_store %arg20[%swap3A_11], %and3A_10 {strides = array<i32>} : memref<192xi32, #tpu.memory_space<vmem>>, vector<16xi32>,
    %get3A_13 = arith.constant 32 : index
    %get3A_14 = tpu.vector_load %arg20[%get3A_13] {strides = array<i32>} : memref<192xi32, #tpu.memory_space<vmem>>, vector<16xi32>,
    %and3A_15 = arith.andi %get3A_14, %broadcast_in_dim3A_5 : vector<16xi32>
    %swap3A_16 = arith.constant 32 : index
    %swap3A_17 = tpu.vector_load %arg20[%swap3A_16] {strides = array<i32>} : memref<192xi32, #tpu.memory_space<vmem>>, vector<16xi32>,
    tpu.vector_store %arg20[%swap3A_16], %and3A_15 {strides = array<i32>} : memref<192xi32, #tpu.memory_space<vmem>>, vector<16xi32>,
    %get3A_18 = arith.constant 48 : index
    %get3A_19 = tpu.vector_load %arg20[%get3A_18] {strides = array<i32>} : memref<192xi32, #tpu.memory_space<vmem>>, vector<16xi32>,
    %and3A_20 = arith.andi %get3A_19, %broadcast_in_dim3A_5 : vector<16xi32>
    %swap3A_21 = arith.constant 48 : index
    %swap3A_22 = tpu.vector_load %arg20[%swap3A_21] {strides = array<i32>} : memref<192xi32, #tpu.memory_space<vmem>>, vector<16xi32>,
    tpu.vector_store %arg20[%swap3A_21], %and3A_20 {strides = array<i32>} : memref<192xi32, #tpu.memory_space<vmem>>, vector<16xi32>,
    %get3A_23 = arith.constant 64 : index
    %get3A_24 = tpu.vector_load %arg20[%get3A_23] {strides = array<i32>} : memref<192xi32, #tpu.memory_space<vmem>>, vector<16xi32>,
    %and3A_25 = arith.andi %get3A_24, %broadcast_in_dim3A_5 : vector<16xi32>
    %swap3A_26 = arith.constant 64 : index
    %swap3A_27 = tpu.vector_load %arg20[%swap3A_26] {strides = array<i32>} : memref<192xi32, #tpu.memory_space<vmem>>, vector<16xi32>,
    tpu.vector_store %arg20[%swap3A_26], %and3A_25 {strides = array<i32>} : memref<192xi32, #tpu.memory_space<vmem>>, vector<16xi32>,
    %get3A_28 = arith.constant 80 : index
    %get3A_29 = tpu.vector_load %arg20[%get3A_28] {strides = array<i32>} : memref<192xi32, #tpu.memory_space<vmem>>, vector<16xi32>,
    %and3A_30 = arith.andi %get3A_29, %broadcast_in_dim3A_5 : vector<16xi32>
    %swap3A_31 = arith.constant 80 : index
    %swap3A_32 = tpu.vector_load %arg20[%swap3A_31] {strides = array<i32>} : memref<192xi32, #tpu.memory_space<vmem>>, vector<16xi32>,
    tpu.vector_store %arg20[%swap3A_31], %and3A_30 {strides = array<i32>} : memref<192xi32, #tpu.memory_space<vmem>>, vector<16xi32>,
    %get3A_33 = arith.constant 96 : index
    %get3A_34 = tpu.vector_load %arg20[%get3A_33] {strides = array<i32>} : memref<192xi32, #tpu.memory_space<vmem>>, vector<16xi32>,
    %and3A_35 = arith.andi %get3A_34, %broadcast_in_dim3A_5 : vector<16xi32>
    %swap3A_36 = arith.constant 96 : index
    %swap3A_37 = tpu.vector_load %arg20[%swap3A_36] {strides = array<i32>} : memref<192xi32, #tpu.memory_space<vmem>>, vector<16xi32>,
    tpu.vector_store %arg20[%swap3A_36], %and3A_35 {strides = array<i32>} : memref<192xi32, #tpu.memory_space<vmem>>, vector<16xi32>,
    %get3A_38 = arith.constant 112 : index
    %get3A_39 = tpu.vector_load %arg20[%get3A_38] {strides = array<i32>} : memref<192xi32, #tpu.memory_space<vmem>>, vector<16xi32>,
    %and3A_40 = arith.andi %get3A_39, %broadcast_in_dim3A_5 : vector<16xi32>
    %swap3A_41 = arith.constant 112 : index
    %swap3A_42 = tpu.vector_load %arg20[%swap3A_41] {strides = array<i32>} : memref<192xi32, #tpu.memory_space<vmem>>, vector<16xi32>,
    tpu.vector_store %arg20[%swap3A_41], %and3A_40 {strides = array<i32>} : memref<192xi32, #tpu.memory_space<vmem>>, vector<16xi32>,
    %get3A_43 = arith.constant 128 : index
    %get3A_44 = tpu.vector_load %arg20[%get3A_43] {strides = array<i32>} : memref<192xi32, #tpu.memory_space<vmem>>, vector<16xi32>,
    %and3A_45 = arith.andi %get3A_44, %broadcast_in_dim3A_5 : vector<16xi32>
    %swap3A_46 = arith.constant 128 : index
    %swap3A_47 = tpu.vector_load %arg20[%swap3A_46] {strides = array<i32>} : memref<192xi32, #tpu.memory_space<vmem>>, vector<16xi32>,
    tpu.vector_store %arg20[%swap3A_46], %and3A_45 {strides = array<i32>} : memref<192xi32, #tpu.memory_space<vmem>>, vector<16xi32>,
    %get3A_48 = arith.constant 144 : index
    %get3A_49 = tpu.vector_load %arg20[%get3A_48] {strides = array<i32>} : memref<192xi32, #tpu.memory_space<vmem>>, vector<16xi32>,
    %and3A_50 = arith.andi %get3A_49, %broadcast_in_dim3A_5 : vector<16xi32>
    %swap3A_51 = arith.constant 144 : index
    %swap3A_52 = tpu.vector_load %arg20[%swap3A_51] {strides = array<i32>} : memref<192xi32, #tpu.memory_space<vmem>>, vector<16xi32>,
    tpu.vector_store %arg20[%swap3A_51], %and3A_50 {strides = array<i32>} : memref<192xi32, #tpu.memory_space<vmem>>, vector<16xi32>,
    %get3A_53 = arith.constant 160 : index
    %get3A_54 = tpu.vector_load %arg20[%get3A_53] {strides = array<i32>} : memref<192xi32, #tpu.memory_space<vmem>>, vector<16xi32>,
    %and3A_55 = arith.andi %get3A_54, %broadcast_in_dim3A_5 : vector<16xi32>
    %swap3A_56 = arith.constant 160 : index
    %swap3A_57 = tpu.vector_load %arg20[%swap3A_56] {strides = array<i32>} : memref<192xi32, #tpu.memory_space<vmem>>, vector<16xi32>,
    tpu.vector_store %arg20[%swap3A_56], %and3A_55 {strides = array<i32>} : memref<192xi32, #tpu.memory_space<vmem>>, vector<16xi32>,
    %get3A_58 = arith.constant 176 : index
    %get3A_59 = tpu.vector_load %arg20[%get3A_58] {strides = array<i32>} : memref<192xi32, #tpu.memory_space<vmem>>, vector<16xi32>,
    %and3A_60 = arith.andi %get3A_59, %broadcast_in_dim3A_5 : vector<16xi32>
    %swap3A_61 = arith.constant 176 : index
    %swap3A_62 = tpu.vector_load %arg20[%swap3A_61] {strides = array<i32>} : memref<192xi32, #tpu.memory_space<vmem>>, vector<16xi32>,
    tpu.vector_store %arg20[%swap3A_61], %and3A_60 {strides = array<i32>} : memref<192xi32, #tpu.memory_space<vmem>>, vector<16xi32>,
    %dma_start3A = arith.constant 0 : i32
    %dma_start3A_63 = tpu.memref_slice %arg20[%dma_start3A] : memref<192xi32, #tpu.memory_space<vmem>> -> memref<64xi32, #tpu.memory_space<vmem>>
    %dma_start3A_64 = arith.constant 0 : i32
    %dma_start3A_65 = arith.constant 0 : i32
    %dma_start3A_66 = tpu.memref_slice %arg4[%dma_start3A_64, %dma_start3A_65] : memref<2048x768xf32, #tpu.memory_space<hbm>> -> memref<2048x768xf32, #tpu.memory_space<hbm>>
    tpu.enqueue_indirect_dma source(%dma_start3A_66 : memref<2048x768xf32, #tpu.memory_space<hbm>>) target(%arg21 : memref<64x768xf32, #tpu.memory_space<vmem>>) offsets(%dma_start3A_63 : memref<64xi32, #tpu.memory_space<vmem>>) semaphore(%arg23 : memref<!tpu.dma_semaphore, #tpu.memory_space<semaphore_mem>>)
    %dma_start3A_67 = arith.constant 64 : i32
    %dma_start3A_68 = tpu.memref_slice %arg20[%dma_start3A_67] : memref<192xi32, #tpu.memory_space<vmem>> -> memref<64xi32, #tpu.memory_space<vmem>>
    %dma_start3A_69 = arith.constant 0 : i32
    %dma_start3A_70 = arith.constant 0 : i32
    %dma_start3A_71 = tpu.memref_slice %arg4[%dma_start3A_69, %dma_start3A_70] : memref<2048x768xf32, #tpu.memory_space<hbm>> -> memref<2048x768xf32, #tpu.memory_space<hbm>>
    tpu.enqueue_indirect_dma source(%dma_start3A_71 : memref<2048x768xf32, #tpu.memory_space<hbm>>) target(%arg22 : memref<64x768xf32, #tpu.memory_space<vmem>>) offsets(%dma_start3A_68 : memref<64xi32, #tpu.memory_space<vmem>>) semaphore(%arg24 : memref<!tpu.dma_semaphore, #tpu.memory_space<semaphore_mem>>)
    %dma_wait3A = arith.constant 0 : i32
    %dma_wait3A_72 = tpu.memref_slice %arg20[%dma_wait3A] : memref<192xi32, #tpu.memory_space<vmem>> -> memref<64xi32, #tpu.memory_space<vmem>>
    %dma_wait3A_73 = arith.constant 0 : i32
    %dma_wait3A_74 = arith.constant 0 : i32
    %dma_wait3A_75 = tpu.memref_slice %arg4[%dma_wait3A_73, %dma_wait3A_74] : memref<2048x768xf32, #tpu.memory_space<hbm>> -> memref<2048x768xf32, #tpu.memory_space<hbm>>
    tpu.wait_indirect_dma semaphore(%arg23 : memref<!tpu.dma_semaphore, #tpu.memory_space<semaphore_mem>>) src(%dma_wait3A_75 : memref<2048x768xf32, #tpu.memory_space<hbm>>) dst(%arg21 : memref<64x768xf32, #tpu.memory_space<vmem>>)
    %dma_start3A_76 = arith.constant 0 : i32
    %dma_start3A_77 = tpu.memref_slice %arg5[%mul3A_4, %dma_start3A_76] : memref<6144x768xf32, #tpu.memory_space<hbm>> -> memref<64x768xf32, #tpu.memory_space<hbm>>
    %dma_start3A_78 = arith.constant 0 : i32
    %dma_start3A_79 = tpu.memref_slice %arg5[%mul3A_4, %dma_start3A_78] : memref<6144x768xf32, #tpu.memory_space<hbm>> -> memref<64x768xf32, #tpu.memory_space<hbm>>
    tpu.enqueue_dma source(%arg21 : memref<64x768xf32, #tpu.memory_space<vmem>>) target(%dma_start3A_79 : memref<64x768xf32, #tpu.memory_space<hbm>>) target_semaphore(%arg25 : memref<!tpu.dma_semaphore, #tpu.memory_space<semaphore_mem>>)
    %dma_wait3A_80 = arith.constant 64 : i32
    %dma_wait3A_81 = tpu.memref_slice %arg20[%dma_wait3A_80] : memref<192xi32, #tpu.memory_space<vmem>> -> memref<64xi32, #tpu.memory_space<vmem>>
    %dma_wait3A_82 = arith.constant 0 : i32
    %dma_wait3A_83 = arith.constant 0 : i32
    %dma_wait3A_84 = tpu.memref_slice %arg4[%dma_wait3A_82, %dma_wait3A_83] : memref<2048x768xf32, #tpu.memory_space<hbm>> -> memref<2048x768xf32, #tpu.memory_space<hbm>>
    tpu.wait_indirect_dma semaphore(%arg24 : memref<!tpu.dma_semaphore, #tpu.memory_space<semaphore_mem>>) src(%dma_wait3A_84 : memref<2048x768xf32, #tpu.memory_space<hbm>>) dst(%arg22 : memref<64x768xf32, #tpu.memory_space<vmem>>)
    %add3A_85 = arith.constant 64 : i32
    %add3A_86 = arith.addi %mul3A_4, %add3A_85 : i32
    %dma_start3A_87 = arith.constant 0 : i32
    %dma_start3A_88 = tpu.memref_slice %arg5[%add3A_86, %dma_start3A_87] : memref<6144x768xf32, #tpu.memory_space<hbm>> -> memref<64x768xf32, #tpu.memory_space<hbm>>
    %dma_start3A_89 = arith.constant 0 : i32
    %dma_start3A_90 = tpu.memref_slice %arg5[%add3A_86, %dma_start3A_89] : memref<6144x768xf32, #tpu.memory_space<hbm>> -> memref<64x768xf32, #tpu.memory_space<hbm>>
    tpu.enqueue_dma source(%arg22 : memref<64x768xf32, #tpu.memory_space<vmem>>) target(%dma_start3A_90 : memref<64x768xf32, #tpu.memory_space<hbm>>) target_semaphore(%arg26 : memref<!tpu.dma_semaphore, #tpu.memory_space<semaphore_mem>>)
    %dma_wait3A_91 = arith.constant 0 : i32
    %dma_wait3A_92 = tpu.memref_slice %arg5[%mul3A_4, %dma_wait3A_91] : memref<6144x768xf32, #tpu.memory_space<hbm>> -> memref<64x768xf32, #tpu.memory_space<hbm>>
    %dma_wait3A_93 = arith.constant 0 : i32
    %dma_wait3A_94 = tpu.memref_slice %arg5[%mul3A_4, %dma_wait3A_93] : memref<6144x768xf32, #tpu.memory_space<hbm>> -> memref<64x768xf32, #tpu.memory_space<hbm>>
    tpu.wait_dma2 semaphore(%arg25 : memref<!tpu.dma_semaphore, #tpu.memory_space<semaphore_mem>>) src(%arg21 : memref<64x768xf32, #tpu.memory_space<vmem>>) dst(%dma_wait3A_94 : memref<64x768xf32, #tpu.memory_space<hbm>>)
    %dma_start3A_95 = arith.constant 128 : i32
    %dma_start3A_96 = tpu.memref_slice %arg20[%dma_start3A_95] : memref<192xi32, #tpu.memory_space<vmem>> -> memref<64xi32, #tpu.memory_space<vmem>>
    %dma_start3A_97 = arith.constant 0 : i32
    %dma_start3A_98 = arith.constant 0 : i32
    %dma_start3A_99 = tpu.memref_slice %arg4[%dma_start3A_97, %dma_start3A_98] : memref<2048x768xf32, #tpu.memory_space<hbm>> -> memref<2048x768xf32, #tpu.memory_space<hbm>>
    tpu.enqueue_indirect_dma source(%dma_start3A_99 : memref<2048x768xf32, #tpu.memory_space<hbm>>) target(%arg21 : memref<64x768xf32, #tpu.memory_space<vmem>>) offsets(%dma_start3A_96 : memref<64xi32, #tpu.memory_space<vmem>>) semaphore(%arg23 : memref<!tpu.dma_semaphore, #tpu.memory_space<semaphore_mem>>)
    %dma_wait3A_100 = arith.constant 128 : i32
    %dma_wait3A_101 = tpu.memref_slice %arg20[%dma_wait3A_100] : memref<192xi32, #tpu.memory_space<vmem>> -> memref<64xi32, #tpu.memory_space<vmem>>
    %dma_wait3A_102 = arith.constant 0 : i32
    %dma_wait3A_103 = arith.constant 0 : i32
    %dma_wait3A_104 = tpu.memref_slice %arg4[%dma_wait3A_102, %dma_wait3A_103] : memref<2048x768xf32, #tpu.memory_space<hbm>> -> memref<2048x768xf32, #tpu.memory_space<hbm>>
    tpu.wait_indirect_dma semaphore(%arg23 : memref<!tpu.dma_semaphore, #tpu.memory_space<semaphore_mem>>) src(%dma_wait3A_104 : memref<2048x768xf32, #tpu.memory_space<hbm>>) dst(%arg21 : memref<64x768xf32, #tpu.memory_space<vmem>>)
    %add3A_105 = arith.constant 128 : i32
    %add3A_106 = arith.addi %mul3A_4, %add3A_105 : i32
    %dma_start3A_107 = arith.constant 0 : i32
    %dma_start3A_108 = tpu.memref_slice %arg5[%add3A_106, %dma_start3A_107] : memref<6144x768xf32, #tpu.memory_space<hbm>> -> memref<64x768xf32, #tpu.memory_space<hbm>>
    %dma_start3A_109 = arith.constant 0 : i32
    %dma_start3A_110 = tpu.memref_slice %arg5[%add3A_106, %dma_start3A_109] : memref<6144x768xf32, #tpu.memory_space<hbm>> -> memref<64x768xf32, #tpu.memory_space<hbm>>
    tpu.enqueue_dma source(%arg21 : memref<64x768xf32, #tpu.memory_space<vmem>>) target(%dma_start3A_110 : memref<64x768xf32, #tpu.memory_space<hbm>>) target_semaphore(%arg25 : memref<!tpu.dma_semaphore, #tpu.memory_space<semaphore_mem>>)
    %dma_wait3A_111 = arith.constant 0 : i32
    %dma_wait3A_112 = tpu.memref_slice %arg5[%add3A_86, %dma_wait3A_111] : memref<6144x768xf32, #tpu.memory_space<hbm>> -> memref<64x768xf32, #tpu.memory_space<hbm>>
    %dma_wait3A_113 = arith.constant 0 : i32
    %dma_wait3A_114 = tpu.memref_slice %arg5[%add3A_86, %dma_wait3A_113] : memref<6144x768xf32, #tpu.memory_space<hbm>> -> memref<64x768xf32, #tpu.memory_space<hbm>>
    tpu.wait_dma2 semaphore(%arg26 : memref<!tpu.dma_semaphore, #tpu.memory_space<semaphore_mem>>) src(%arg22 : memref<64x768xf32, #tpu.memory_space<vmem>>) dst(%dma_wait3A_114 : memref<64x768xf32, #tpu.memory_space<hbm>>)
    %dma_wait3A_115 = arith.constant 0 : i32
    %dma_wait3A_116 = tpu.memref_slice %arg5[%add3A_106, %dma_wait3A_115] : memref<6144x768xf32, #tpu.memory_space<hbm>> -> memref<64x768xf32, #tpu.memory_space<hbm>>
    %dma_wait3A_117 = arith.constant 0 : i32
    %dma_wait3A_118 = tpu.memref_slice %arg5[%add3A_106, %dma_wait3A_117] : memref<6144x768xf32, #tpu.memory_space<hbm>> -> memref<64x768xf32, #tpu.memory_space<hbm>>
    tpu.wait_dma2 semaphore(%arg25 : memref<!tpu.dma_semaphore, #tpu.memory_space<semaphore_mem>>) src(%arg21 : memref<64x768xf32, #tpu.memory_space<vmem>>) dst(%dma_wait3A_118 : memref<64x768xf32, #tpu.memory_space<hbm>>)
    return
  }
}

#map = affine_map<(d0, d1) -> (0, 0)>
#map1 = affine_map<(d0, d1) -> (0)>
module attributes {stable_mosaic.version = 14 : i64} {
  func.func @sc_combine(%arg0: i32, %arg1: i32, %arg2: memref<6144x768xf32, #tpu.memory_space<hbm>>, %arg3: memref<4096xi32, #tpu.memory_space<hbm>>, %arg4: memref<2048x768xf32, #tpu.memory_space<hbm>>, %arg5: memref<64xi32, #tpu.memory_space<vmem>>, %arg6: memref<64xi32, #tpu.memory_space<vmem>>, %arg7: memref<64x768xf32, #tpu.memory_space<vmem>>, %arg8: memref<64x768xf32, #tpu.memory_space<vmem>>, %arg9: memref<!tpu.dma_semaphore, #tpu.memory_space<semaphore_mem>>, %arg10: memref<!tpu.dma_semaphore, #tpu.memory_space<semaphore_mem>>) attributes {dimension_semantics = [#tpu.dimension_semantics<core_parallel>, #tpu.dimension_semantics<subcore_parallel>], iteration_bounds = array<i64: 2, 16>, scalar_prefetch = 0 : i64, scratch_operands = 6 : i64, tpu.core_type = #tpu.core_type<sc_vector_subcore>, window_params = [{transform_indices = #map}, {transform_indices = #map1}, {transform_indices = #map}]} {
    %mul3A = arith.constant 2 : i32
    %mul3A_0 = arith.muli %arg1, %mul3A : i32
    %add3A = arith.addi %mul3A_0, %arg0 : i32
    %mul3A_1 = arith.constant 64 : i32
    %mul3A_2 = arith.muli %add3A, %mul3A_1 : i32
    "tpu.region"() ({
      %run_scoped3A = tpu.sem_alloc : memref<!tpu.dma_semaphore, #tpu.memory_space<semaphore_mem>>
      %dma_start3A_21 = tpu.memref_slice %arg3[%mul3A_2] : memref<4096xi32, #tpu.memory_space<hbm>> -> memref<64xi32, #tpu.memory_space<hbm>>
      %dma_start3A_22 = tpu.memref_slice %arg3[%mul3A_2] : memref<4096xi32, #tpu.memory_space<hbm>> -> memref<64xi32, #tpu.memory_space<hbm>>
      tpu.enqueue_dma source(%dma_start3A_22 : memref<64xi32, #tpu.memory_space<hbm>>) target(%arg5 : memref<64xi32, #tpu.memory_space<vmem>>) target_semaphore(%run_scoped3A : memref<!tpu.dma_semaphore, #tpu.memory_space<semaphore_mem>>)
      %dma_wait3A_23 = tpu.memref_slice %arg3[%mul3A_2] : memref<4096xi32, #tpu.memory_space<hbm>> -> memref<64xi32, #tpu.memory_space<hbm>>
      %dma_wait3A_24 = tpu.memref_slice %arg3[%mul3A_2] : memref<4096xi32, #tpu.memory_space<hbm>> -> memref<64xi32, #tpu.memory_space<hbm>>
      tpu.wait_dma2 semaphore(%run_scoped3A : memref<!tpu.dma_semaphore, #tpu.memory_space<semaphore_mem>>) src(%dma_wait3A_24 : memref<64xi32, #tpu.memory_space<hbm>>) dst(%arg5 : memref<64xi32, #tpu.memory_space<vmem>>)
      tpu.yield
    }) : () -> ()
    %add3A_3 = arith.constant 2048 : i32
    %add3A_4 = arith.addi %add3A_3, %mul3A_2 : i32
    "tpu.region"() ({
      %run_scoped3A = tpu.sem_alloc : memref<!tpu.dma_semaphore, #tpu.memory_space<semaphore_mem>>
      %dma_start3A_21 = tpu.memref_slice %arg3[%add3A_4] : memref<4096xi32, #tpu.memory_space<hbm>> -> memref<64xi32, #tpu.memory_space<hbm>>
      %dma_start3A_22 = tpu.memref_slice %arg3[%add3A_4] : memref<4096xi32, #tpu.memory_space<hbm>> -> memref<64xi32, #tpu.memory_space<hbm>>
      tpu.enqueue_dma source(%dma_start3A_22 : memref<64xi32, #tpu.memory_space<hbm>>) target(%arg6 : memref<64xi32, #tpu.memory_space<vmem>>) target_semaphore(%run_scoped3A : memref<!tpu.dma_semaphore, #tpu.memory_space<semaphore_mem>>)
      %dma_wait3A_23 = tpu.memref_slice %arg3[%add3A_4] : memref<4096xi32, #tpu.memory_space<hbm>> -> memref<64xi32, #tpu.memory_space<hbm>>
      %dma_wait3A_24 = tpu.memref_slice %arg3[%add3A_4] : memref<4096xi32, #tpu.memory_space<hbm>> -> memref<64xi32, #tpu.memory_space<hbm>>
      tpu.wait_dma2 semaphore(%run_scoped3A : memref<!tpu.dma_semaphore, #tpu.memory_space<semaphore_mem>>) src(%dma_wait3A_24 : memref<64xi32, #tpu.memory_space<hbm>>) dst(%arg6 : memref<64xi32, #tpu.memory_space<vmem>>)
      tpu.yield
    }) : () -> ()
    %dma_start3A = arith.constant 0 : i32
    %dma_start3A_5 = arith.constant 0 : i32
    %dma_start3A_6 = tpu.memref_slice %arg2[%dma_start3A, %dma_start3A_5] : memref<6144x768xf32, #tpu.memory_space<hbm>> -> memref<6144x768xf32, #tpu.memory_space<hbm>>
    tpu.enqueue_indirect_dma source(%dma_start3A_6 : memref<6144x768xf32, #tpu.memory_space<hbm>>) target(%arg7 : memref<64x768xf32, #tpu.memory_space<vmem>>) offsets(%arg5 : memref<64xi32, #tpu.memory_space<vmem>>) semaphore(%arg9 : memref<!tpu.dma_semaphore, #tpu.memory_space<semaphore_mem>>)
    %dma_start3A_7 = arith.constant 0 : i32
    %dma_start3A_8 = arith.constant 0 : i32
    %dma_start3A_9 = tpu.memref_slice %arg2[%dma_start3A_7, %dma_start3A_8] : memref<6144x768xf32, #tpu.memory_space<hbm>> -> memref<6144x768xf32, #tpu.memory_space<hbm>>
    tpu.enqueue_indirect_dma source(%dma_start3A_9 : memref<6144x768xf32, #tpu.memory_space<hbm>>) target(%arg8 : memref<64x768xf32, #tpu.memory_space<vmem>>) offsets(%arg6 : memref<64xi32, #tpu.memory_space<vmem>>) semaphore(%arg10 : memref<!tpu.dma_semaphore, #tpu.memory_space<semaphore_mem>>)
    %dma_wait3A = arith.constant 0 : i32
    %dma_wait3A_10 = arith.constant 0 : i32
    %dma_wait3A_11 = tpu.memref_slice %arg2[%dma_wait3A, %dma_wait3A_10] : memref<6144x768xf32, #tpu.memory_space<hbm>> -> memref<6144x768xf32, #tpu.memory_space<hbm>>
    tpu.wait_indirect_dma semaphore(%arg9 : memref<!tpu.dma_semaphore, #tpu.memory_space<semaphore_mem>>) src(%dma_wait3A_11 : memref<6144x768xf32, #tpu.memory_space<hbm>>) dst(%arg7 : memref<64x768xf32, #tpu.memory_space<vmem>>)
    %dma_wait3A_12 = arith.constant 0 : i32
    %dma_wait3A_13 = arith.constant 0 : i32
    %dma_wait3A_14 = tpu.memref_slice %arg2[%dma_wait3A_12, %dma_wait3A_13] : memref<6144x768xf32, #tpu.memory_space<hbm>> -> memref<6144x768xf32, #tpu.memory_space<hbm>>
    tpu.wait_indirect_dma semaphore(%arg10 : memref<!tpu.dma_semaphore, #tpu.memory_space<semaphore_mem>>) src(%dma_wait3A_14 : memref<6144x768xf32, #tpu.memory_space<hbm>>) dst(%arg8 : memref<64x768xf32, #tpu.memory_space<vmem>>)
    %scan3A = arith.constant 0 : i32
    %scan3A_15 = arith.constant 0 : i32
    %scan3A_16 = arith.constant 64 : i32
    %scan3A_17 = arith.addi %scan3A_15, %scan3A_16 : i32
    %scan3A_18 = arith.constant 1 : i32
    %scan3A_19 = scf.for %scan3A_21 = %scan3A_15 to %scan3A_17 step %scan3A_18 iter_args(%scan3A_22 = %scan3A) -> (i32)  : i32 {
      %get3A = arith.index_cast %scan3A_21 : i32 to index
      %get3A_23 = arith.constant 0 : index
      %get3A_24 = tpu.vector_load %arg7[%get3A, %get3A_23] {strides = array<i32>} : memref<64x768xf32, #tpu.memory_space<vmem>>, vector<16xf32>,
      %get3A_25 = arith.index_cast %scan3A_21 : i32 to index
      %get3A_26 = arith.constant 0 : index
      %get3A_27 = tpu.vector_load %arg8[%get3A_25, %get3A_26] {strides = array<i32>} : memref<64x768xf32, #tpu.memory_space<vmem>>, vector<16xf32>,
      %add3A_28 = arith.addf %get3A_24, %get3A_27 : vector<16xf32>
      %swap3A = arith.index_cast %scan3A_21 : i32 to index
      %swap3A_29 = arith.constant 0 : index
      %swap3A_30 = tpu.vector_load %arg7[%swap3A, %swap3A_29] {strides = array<i32>} : memref<64x768xf32, #tpu.memory_space<vmem>>, vector<16xf32>,
      tpu.vector_store %arg7[%swap3A, %swap3A_29], %add3A_28 {strides = array<i32>} : memref<64x768xf32, #tpu.memory_space<vmem>>, vector<16xf32>,
      %get3A_31 = arith.index_cast %scan3A_21 : i32 to index
      %get3A_32 = arith.constant 16 : index
      %get3A_33 = tpu.vector_load %arg7[%get3A_31, %get3A_32] {strides = array<i32>} : memref<64x768xf32, #tpu.memory_space<vmem>>, vector<16xf32>,
      %get3A_34 = arith.index_cast %scan3A_21 : i32 to index
      %get3A_35 = arith.constant 16 : index
      %get3A_36 = tpu.vector_load %arg8[%get3A_34, %get3A_35] {strides = array<i32>} : memref<64x768xf32, #tpu.memory_space<vmem>>, vector<16xf32>,
      %add3A_37 = arith.addf %get3A_33, %get3A_36 : vector<16xf32>
      %swap3A_38 = arith.index_cast %scan3A_21 : i32 to index
      %swap3A_39 = arith.constant 16 : index
      %swap3A_40 = tpu.vector_load %arg7[%swap3A_38, %swap3A_39] {strides = array<i32>} : memref<64x768xf32, #tpu.memory_space<vmem>>, vector<16xf32>,
      tpu.vector_store %arg7[%swap3A_38, %swap3A_39], %add3A_37 {strides = array<i32>} : memref<64x768xf32, #tpu.memory_space<vmem>>, vector<16xf32>,
      %get3A_41 = arith.index_cast %scan3A_21 : i32 to index
      %get3A_42 = arith.constant 32 : index
      %get3A_43 = tpu.vector_load %arg7[%get3A_41, %get3A_42] {strides = array<i32>} : memref<64x768xf32, #tpu.memory_space<vmem>>, vector<16xf32>,
      %get3A_44 = arith.index_cast %scan3A_21 : i32 to index
      %get3A_45 = arith.constant 32 : index
      %get3A_46 = tpu.vector_load %arg8[%get3A_44, %get3A_45] {strides = array<i32>} : memref<64x768xf32, #tpu.memory_space<vmem>>, vector<16xf32>,
      %add3A_47 = arith.addf %get3A_43, %get3A_46 : vector<16xf32>
      %swap3A_48 = arith.index_cast %scan3A_21 : i32 to index
      %swap3A_49 = arith.constant 32 : index
      %swap3A_50 = tpu.vector_load %arg7[%swap3A_48, %swap3A_49] {strides = array<i32>} : memref<64x768xf32, #tpu.memory_space<vmem>>, vector<16xf32>,
      tpu.vector_store %arg7[%swap3A_48, %swap3A_49], %add3A_47 {strides = array<i32>} : memref<64x768xf32, #tpu.memory_space<vmem>>, vector<16xf32>,
      %get3A_51 = arith.index_cast %scan3A_21 : i32 to index
      %get3A_52 = arith.constant 48 : index
      %get3A_53 = tpu.vector_load %arg7[%get3A_51, %get3A_52] {strides = array<i32>} : memref<64x768xf32, #tpu.memory_space<vmem>>, vector<16xf32>,
      %get3A_54 = arith.index_cast %scan3A_21 : i32 to index
      %get3A_55 = arith.constant 48 : index
      %get3A_56 = tpu.vector_load %arg8[%get3A_54, %get3A_55] {strides = array<i32>} : memref<64x768xf32, #tpu.memory_space<vmem>>, vector<16xf32>,
      %add3A_57 = arith.addf %get3A_53, %get3A_56 : vector<16xf32>
      %swap3A_58 = arith.index_cast %scan3A_21 : i32 to index
      %swap3A_59 = arith.constant 48 : index
      %swap3A_60 = tpu.vector_load %arg7[%swap3A_58, %swap3A_59] {strides = array<i32>} : memref<64x768xf32, #tpu.memory_space<vmem>>, vector<16xf32>,
      tpu.vector_store %arg7[%swap3A_58, %swap3A_59], %add3A_57 {strides = array<i32>} : memref<64x768xf32, #tpu.memory_space<vmem>>, vector<16xf32>,
      %get3A_61 = arith.index_cast %scan3A_21 : i32 to index
      %get3A_62 = arith.constant 64 : index
      %get3A_63 = tpu.vector_load %arg7[%get3A_61, %get3A_62] {strides = array<i32>} : memref<64x768xf32, #tpu.memory_space<vmem>>, vector<16xf32>,
      %get3A_64 = arith.index_cast %scan3A_21 : i32 to index
      %get3A_65 = arith.constant 64 : index
      %get3A_66 = tpu.vector_load %arg8[%get3A_64, %get3A_65] {strides = array<i32>} : memref<64x768xf32, #tpu.memory_space<vmem>>, vector<16xf32>,
      %add3A_67 = arith.addf %get3A_63, %get3A_66 : vector<16xf32>
      %swap3A_68 = arith.index_cast %scan3A_21 : i32 to index
      %swap3A_69 = arith.constant 64 : index
      %swap3A_70 = tpu.vector_load %arg7[%swap3A_68, %swap3A_69] {strides = array<i32>} : memref<64x768xf32, #tpu.memory_space<vmem>>, vector<16xf32>,
      tpu.vector_store %arg7[%swap3A_68, %swap3A_69], %add3A_67 {strides = array<i32>} : memref<64x768xf32, #tpu.memory_space<vmem>>, vector<16xf32>,
      %get3A_71 = arith.index_cast %scan3A_21 : i32 to index
      %get3A_72 = arith.constant 80 : index
      %get3A_73 = tpu.vector_load %arg7[%get3A_71, %get3A_72] {strides = array<i32>} : memref<64x768xf32, #tpu.memory_space<vmem>>, vector<16xf32>,
      %get3A_74 = arith.index_cast %scan3A_21 : i32 to index
      %get3A_75 = arith.constant 80 : index
      %get3A_76 = tpu.vector_load %arg8[%get3A_74, %get3A_75] {strides = array<i32>} : memref<64x768xf32, #tpu.memory_space<vmem>>, vector<16xf32>,
      %add3A_77 = arith.addf %get3A_73, %get3A_76 : vector<16xf32>
      %swap3A_78 = arith.index_cast %scan3A_21 : i32 to index
      %swap3A_79 = arith.constant 80 : index
      %swap3A_80 = tpu.vector_load %arg7[%swap3A_78, %swap3A_79] {strides = array<i32>} : memref<64x768xf32, #tpu.memory_space<vmem>>, vector<16xf32>,
      tpu.vector_store %arg7[%swap3A_78, %swap3A_79], %add3A_77 {strides = array<i32>} : memref<64x768xf32, #tpu.memory_space<vmem>>, vector<16xf32>,
      %get3A_81 = arith.index_cast %scan3A_21 : i32 to index
      %get3A_82 = arith.constant 96 : index
      %get3A_83 = tpu.vector_load %arg7[%get3A_81, %get3A_82] {strides = array<i32>} : memref<64x768xf32, #tpu.memory_space<vmem>>, vector<16xf32>,
      %get3A_84 = arith.index_cast %scan3A_21 : i32 to index
      %get3A_85 = arith.constant 96 : index
      %get3A_86 = tpu.vector_load %arg8[%get3A_84, %get3A_85] {strides = array<i32>} : memref<64x768xf32, #tpu.memory_space<vmem>>, vector<16xf32>,
      %add3A_87 = arith.addf %get3A_83, %get3A_86 : vector<16xf32>
      %swap3A_88 = arith.index_cast %scan3A_21 : i32 to index
      %swap3A_89 = arith.constant 96 : index
      %swap3A_90 = tpu.vector_load %arg7[%swap3A_88, %swap3A_89] {strides = array<i32>} : memref<64x768xf32, #tpu.memory_space<vmem>>, vector<16xf32>,
      tpu.vector_store %arg7[%swap3A_88, %swap3A_89], %add3A_87 {strides = array<i32>} : memref<64x768xf32, #tpu.memory_space<vmem>>, vector<16xf32>,
      %get3A_91 = arith.index_cast %scan3A_21 : i32 to index
      %get3A_92 = arith.constant 112 : index
      %get3A_93 = tpu.vector_load %arg7[%get3A_91, %get3A_92] {strides = array<i32>} : memref<64x768xf32, #tpu.memory_space<vmem>>, vector<16xf32>,
      %get3A_94 = arith.index_cast %scan3A_21 : i32 to index
      %get3A_95 = arith.constant 112 : index
      %get3A_96 = tpu.vector_load %arg8[%get3A_94, %get3A_95] {strides = array<i32>} : memref<64x768xf32, #tpu.memory_space<vmem>>, vector<16xf32>,
      %add3A_97 = arith.addf %get3A_93, %get3A_96 : vector<16xf32>
      %swap3A_98 = arith.index_cast %scan3A_21 : i32 to index
      %swap3A_99 = arith.constant 112 : index
      %swap3A_100 = tpu.vector_load %arg7[%swap3A_98, %swap3A_99] {strides = array<i32>} : memref<64x768xf32, #tpu.memory_space<vmem>>, vector<16xf32>,
      tpu.vector_store %arg7[%swap3A_98, %swap3A_99], %add3A_97 {strides = array<i32>} : memref<64x768xf32, #tpu.memory_space<vmem>>, vector<16xf32>,
      %get3A_101 = arith.index_cast %scan3A_21 : i32 to index
      %get3A_102 = arith.constant 128 : index
      %get3A_103 = tpu.vector_load %arg7[%get3A_101, %get3A_102] {strides = array<i32>} : memref<64x768xf32, #tpu.memory_space<vmem>>, vector<16xf32>,
      %get3A_104 = arith.index_cast %scan3A_21 : i32 to index
      %get3A_105 = arith.constant 128 : index
      %get3A_106 = tpu.vector_load %arg8[%get3A_104, %get3A_105] {strides = array<i32>} : memref<64x768xf32, #tpu.memory_space<vmem>>, vector<16xf32>,
      %add3A_107 = arith.addf %get3A_103, %get3A_106 : vector<16xf32>
      %swap3A_108 = arith.index_cast %scan3A_21 : i32 to index
      %swap3A_109 = arith.constant 128 : index
      %swap3A_110 = tpu.vector_load %arg7[%swap3A_108, %swap3A_109] {strides = array<i32>} : memref<64x768xf32, #tpu.memory_space<vmem>>, vector<16xf32>,
      tpu.vector_store %arg7[%swap3A_108, %swap3A_109], %add3A_107 {strides = array<i32>} : memref<64x768xf32, #tpu.memory_space<vmem>>, vector<16xf32>,
      %get3A_111 = arith.index_cast %scan3A_21 : i32 to index
      %get3A_112 = arith.constant 144 : index
      %get3A_113 = tpu.vector_load %arg7[%get3A_111, %get3A_112] {strides = array<i32>} : memref<64x768xf32, #tpu.memory_space<vmem>>, vector<16xf32>,
      %get3A_114 = arith.index_cast %scan3A_21 : i32 to index
      %get3A_115 = arith.constant 144 : index
      %get3A_116 = tpu.vector_load %arg8[%get3A_114, %get3A_115] {strides = array<i32>} : memref<64x768xf32, #tpu.memory_space<vmem>>, vector<16xf32>,
      %add3A_117 = arith.addf %get3A_113, %get3A_116 : vector<16xf32>
      %swap3A_118 = arith.index_cast %scan3A_21 : i32 to index
      %swap3A_119 = arith.constant 144 : index
      %swap3A_120 = tpu.vector_load %arg7[%swap3A_118, %swap3A_119] {strides = array<i32>} : memref<64x768xf32, #tpu.memory_space<vmem>>, vector<16xf32>,
      tpu.vector_store %arg7[%swap3A_118, %swap3A_119], %add3A_117 {strides = array<i32>} : memref<64x768xf32, #tpu.memory_space<vmem>>, vector<16xf32>,
      %get3A_121 = arith.index_cast %scan3A_21 : i32 to index
      %get3A_122 = arith.constant 160 : index
      %get3A_123 = tpu.vector_load %arg7[%get3A_121, %get3A_122] {strides = array<i32>} : memref<64x768xf32, #tpu.memory_space<vmem>>, vector<16xf32>,
      %get3A_124 = arith.index_cast %scan3A_21 : i32 to index
      %get3A_125 = arith.constant 160 : index
      %get3A_126 = tpu.vector_load %arg8[%get3A_124, %get3A_125] {strides = array<i32>} : memref<64x768xf32, #tpu.memory_space<vmem>>, vector<16xf32>,
      %add3A_127 = arith.addf %get3A_123, %get3A_126 : vector<16xf32>
      %swap3A_128 = arith.index_cast %scan3A_21 : i32 to index
      %swap3A_129 = arith.constant 160 : index
      %swap3A_130 = tpu.vector_load %arg7[%swap3A_128, %swap3A_129] {strides = array<i32>} : memref<64x768xf32, #tpu.memory_space<vmem>>, vector<16xf32>,
      tpu.vector_store %arg7[%swap3A_128, %swap3A_129], %add3A_127 {strides = array<i32>} : memref<64x768xf32, #tpu.memory_space<vmem>>, vector<16xf32>,
      %get3A_131 = arith.index_cast %scan3A_21 : i32 to index
      %get3A_132 = arith.constant 176 : index
      %get3A_133 = tpu.vector_load %arg7[%get3A_131, %get3A_132] {strides = array<i32>} : memref<64x768xf32, #tpu.memory_space<vmem>>, vector<16xf32>,
      %get3A_134 = arith.index_cast %scan3A_21 : i32 to index
      %get3A_135 = arith.constant 176 : index
      %get3A_136 = tpu.vector_load %arg8[%get3A_134, %get3A_135] {strides = array<i32>} : memref<64x768xf32, #tpu.memory_space<vmem>>, vector<16xf32>,
      %add3A_137 = arith.addf %get3A_133, %get3A_136 : vector<16xf32>
      %swap3A_138 = arith.index_cast %scan3A_21 : i32 to index
      %swap3A_139 = arith.constant 176 : index
      %swap3A_140 = tpu.vector_load %arg7[%swap3A_138, %swap3A_139] {strides = array<i32>} : memref<64x768xf32, #tpu.memory_space<vmem>>, vector<16xf32>,
      tpu.vector_store %arg7[%swap3A_138, %swap3A_139], %add3A_137 {strides = array<i32>} : memref<64x768xf32, #tpu.memory_space<vmem>>, vector<16xf32>,
      %get3A_141 = arith.index_cast %scan3A_21 : i32 to index
      %get3A_142 = arith.constant 192 : index
      %get3A_143 = tpu.vector_load %arg7[%get3A_141, %get3A_142] {strides = array<i32>} : memref<64x768xf32, #tpu.memory_space<vmem>>, vector<16xf32>,
      %get3A_144 = arith.index_cast %scan3A_21 : i32 to index
      %get3A_145 = arith.constant 192 : index
      %get3A_146 = tpu.vector_load %arg8[%get3A_144, %get3A_145] {strides = array<i32>} : memref<64x768xf32, #tpu.memory_space<vmem>>, vector<16xf32>,
      %add3A_147 = arith.addf %get3A_143, %get3A_146 : vector<16xf32>
      %swap3A_148 = arith.index_cast %scan3A_21 : i32 to index
      %swap3A_149 = arith.constant 192 : index
      %swap3A_150 = tpu.vector_load %arg7[%swap3A_148, %swap3A_149] {strides = array<i32>} : memref<64x768xf32, #tpu.memory_space<vmem>>, vector<16xf32>,
      tpu.vector_store %arg7[%swap3A_148, %swap3A_149], %add3A_147 {strides = array<i32>} : memref<64x768xf32, #tpu.memory_space<vmem>>, vector<16xf32>,
      %get3A_151 = arith.index_cast %scan3A_21 : i32 to index
      %get3A_152 = arith.constant 208 : index
      %get3A_153 = tpu.vector_load %arg7[%get3A_151, %get3A_152] {strides = array<i32>} : memref<64x768xf32, #tpu.memory_space<vmem>>, vector<16xf32>,
      %get3A_154 = arith.index_cast %scan3A_21 : i32 to index
      %get3A_155 = arith.constant 208 : index
      %get3A_156 = tpu.vector_load %arg8[%get3A_154, %get3A_155] {strides = array<i32>} : memref<64x768xf32, #tpu.memory_space<vmem>>, vector<16xf32>,
      %add3A_157 = arith.addf %get3A_153, %get3A_156 : vector<16xf32>
      %swap3A_158 = arith.index_cast %scan3A_21 : i32 to index
      %swap3A_159 = arith.constant 208 : index
      %swap3A_160 = tpu.vector_load %arg7[%swap3A_158, %swap3A_159] {strides = array<i32>} : memref<64x768xf32, #tpu.memory_space<vmem>>, vector<16xf32>,
      tpu.vector_store %arg7[%swap3A_158, %swap3A_159], %add3A_157 {strides = array<i32>} : memref<64x768xf32, #tpu.memory_space<vmem>>, vector<16xf32>,
      %get3A_161 = arith.index_cast %scan3A_21 : i32 to index
      %get3A_162 = arith.constant 224 : index
      %get3A_163 = tpu.vector_load %arg7[%get3A_161, %get3A_162] {strides = array<i32>} : memref<64x768xf32, #tpu.memory_space<vmem>>, vector<16xf32>,
      %get3A_164 = arith.index_cast %scan3A_21 : i32 to index
      %get3A_165 = arith.constant 224 : index
      %get3A_166 = tpu.vector_load %arg8[%get3A_164, %get3A_165] {strides = array<i32>} : memref<64x768xf32, #tpu.memory_space<vmem>>, vector<16xf32>,
      %add3A_167 = arith.addf %get3A_163, %get3A_166 : vector<16xf32>
      %swap3A_168 = arith.index_cast %scan3A_21 : i32 to index
      %swap3A_169 = arith.constant 224 : index
      %swap3A_170 = tpu.vector_load %arg7[%swap3A_168, %swap3A_169] {strides = array<i32>} : memref<64x768xf32, #tpu.memory_space<vmem>>, vector<16xf32>,
      tpu.vector_store %arg7[%swap3A_168, %swap3A_169], %add3A_167 {strides = array<i32>} : memref<64x768xf32, #tpu.memory_space<vmem>>, vector<16xf32>,
      %get3A_171 = arith.index_cast %scan3A_21 : i32 to index
      %get3A_172 = arith.constant 240 : index
      %get3A_173 = tpu.vector_load %arg7[%get3A_171, %get3A_172] {strides = array<i32>} : memref<64x768xf32, #tpu.memory_space<vmem>>, vector<16xf32>,
      %get3A_174 = arith.index_cast %scan3A_21 : i32 to index
      %get3A_175 = arith.constant 240 : index
      %get3A_176 = tpu.vector_load %arg8[%get3A_174, %get3A_175] {strides = array<i32>} : memref<64x768xf32, #tpu.memory_space<vmem>>, vector<16xf32>,
      %add3A_177 = arith.addf %get3A_173, %get3A_176 : vector<16xf32>
      %swap3A_178 = arith.index_cast %scan3A_21 : i32 to index
      %swap3A_179 = arith.constant 240 : index
      %swap3A_180 = tpu.vector_load %arg7[%swap3A_178, %swap3A_179] {strides = array<i32>} : memref<64x768xf32, #tpu.memory_space<vmem>>, vector<16xf32>,
      tpu.vector_store %arg7[%swap3A_178, %swap3A_179], %add3A_177 {strides = array<i32>} : memref<64x768xf32, #tpu.memory_space<vmem>>, vector<16xf32>,
      %get3A_181 = arith.index_cast %scan3A_21 : i32 to index
      %get3A_182 = arith.constant 256 : index
      %get3A_183 = tpu.vector_load %arg7[%get3A_181, %get3A_182] {strides = array<i32>} : memref<64x768xf32, #tpu.memory_space<vmem>>, vector<16xf32>,
      %get3A_184 = arith.index_cast %scan3A_21 : i32 to index
      %get3A_185 = arith.constant 256 : index
      %get3A_186 = tpu.vector_load %arg8[%get3A_184, %get3A_185] {strides = array<i32>} : memref<64x768xf32, #tpu.memory_space<vmem>>, vector<16xf32>,
      %add3A_187 = arith.addf %get3A_183, %get3A_186 : vector<16xf32>
      %swap3A_188 = arith.index_cast %scan3A_21 : i32 to index
      %swap3A_189 = arith.constant 256 : index
      %swap3A_190 = tpu.vector_load %arg7[%swap3A_188, %swap3A_189] {strides = array<i32>} : memref<64x768xf32, #tpu.memory_space<vmem>>, vector<16xf32>,
      tpu.vector_store %arg7[%swap3A_188, %swap3A_189], %add3A_187 {strides = array<i32>} : memref<64x768xf32, #tpu.memory_space<vmem>>, vector<16xf32>,
      %get3A_191 = arith.index_cast %scan3A_21 : i32 to index
      %get3A_192 = arith.constant 272 : index
      %get3A_193 = tpu.vector_load %arg7[%get3A_191, %get3A_192] {strides = array<i32>} : memref<64x768xf32, #tpu.memory_space<vmem>>, vector<16xf32>,
      %get3A_194 = arith.index_cast %scan3A_21 : i32 to index
      %get3A_195 = arith.constant 272 : index
      %get3A_196 = tpu.vector_load %arg8[%get3A_194, %get3A_195] {strides = array<i32>} : memref<64x768xf32, #tpu.memory_space<vmem>>, vector<16xf32>,
      %add3A_197 = arith.addf %get3A_193, %get3A_196 : vector<16xf32>
      %swap3A_198 = arith.index_cast %scan3A_21 : i32 to index
      %swap3A_199 = arith.constant 272 : index
      %swap3A_200 = tpu.vector_load %arg7[%swap3A_198, %swap3A_199] {strides = array<i32>} : memref<64x768xf32, #tpu.memory_space<vmem>>, vector<16xf32>,
      tpu.vector_store %arg7[%swap3A_198, %swap3A_199], %add3A_197 {strides = array<i32>} : memref<64x768xf32, #tpu.memory_space<vmem>>, vector<16xf32>,
      %get3A_201 = arith.index_cast %scan3A_21 : i32 to index
      %get3A_202 = arith.constant 288 : index
      %get3A_203 = tpu.vector_load %arg7[%get3A_201, %get3A_202] {strides = array<i32>} : memref<64x768xf32, #tpu.memory_space<vmem>>, vector<16xf32>,
      %get3A_204 = arith.index_cast %scan3A_21 : i32 to index
      %get3A_205 = arith.constant 288 : index
      %get3A_206 = tpu.vector_load %arg8[%get3A_204, %get3A_205] {strides = array<i32>} : memref<64x768xf32, #tpu.memory_space<vmem>>, vector<16xf32>,
      %add3A_207 = arith.addf %get3A_203, %get3A_206 : vector<16xf32>
      %swap3A_208 = arith.index_cast %scan3A_21 : i32 to index
      %swap3A_209 = arith.constant 288 : index
      %swap3A_210 = tpu.vector_load %arg7[%swap3A_208, %swap3A_209] {strides = array<i32>} : memref<64x768xf32, #tpu.memory_space<vmem>>, vector<16xf32>,
      tpu.vector_store %arg7[%swap3A_208, %swap3A_209], %add3A_207 {strides = array<i32>} : memref<64x768xf32, #tpu.memory_space<vmem>>, vector<16xf32>,
      %get3A_211 = arith.index_cast %scan3A_21 : i32 to index
      %get3A_212 = arith.constant 304 : index
      %get3A_213 = tpu.vector_load %arg7[%get3A_211, %get3A_212] {strides = array<i32>} : memref<64x768xf32, #tpu.memory_space<vmem>>, vector<16xf32>,
      %get3A_214 = arith.index_cast %scan3A_21 : i32 to index
      %get3A_215 = arith.constant 304 : index
      %get3A_216 = tpu.vector_load %arg8[%get3A_214, %get3A_215] {strides = array<i32>} : memref<64x768xf32, #tpu.memory_space<vmem>>, vector<16xf32>,
      %add3A_217 = arith.addf %get3A_213, %get3A_216 : vector<16xf32>
      %swap3A_218 = arith.index_cast %scan3A_21 : i32 to index
      %swap3A_219 = arith.constant 304 : index
      %swap3A_220 = tpu.vector_load %arg7[%swap3A_218, %swap3A_219] {strides = array<i32>} : memref<64x768xf32, #tpu.memory_space<vmem>>, vector<16xf32>,
      tpu.vector_store %arg7[%swap3A_218, %swap3A_219], %add3A_217 {strides = array<i32>} : memref<64x768xf32, #tpu.memory_space<vmem>>, vector<16xf32>,
      %get3A_221 = arith.index_cast %scan3A_21 : i32 to index
      %get3A_222 = arith.constant 320 : index
      %get3A_223 = tpu.vector_load %arg7[%get3A_221, %get3A_222] {strides = array<i32>} : memref<64x768xf32, #tpu.memory_space<vmem>>, vector<16xf32>,
      %get3A_224 = arith.index_cast %scan3A_21 : i32 to index
      %get3A_225 = arith.constant 320 : index
      %get3A_226 = tpu.vector_load %arg8[%get3A_224, %get3A_225] {strides = array<i32>} : memref<64x768xf32, #tpu.memory_space<vmem>>, vector<16xf32>,
      %add3A_227 = arith.addf %get3A_223, %get3A_226 : vector<16xf32>
      %swap3A_228 = arith.index_cast %scan3A_21 : i32 to index
      %swap3A_229 = arith.constant 320 : index
      %swap3A_230 = tpu.vector_load %arg7[%swap3A_228, %swap3A_229] {strides = array<i32>} : memref<64x768xf32, #tpu.memory_space<vmem>>, vector<16xf32>,
      tpu.vector_store %arg7[%swap3A_228, %swap3A_229], %add3A_227 {strides = array<i32>} : memref<64x768xf32, #tpu.memory_space<vmem>>, vector<16xf32>,
      %get3A_231 = arith.index_cast %scan3A_21 : i32 to index
      %get3A_232 = arith.constant 336 : index
      %get3A_233 = tpu.vector_load %arg7[%get3A_231, %get3A_232] {strides = array<i32>} : memref<64x768xf32, #tpu.memory_space<vmem>>, vector<16xf32>,
      %get3A_234 = arith.index_cast %scan3A_21 : i32 to index
      %get3A_235 = arith.constant 336 : index
      %get3A_236 = tpu.vector_load %arg8[%get3A_234, %get3A_235] {strides = array<i32>} : memref<64x768xf32, #tpu.memory_space<vmem>>, vector<16xf32>,
      %add3A_237 = arith.addf %get3A_233, %get3A_236 : vector<16xf32>
      %swap3A_238 = arith.index_cast %scan3A_21 : i32 to index
      %swap3A_239 = arith.constant 336 : index
      %swap3A_240 = tpu.vector_load %arg7[%swap3A_238, %swap3A_239] {strides = array<i32>} : memref<64x768xf32, #tpu.memory_space<vmem>>, vector<16xf32>,
      tpu.vector_store %arg7[%swap3A_238, %swap3A_239], %add3A_237 {strides = array<i32>} : memref<64x768xf32, #tpu.memory_space<vmem>>, vector<16xf32>,
      %get3A_241 = arith.index_cast %scan3A_21 : i32 to index
      %get3A_242 = arith.constant 352 : index
      %get3A_243 = tpu.vector_load %arg7[%get3A_241, %get3A_242] {strides = array<i32>} : memref<64x768xf32, #tpu.memory_space<vmem>>, vector<16xf32>,
      %get3A_244 = arith.index_cast %scan3A_21 : i32 to index
      %get3A_245 = arith.constant 352 : index
      %get3A_246 = tpu.vector_load %arg8[%get3A_244, %get3A_245] {strides = array<i32>} : memref<64x768xf32, #tpu.memory_space<vmem>>, vector<16xf32>,
      %add3A_247 = arith.addf %get3A_243, %get3A_246 : vector<16xf32>
      %swap3A_248 = arith.index_cast %scan3A_21 : i32 to index
      %swap3A_249 = arith.constant 352 : index
      %swap3A_250 = tpu.vector_load %arg7[%swap3A_248, %swap3A_249] {strides = array<i32>} : memref<64x768xf32, #tpu.memory_space<vmem>>, vector<16xf32>,
      tpu.vector_store %arg7[%swap3A_248, %swap3A_249], %add3A_247 {strides = array<i32>} : memref<64x768xf32, #tpu.memory_space<vmem>>, vector<16xf32>,
      %get3A_251 = arith.index_cast %scan3A_21 : i32 to index
      %get3A_252 = arith.constant 368 : index
      %get3A_253 = tpu.vector_load %arg7[%get3A_251, %get3A_252] {strides = array<i32>} : memref<64x768xf32, #tpu.memory_space<vmem>>, vector<16xf32>,
      %get3A_254 = arith.index_cast %scan3A_21 : i32 to index
      %get3A_255 = arith.constant 368 : index
      %get3A_256 = tpu.vector_load %arg8[%get3A_254, %get3A_255] {strides = array<i32>} : memref<64x768xf32, #tpu.memory_space<vmem>>, vector<16xf32>,
      %add3A_257 = arith.addf %get3A_253, %get3A_256 : vector<16xf32>
      %swap3A_258 = arith.index_cast %scan3A_21 : i32 to index
      %swap3A_259 = arith.constant 368 : index
      %swap3A_260 = tpu.vector_load %arg7[%swap3A_258, %swap3A_259] {strides = array<i32>} : memref<64x768xf32, #tpu.memory_space<vmem>>, vector<16xf32>,
      tpu.vector_store %arg7[%swap3A_258, %swap3A_259], %add3A_257 {strides = array<i32>} : memref<64x768xf32, #tpu.memory_space<vmem>>, vector<16xf32>,
      %get3A_261 = arith.index_cast %scan3A_21 : i32 to index
      %get3A_262 = arith.constant 384 : index
      %get3A_263 = tpu.vector_load %arg7[%get3A_261, %get3A_262] {strides = array<i32>} : memref<64x768xf32, #tpu.memory_space<vmem>>, vector<16xf32>,
      %get3A_264 = arith.index_cast %scan3A_21 : i32 to index
      %get3A_265 = arith.constant 384 : index
      %get3A_266 = tpu.vector_load %arg8[%get3A_264, %get3A_265] {strides = array<i32>} : memref<64x768xf32, #tpu.memory_space<vmem>>, vector<16xf32>,
      %add3A_267 = arith.addf %get3A_263, %get3A_266 : vector<16xf32>
      %swap3A_268 = arith.index_cast %scan3A_21 : i32 to index
      %swap3A_269 = arith.constant 384 : index
      %swap3A_270 = tpu.vector_load %arg7[%swap3A_268, %swap3A_269] {strides = array<i32>} : memref<64x768xf32, #tpu.memory_space<vmem>>, vector<16xf32>,
      tpu.vector_store %arg7[%swap3A_268, %swap3A_269], %add3A_267 {strides = array<i32>} : memref<64x768xf32, #tpu.memory_space<vmem>>, vector<16xf32>,
      %get3A_271 = arith.index_cast %scan3A_21 : i32 to index
      %get3A_272 = arith.constant 400 : index
      %get3A_273 = tpu.vector_load %arg7[%get3A_271, %get3A_272] {strides = array<i32>} : memref<64x768xf32, #tpu.memory_space<vmem>>, vector<16xf32>,
      %get3A_274 = arith.index_cast %scan3A_21 : i32 to index
      %get3A_275 = arith.constant 400 : index
      %get3A_276 = tpu.vector_load %arg8[%get3A_274, %get3A_275] {strides = array<i32>} : memref<64x768xf32, #tpu.memory_space<vmem>>, vector<16xf32>,
      %add3A_277 = arith.addf %get3A_273, %get3A_276 : vector<16xf32>
      %swap3A_278 = arith.index_cast %scan3A_21 : i32 to index
      %swap3A_279 = arith.constant 400 : index
      %swap3A_280 = tpu.vector_load %arg7[%swap3A_278, %swap3A_279] {strides = array<i32>} : memref<64x768xf32, #tpu.memory_space<vmem>>, vector<16xf32>,
      tpu.vector_store %arg7[%swap3A_278, %swap3A_279], %add3A_277 {strides = array<i32>} : memref<64x768xf32, #tpu.memory_space<vmem>>, vector<16xf32>,
      %get3A_281 = arith.index_cast %scan3A_21 : i32 to index
      %get3A_282 = arith.constant 416 : index
      %get3A_283 = tpu.vector_load %arg7[%get3A_281, %get3A_282] {strides = array<i32>} : memref<64x768xf32, #tpu.memory_space<vmem>>, vector<16xf32>,
      %get3A_284 = arith.index_cast %scan3A_21 : i32 to index
      %get3A_285 = arith.constant 416 : index
      %get3A_286 = tpu.vector_load %arg8[%get3A_284, %get3A_285] {strides = array<i32>} : memref<64x768xf32, #tpu.memory_space<vmem>>, vector<16xf32>,
      %add3A_287 = arith.addf %get3A_283, %get3A_286 : vector<16xf32>
      %swap3A_288 = arith.index_cast %scan3A_21 : i32 to index
      %swap3A_289 = arith.constant 416 : index
      %swap3A_290 = tpu.vector_load %arg7[%swap3A_288, %swap3A_289] {strides = array<i32>} : memref<64x768xf32, #tpu.memory_space<vmem>>, vector<16xf32>,
      tpu.vector_store %arg7[%swap3A_288, %swap3A_289], %add3A_287 {strides = array<i32>} : memref<64x768xf32, #tpu.memory_space<vmem>>, vector<16xf32>,
      %get3A_291 = arith.index_cast %scan3A_21 : i32 to index
      %get3A_292 = arith.constant 432 : index
      %get3A_293 = tpu.vector_load %arg7[%get3A_291, %get3A_292] {strides = array<i32>} : memref<64x768xf32, #tpu.memory_space<vmem>>, vector<16xf32>,
      %get3A_294 = arith.index_cast %scan3A_21 : i32 to index
      %get3A_295 = arith.constant 432 : index
      %get3A_296 = tpu.vector_load %arg8[%get3A_294, %get3A_295] {strides = array<i32>} : memref<64x768xf32, #tpu.memory_space<vmem>>, vector<16xf32>,
      %add3A_297 = arith.addf %get3A_293, %get3A_296 : vector<16xf32>
      %swap3A_298 = arith.index_cast %scan3A_21 : i32 to index
      %swap3A_299 = arith.constant 432 : index
      %swap3A_300 = tpu.vector_load %arg7[%swap3A_298, %swap3A_299] {strides = array<i32>} : memref<64x768xf32, #tpu.memory_space<vmem>>, vector<16xf32>,
      tpu.vector_store %arg7[%swap3A_298, %swap3A_299], %add3A_297 {strides = array<i32>} : memref<64x768xf32, #tpu.memory_space<vmem>>, vector<16xf32>,
      %get3A_301 = arith.index_cast %scan3A_21 : i32 to index
      %get3A_302 = arith.constant 448 : index
      %get3A_303 = tpu.vector_load %arg7[%get3A_301, %get3A_302] {strides = array<i32>} : memref<64x768xf32, #tpu.memory_space<vmem>>, vector<16xf32>,
      %get3A_304 = arith.index_cast %scan3A_21 : i32 to index
      %get3A_305 = arith.constant 448 : index
      %get3A_306 = tpu.vector_load %arg8[%get3A_304, %get3A_305] {strides = array<i32>} : memref<64x768xf32, #tpu.memory_space<vmem>>, vector<16xf32>,
      %add3A_307 = arith.addf %get3A_303, %get3A_306 : vector<16xf32>
      %swap3A_308 = arith.index_cast %scan3A_21 : i32 to index
      %swap3A_309 = arith.constant 448 : index
      %swap3A_310 = tpu.vector_load %arg7[%swap3A_308, %swap3A_309] {strides = array<i32>} : memref<64x768xf32, #tpu.memory_space<vmem>>, vector<16xf32>,
      tpu.vector_store %arg7[%swap3A_308, %swap3A_309], %add3A_307 {strides = array<i32>} : memref<64x768xf32, #tpu.memory_space<vmem>>, vector<16xf32>,
      %get3A_311 = arith.index_cast %scan3A_21 : i32 to index
      %get3A_312 = arith.constant 464 : index
      %get3A_313 = tpu.vector_load %arg7[%get3A_311, %get3A_312] {strides = array<i32>} : memref<64x768xf32, #tpu.memory_space<vmem>>, vector<16xf32>,
      %get3A_314 = arith.index_cast %scan3A_21 : i32 to index
      %get3A_315 = arith.constant 464 : index
      %get3A_316 = tpu.vector_load %arg8[%get3A_314, %get3A_315] {strides = array<i32>} : memref<64x768xf32, #tpu.memory_space<vmem>>, vector<16xf32>,
      %add3A_317 = arith.addf %get3A_313, %get3A_316 : vector<16xf32>
      %swap3A_318 = arith.index_cast %scan3A_21 : i32 to index
      %swap3A_319 = arith.constant 464 : index
      %swap3A_320 = tpu.vector_load %arg7[%swap3A_318, %swap3A_319] {strides = array<i32>} : memref<64x768xf32, #tpu.memory_space<vmem>>, vector<16xf32>,
      tpu.vector_store %arg7[%swap3A_318, %swap3A_319], %add3A_317 {strides = array<i32>} : memref<64x768xf32, #tpu.memory_space<vmem>>, vector<16xf32>,
      %get3A_321 = arith.index_cast %scan3A_21 : i32 to index
      %get3A_322 = arith.constant 480 : index
      %get3A_323 = tpu.vector_load %arg7[%get3A_321, %get3A_322] {strides = array<i32>} : memref<64x768xf32, #tpu.memory_space<vmem>>, vector<16xf32>,
      %get3A_324 = arith.index_cast %scan3A_21 : i32 to index
      %get3A_325 = arith.constant 480 : index
      %get3A_326 = tpu.vector_load %arg8[%get3A_324, %get3A_325] {strides = array<i32>} : memref<64x768xf32, #tpu.memory_space<vmem>>, vector<16xf32>,
      %add3A_327 = arith.addf %get3A_323, %get3A_326 : vector<16xf32>
      %swap3A_328 = arith.index_cast %scan3A_21 : i32 to index
      %swap3A_329 = arith.constant 480 : index
      %swap3A_330 = tpu.vector_load %arg7[%swap3A_328, %swap3A_329] {strides = array<i32>} : memref<64x768xf32, #tpu.memory_space<vmem>>, vector<16xf32>,
      tpu.vector_store %arg7[%swap3A_328, %swap3A_329], %add3A_327 {strides = array<i32>} : memref<64x768xf32, #tpu.memory_space<vmem>>, vector<16xf32>,
      %get3A_331 = arith.index_cast %scan3A_21 : i32 to index
      %get3A_332 = arith.constant 496 : index
      %get3A_333 = tpu.vector_load %arg7[%get3A_331, %get3A_332] {strides = array<i32>} : memref<64x768xf32, #tpu.memory_space<vmem>>, vector<16xf32>,
      %get3A_334 = arith.index_cast %scan3A_21 : i32 to index
      %get3A_335 = arith.constant 496 : index
      %get3A_336 = tpu.vector_load %arg8[%get3A_334, %get3A_335] {strides = array<i32>} : memref<64x768xf32, #tpu.memory_space<vmem>>, vector<16xf32>,
      %add3A_337 = arith.addf %get3A_333, %get3A_336 : vector<16xf32>
      %swap3A_338 = arith.index_cast %scan3A_21 : i32 to index
      %swap3A_339 = arith.constant 496 : index
      %swap3A_340 = tpu.vector_load %arg7[%swap3A_338, %swap3A_339] {strides = array<i32>} : memref<64x768xf32, #tpu.memory_space<vmem>>, vector<16xf32>,
      tpu.vector_store %arg7[%swap3A_338, %swap3A_339], %add3A_337 {strides = array<i32>} : memref<64x768xf32, #tpu.memory_space<vmem>>, vector<16xf32>,
      %get3A_341 = arith.index_cast %scan3A_21 : i32 to index
      %get3A_342 = arith.constant 512 : index
      %get3A_343 = tpu.vector_load %arg7[%get3A_341, %get3A_342] {strides = array<i32>} : memref<64x768xf32, #tpu.memory_space<vmem>>, vector<16xf32>,
      %get3A_344 = arith.index_cast %scan3A_21 : i32 to index
      %get3A_345 = arith.constant 512 : index
      %get3A_346 = tpu.vector_load %arg8[%get3A_344, %get3A_345] {strides = array<i32>} : memref<64x768xf32, #tpu.memory_space<vmem>>, vector<16xf32>,
      %add3A_347 = arith.addf %get3A_343, %get3A_346 : vector<16xf32>
      %swap3A_348 = arith.index_cast %scan3A_21 : i32 to index
      %swap3A_349 = arith.constant 512 : index
      %swap3A_350 = tpu.vector_load %arg7[%swap3A_348, %swap3A_349] {strides = array<i32>} : memref<64x768xf32, #tpu.memory_space<vmem>>, vector<16xf32>,
      tpu.vector_store %arg7[%swap3A_348, %swap3A_349], %add3A_347 {strides = array<i32>} : memref<64x768xf32, #tpu.memory_space<vmem>>, vector<16xf32>,
      %get3A_351 = arith.index_cast %scan3A_21 : i32 to index
      %get3A_352 = arith.constant 528 : index
      %get3A_353 = tpu.vector_load %arg7[%get3A_351, %get3A_352] {strides = array<i32>} : memref<64x768xf32, #tpu.memory_space<vmem>>, vector<16xf32>,
      %get3A_354 = arith.index_cast %scan3A_21 : i32 to index
      %get3A_355 = arith.constant 528 : index
      %get3A_356 = tpu.vector_load %arg8[%get3A_354, %get3A_355] {strides = array<i32>} : memref<64x768xf32, #tpu.memory_space<vmem>>, vector<16xf32>,
      %add3A_357 = arith.addf %get3A_353, %get3A_356 : vector<16xf32>
      %swap3A_358 = arith.index_cast %scan3A_21 : i32 to index
      %swap3A_359 = arith.constant 528 : index
      %swap3A_360 = tpu.vector_load %arg7[%swap3A_358, %swap3A_359] {strides = array<i32>} : memref<64x768xf32, #tpu.memory_space<vmem>>, vector<16xf32>,
      tpu.vector_store %arg7[%swap3A_358, %swap3A_359], %add3A_357 {strides = array<i32>} : memref<64x768xf32, #tpu.memory_space<vmem>>, vector<16xf32>,
      %get3A_361 = arith.index_cast %scan3A_21 : i32 to index
      %get3A_362 = arith.constant 544 : index
      %get3A_363 = tpu.vector_load %arg7[%get3A_361, %get3A_362] {strides = array<i32>} : memref<64x768xf32, #tpu.memory_space<vmem>>, vector<16xf32>,
      %get3A_364 = arith.index_cast %scan3A_21 : i32 to index
      %get3A_365 = arith.constant 544 : index
      %get3A_366 = tpu.vector_load %arg8[%get3A_364, %get3A_365] {strides = array<i32>} : memref<64x768xf32, #tpu.memory_space<vmem>>, vector<16xf32>,
      %add3A_367 = arith.addf %get3A_363, %get3A_366 : vector<16xf32>
      %swap3A_368 = arith.index_cast %scan3A_21 : i32 to index
      %swap3A_369 = arith.constant 544 : index
      %swap3A_370 = tpu.vector_load %arg7[%swap3A_368, %swap3A_369] {strides = array<i32>} : memref<64x768xf32, #tpu.memory_space<vmem>>, vector<16xf32>,
      tpu.vector_store %arg7[%swap3A_368, %swap3A_369], %add3A_367 {strides = array<i32>} : memref<64x768xf32, #tpu.memory_space<vmem>>, vector<16xf32>,
      %get3A_371 = arith.index_cast %scan3A_21 : i32 to index
      %get3A_372 = arith.constant 560 : index
      %get3A_373 = tpu.vector_load %arg7[%get3A_371, %get3A_372] {strides = array<i32>} : memref<64x768xf32, #tpu.memory_space<vmem>>, vector<16xf32>,
      %get3A_374 = arith.index_cast %scan3A_21 : i32 to index
      %get3A_375 = arith.constant 560 : index
      %get3A_376 = tpu.vector_load %arg8[%get3A_374, %get3A_375] {strides = array<i32>} : memref<64x768xf32, #tpu.memory_space<vmem>>, vector<16xf32>,
      %add3A_377 = arith.addf %get3A_373, %get3A_376 : vector<16xf32>
      %swap3A_378 = arith.index_cast %scan3A_21 : i32 to index
      %swap3A_379 = arith.constant 560 : index
      %swap3A_380 = tpu.vector_load %arg7[%swap3A_378, %swap3A_379] {strides = array<i32>} : memref<64x768xf32, #tpu.memory_space<vmem>>, vector<16xf32>,
      tpu.vector_store %arg7[%swap3A_378, %swap3A_379], %add3A_377 {strides = array<i32>} : memref<64x768xf32, #tpu.memory_space<vmem>>, vector<16xf32>,
      %get3A_381 = arith.index_cast %scan3A_21 : i32 to index
      %get3A_382 = arith.constant 576 : index
      %get3A_383 = tpu.vector_load %arg7[%get3A_381, %get3A_382] {strides = array<i32>} : memref<64x768xf32, #tpu.memory_space<vmem>>, vector<16xf32>,
      %get3A_384 = arith.index_cast %scan3A_21 : i32 to index
      %get3A_385 = arith.constant 576 : index
      %get3A_386 = tpu.vector_load %arg8[%get3A_384, %get3A_385] {strides = array<i32>} : memref<64x768xf32, #tpu.memory_space<vmem>>, vector<16xf32>,
      %add3A_387 = arith.addf %get3A_383, %get3A_386 : vector<16xf32>
      %swap3A_388 = arith.index_cast %scan3A_21 : i32 to index
      %swap3A_389 = arith.constant 576 : index
      %swap3A_390 = tpu.vector_load %arg7[%swap3A_388, %swap3A_389] {strides = array<i32>} : memref<64x768xf32, #tpu.memory_space<vmem>>, vector<16xf32>,
      tpu.vector_store %arg7[%swap3A_388, %swap3A_389], %add3A_387 {strides = array<i32>} : memref<64x768xf32, #tpu.memory_space<vmem>>, vector<16xf32>,
      %get3A_391 = arith.index_cast %scan3A_21 : i32 to index
      %get3A_392 = arith.constant 592 : index
      %get3A_393 = tpu.vector_load %arg7[%get3A_391, %get3A_392] {strides = array<i32>} : memref<64x768xf32, #tpu.memory_space<vmem>>, vector<16xf32>,
      %get3A_394 = arith.index_cast %scan3A_21 : i32 to index
      %get3A_395 = arith.constant 592 : index
      %get3A_396 = tpu.vector_load %arg8[%get3A_394, %get3A_395] {strides = array<i32>} : memref<64x768xf32, #tpu.memory_space<vmem>>, vector<16xf32>,
      %add3A_397 = arith.addf %get3A_393, %get3A_396 : vector<16xf32>
      %swap3A_398 = arith.index_cast %scan3A_21 : i32 to index
      %swap3A_399 = arith.constant 592 : index
      %swap3A_400 = tpu.vector_load %arg7[%swap3A_398, %swap3A_399] {strides = array<i32>} : memref<64x768xf32, #tpu.memory_space<vmem>>, vector<16xf32>,
      tpu.vector_store %arg7[%swap3A_398, %swap3A_399], %add3A_397 {strides = array<i32>} : memref<64x768xf32, #tpu.memory_space<vmem>>, vector<16xf32>,
      %get3A_401 = arith.index_cast %scan3A_21 : i32 to index
      %get3A_402 = arith.constant 608 : index
      %get3A_403 = tpu.vector_load %arg7[%get3A_401, %get3A_402] {strides = array<i32>} : memref<64x768xf32, #tpu.memory_space<vmem>>, vector<16xf32>,
      %get3A_404 = arith.index_cast %scan3A_21 : i32 to index
      %get3A_405 = arith.constant 608 : index
      %get3A_406 = tpu.vector_load %arg8[%get3A_404, %get3A_405] {strides = array<i32>} : memref<64x768xf32, #tpu.memory_space<vmem>>, vector<16xf32>,
      %add3A_407 = arith.addf %get3A_403, %get3A_406 : vector<16xf32>
      %swap3A_408 = arith.index_cast %scan3A_21 : i32 to index
      %swap3A_409 = arith.constant 608 : index
      %swap3A_410 = tpu.vector_load %arg7[%swap3A_408, %swap3A_409] {strides = array<i32>} : memref<64x768xf32, #tpu.memory_space<vmem>>, vector<16xf32>,
      tpu.vector_store %arg7[%swap3A_408, %swap3A_409], %add3A_407 {strides = array<i32>} : memref<64x768xf32, #tpu.memory_space<vmem>>, vector<16xf32>,
      %get3A_411 = arith.index_cast %scan3A_21 : i32 to index
      %get3A_412 = arith.constant 624 : index
      %get3A_413 = tpu.vector_load %arg7[%get3A_411, %get3A_412] {strides = array<i32>} : memref<64x768xf32, #tpu.memory_space<vmem>>, vector<16xf32>,
      %get3A_414 = arith.index_cast %scan3A_21 : i32 to index
      %get3A_415 = arith.constant 624 : index
      %get3A_416 = tpu.vector_load %arg8[%get3A_414, %get3A_415] {strides = array<i32>} : memref<64x768xf32, #tpu.memory_space<vmem>>, vector<16xf32>,
      %add3A_417 = arith.addf %get3A_413, %get3A_416 : vector<16xf32>
      %swap3A_418 = arith.index_cast %scan3A_21 : i32 to index
      %swap3A_419 = arith.constant 624 : index
      %swap3A_420 = tpu.vector_load %arg7[%swap3A_418, %swap3A_419] {strides = array<i32>} : memref<64x768xf32, #tpu.memory_space<vmem>>, vector<16xf32>,
      tpu.vector_store %arg7[%swap3A_418, %swap3A_419], %add3A_417 {strides = array<i32>} : memref<64x768xf32, #tpu.memory_space<vmem>>, vector<16xf32>,
      %get3A_421 = arith.index_cast %scan3A_21 : i32 to index
      %get3A_422 = arith.constant 640 : index
      %get3A_423 = tpu.vector_load %arg7[%get3A_421, %get3A_422] {strides = array<i32>} : memref<64x768xf32, #tpu.memory_space<vmem>>, vector<16xf32>,
      %get3A_424 = arith.index_cast %scan3A_21 : i32 to index
      %get3A_425 = arith.constant 640 : index
      %get3A_426 = tpu.vector_load %arg8[%get3A_424, %get3A_425] {strides = array<i32>} : memref<64x768xf32, #tpu.memory_space<vmem>>, vector<16xf32>,
      %add3A_427 = arith.addf %get3A_423, %get3A_426 : vector<16xf32>
      %swap3A_428 = arith.index_cast %scan3A_21 : i32 to index
      %swap3A_429 = arith.constant 640 : index
      %swap3A_430 = tpu.vector_load %arg7[%swap3A_428, %swap3A_429] {strides = array<i32>} : memref<64x768xf32, #tpu.memory_space<vmem>>, vector<16xf32>,
      tpu.vector_store %arg7[%swap3A_428, %swap3A_429], %add3A_427 {strides = array<i32>} : memref<64x768xf32, #tpu.memory_space<vmem>>, vector<16xf32>,
      %get3A_431 = arith.index_cast %scan3A_21 : i32 to index
      %get3A_432 = arith.constant 656 : index
      %get3A_433 = tpu.vector_load %arg7[%get3A_431, %get3A_432] {strides = array<i32>} : memref<64x768xf32, #tpu.memory_space<vmem>>, vector<16xf32>,
      %get3A_434 = arith.index_cast %scan3A_21 : i32 to index
      %get3A_435 = arith.constant 656 : index
      %get3A_436 = tpu.vector_load %arg8[%get3A_434, %get3A_435] {strides = array<i32>} : memref<64x768xf32, #tpu.memory_space<vmem>>, vector<16xf32>,
      %add3A_437 = arith.addf %get3A_433, %get3A_436 : vector<16xf32>
      %swap3A_438 = arith.index_cast %scan3A_21 : i32 to index
      %swap3A_439 = arith.constant 656 : index
      %swap3A_440 = tpu.vector_load %arg7[%swap3A_438, %swap3A_439] {strides = array<i32>} : memref<64x768xf32, #tpu.memory_space<vmem>>, vector<16xf32>,
      tpu.vector_store %arg7[%swap3A_438, %swap3A_439], %add3A_437 {strides = array<i32>} : memref<64x768xf32, #tpu.memory_space<vmem>>, vector<16xf32>,
      %get3A_441 = arith.index_cast %scan3A_21 : i32 to index
      %get3A_442 = arith.constant 672 : index
      %get3A_443 = tpu.vector_load %arg7[%get3A_441, %get3A_442] {strides = array<i32>} : memref<64x768xf32, #tpu.memory_space<vmem>>, vector<16xf32>,
      %get3A_444 = arith.index_cast %scan3A_21 : i32 to index
      %get3A_445 = arith.constant 672 : index
      %get3A_446 = tpu.vector_load %arg8[%get3A_444, %get3A_445] {strides = array<i32>} : memref<64x768xf32, #tpu.memory_space<vmem>>, vector<16xf32>,
      %add3A_447 = arith.addf %get3A_443, %get3A_446 : vector<16xf32>
      %swap3A_448 = arith.index_cast %scan3A_21 : i32 to index
      %swap3A_449 = arith.constant 672 : index
      %swap3A_450 = tpu.vector_load %arg7[%swap3A_448, %swap3A_449] {strides = array<i32>} : memref<64x768xf32, #tpu.memory_space<vmem>>, vector<16xf32>,
      tpu.vector_store %arg7[%swap3A_448, %swap3A_449], %add3A_447 {strides = array<i32>} : memref<64x768xf32, #tpu.memory_space<vmem>>, vector<16xf32>,
      %get3A_451 = arith.index_cast %scan3A_21 : i32 to index
      %get3A_452 = arith.constant 688 : index
      %get3A_453 = tpu.vector_load %arg7[%get3A_451, %get3A_452] {strides = array<i32>} : memref<64x768xf32, #tpu.memory_space<vmem>>, vector<16xf32>,
      %get3A_454 = arith.index_cast %scan3A_21 : i32 to index
      %get3A_455 = arith.constant 688 : index
      %get3A_456 = tpu.vector_load %arg8[%get3A_454, %get3A_455] {strides = array<i32>} : memref<64x768xf32, #tpu.memory_space<vmem>>, vector<16xf32>,
      %add3A_457 = arith.addf %get3A_453, %get3A_456 : vector<16xf32>
      %swap3A_458 = arith.index_cast %scan3A_21 : i32 to index
      %swap3A_459 = arith.constant 688 : index
      %swap3A_460 = tpu.vector_load %arg7[%swap3A_458, %swap3A_459] {strides = array<i32>} : memref<64x768xf32, #tpu.memory_space<vmem>>, vector<16xf32>,
      tpu.vector_store %arg7[%swap3A_458, %swap3A_459], %add3A_457 {strides = array<i32>} : memref<64x768xf32, #tpu.memory_space<vmem>>, vector<16xf32>,
      %get3A_461 = arith.index_cast %scan3A_21 : i32 to index
      %get3A_462 = arith.constant 704 : index
      %get3A_463 = tpu.vector_load %arg7[%get3A_461, %get3A_462] {strides = array<i32>} : memref<64x768xf32, #tpu.memory_space<vmem>>, vector<16xf32>,
      %get3A_464 = arith.index_cast %scan3A_21 : i32 to index
      %get3A_465 = arith.constant 704 : index
      %get3A_466 = tpu.vector_load %arg8[%get3A_464, %get3A_465] {strides = array<i32>} : memref<64x768xf32, #tpu.memory_space<vmem>>, vector<16xf32>,
      %add3A_467 = arith.addf %get3A_463, %get3A_466 : vector<16xf32>
      %swap3A_468 = arith.index_cast %scan3A_21 : i32 to index
      %swap3A_469 = arith.constant 704 : index
      %swap3A_470 = tpu.vector_load %arg7[%swap3A_468, %swap3A_469] {strides = array<i32>} : memref<64x768xf32, #tpu.memory_space<vmem>>, vector<16xf32>,
      tpu.vector_store %arg7[%swap3A_468, %swap3A_469], %add3A_467 {strides = array<i32>} : memref<64x768xf32, #tpu.memory_space<vmem>>, vector<16xf32>,
      %get3A_471 = arith.index_cast %scan3A_21 : i32 to index
      %get3A_472 = arith.constant 720 : index
      %get3A_473 = tpu.vector_load %arg7[%get3A_471, %get3A_472] {strides = array<i32>} : memref<64x768xf32, #tpu.memory_space<vmem>>, vector<16xf32>,
      %get3A_474 = arith.index_cast %scan3A_21 : i32 to index
      %get3A_475 = arith.constant 720 : index
      %get3A_476 = tpu.vector_load %arg8[%get3A_474, %get3A_475] {strides = array<i32>} : memref<64x768xf32, #tpu.memory_space<vmem>>, vector<16xf32>,
      %add3A_477 = arith.addf %get3A_473, %get3A_476 : vector<16xf32>
      %swap3A_478 = arith.index_cast %scan3A_21 : i32 to index
      %swap3A_479 = arith.constant 720 : index
      %swap3A_480 = tpu.vector_load %arg7[%swap3A_478, %swap3A_479] {strides = array<i32>} : memref<64x768xf32, #tpu.memory_space<vmem>>, vector<16xf32>,
      tpu.vector_store %arg7[%swap3A_478, %swap3A_479], %add3A_477 {strides = array<i32>} : memref<64x768xf32, #tpu.memory_space<vmem>>, vector<16xf32>,
      %get3A_481 = arith.index_cast %scan3A_21 : i32 to index
      %get3A_482 = arith.constant 736 : index
      %get3A_483 = tpu.vector_load %arg7[%get3A_481, %get3A_482] {strides = array<i32>} : memref<64x768xf32, #tpu.memory_space<vmem>>, vector<16xf32>,
      %get3A_484 = arith.index_cast %scan3A_21 : i32 to index
      %get3A_485 = arith.constant 736 : index
      %get3A_486 = tpu.vector_load %arg8[%get3A_484, %get3A_485] {strides = array<i32>} : memref<64x768xf32, #tpu.memory_space<vmem>>, vector<16xf32>,
      %add3A_487 = arith.addf %get3A_483, %get3A_486 : vector<16xf32>
      %swap3A_488 = arith.index_cast %scan3A_21 : i32 to index
      %swap3A_489 = arith.constant 736 : index
      %swap3A_490 = tpu.vector_load %arg7[%swap3A_488, %swap3A_489] {strides = array<i32>} : memref<64x768xf32, #tpu.memory_space<vmem>>, vector<16xf32>,
      tpu.vector_store %arg7[%swap3A_488, %swap3A_489], %add3A_487 {strides = array<i32>} : memref<64x768xf32, #tpu.memory_space<vmem>>, vector<16xf32>,
      %get3A_491 = arith.index_cast %scan3A_21 : i32 to index
      %get3A_492 = arith.constant 752 : index
      %get3A_493 = tpu.vector_load %arg7[%get3A_491, %get3A_492] {strides = array<i32>} : memref<64x768xf32, #tpu.memory_space<vmem>>, vector<16xf32>,
      %get3A_494 = arith.index_cast %scan3A_21 : i32 to index
      %get3A_495 = arith.constant 752 : index
      %get3A_496 = tpu.vector_load %arg8[%get3A_494, %get3A_495] {strides = array<i32>} : memref<64x768xf32, #tpu.memory_space<vmem>>, vector<16xf32>,
      %add3A_497 = arith.addf %get3A_493, %get3A_496 : vector<16xf32>
      %swap3A_498 = arith.index_cast %scan3A_21 : i32 to index
      %swap3A_499 = arith.constant 752 : index
      %swap3A_500 = tpu.vector_load %arg7[%swap3A_498, %swap3A_499] {strides = array<i32>} : memref<64x768xf32, #tpu.memory_space<vmem>>, vector<16xf32>,
      tpu.vector_store %arg7[%swap3A_498, %swap3A_499], %add3A_497 {strides = array<i32>} : memref<64x768xf32, #tpu.memory_space<vmem>>, vector<16xf32>,
      %scan3A_501 = arith.constant 0 : i32
      scf.yield %scan3A_501 : i32
    }
    %scan3A_20 = arith.constant 64 : i32
    "tpu.region"() ({
      %run_scoped3A = tpu.sem_alloc : memref<!tpu.dma_semaphore, #tpu.memory_space<semaphore_mem>>
      %dma_start3A_21 = arith.constant 0 : i32
      %dma_start3A_22 = tpu.memref_slice %arg4[%mul3A_2, %dma_start3A_21] : memref<2048x768xf32, #tpu.memory_space<hbm>> -> memref<64x768xf32, #tpu.memory_space<hbm>>
      %dma_start3A_23 = arith.constant 0 : i32
      %dma_start3A_24 = tpu.memref_slice %arg4[%mul3A_2, %dma_start3A_23] : memref<2048x768xf32, #tpu.memory_space<hbm>> -> memref<64x768xf32, #tpu.memory_space<hbm>>
      tpu.enqueue_dma source(%arg7 : memref<64x768xf32, #tpu.memory_space<vmem>>) target(%dma_start3A_24 : memref<64x768xf32, #tpu.memory_space<hbm>>) target_semaphore(%run_scoped3A : memref<!tpu.dma_semaphore, #tpu.memory_space<semaphore_mem>>)
      %dma_wait3A_25 = arith.constant 0 : i32
      %dma_wait3A_26 = tpu.memref_slice %arg4[%mul3A_2, %dma_wait3A_25] : memref<2048x768xf32, #tpu.memory_space<hbm>> -> memref<64x768xf32, #tpu.memory_space<hbm>>
      %dma_wait3A_27 = arith.constant 0 : i32
      %dma_wait3A_28 = tpu.memref_slice %arg4[%mul3A_2, %dma_wait3A_27] : memref<2048x768xf32, #tpu.memory_space<hbm>> -> memref<64x768xf32, #tpu.memory_space<hbm>>
      tpu.wait_dma2 semaphore(%run_scoped3A : memref<!tpu.dma_semaphore, #tpu.memory_space<semaphore_mem>>) src(%arg7 : memref<64x768xf32, #tpu.memory_space<vmem>>) dst(%dma_wait3A_28 : memref<64x768xf32, #tpu.memory_space<hbm>>)
      tpu.yield
    }) : () -> ()
    return
  }
}

module attributes {stable_mosaic.version = 14 : i64} {
  func.func @tc_router(%arg0: memref<1x2048x768xf32, #tpu.memory_space<vmem>>, %arg1: memref<2048x8xf32, #tpu.memory_space<vmem>>, %arg2: memref<768x8xf32, #tpu.memory_space<vmem>>, %arg3: memref<1x8xf32, #tpu.memory_space<vmem>>, %arg4: memref<768x8xf32, #tpu.memory_space<vmem>>, %arg5: memref<1x8xf32, #tpu.memory_space<vmem>>, %arg6: memref<4096x1xi32, #tpu.memory_space<vmem>>, %arg7: memref<4096x1xf32, #tpu.memory_space<vmem>>) attributes {dimension_semantics = [], scalar_prefetch = 0 : i64, scratch_operands = 0 : i64, tpu.core_type = #tpu.core_type<tc>} {
    %get3A = arith.constant 0 : index
    %get3A_0 = arith.constant 0 : index
    %get3A_1 = arith.constant 0 : index
    %get3A_2 = vector.load %arg0[%get3A, %get3A_0, %get3A_1] : memref<1x2048x768xf32, #tpu.memory_space<vmem>>, vector<1x2048x768xf32>
    %get3A_3 = vector.shape_cast %get3A_2 : vector<1x2048x768xf32> to vector<2048x768xf32>
    %get3A_4 = arith.constant 0 : index
    %get3A_5 = arith.constant 0 : index
    %get3A_6 = vector.load %arg2[%get3A_4, %get3A_5] : memref<768x8xf32, #tpu.memory_space<vmem>>, vector<768x8xf32>
    %dot_general3A = arith.constant dense<0.000000e+00> : vector<2048x8xf32>
    %dot_general3A_7 = tpu.matmul %get3A_3, %get3A_6, %dot_general3A {dimension_numbers = #tpu.dot_dimension_numbers<[1], [0], [0], [1], [0, 0, 1, 1], [], []>, transpose_lhs_hint = false} : vector<2048x768xf32>, vector<768x8xf32>, vector<2048x8xf32> -> vector<2048x8xf32>
    %get3A_8 = arith.constant 0 : index
    %get3A_9 = arith.constant 0 : index
    %get3A_10 = vector.load %arg3[%get3A_8, %get3A_9] : memref<1x8xf32, #tpu.memory_space<vmem>>, vector<1x8xf32>
    %add3A = vector.broadcast %get3A_10 : vector<1x8xf32> to vector<2048x8xf32>
    %add3A_11 = arith.addf %dot_general3A_7, %add3A : vector<2048x8xf32>
    %get3A_12 = arith.constant 0 : index
    %get3A_13 = arith.constant 0 : index
    %get3A_14 = vector.load %arg4[%get3A_12, %get3A_13] : memref<768x8xf32, #tpu.memory_space<vmem>>, vector<768x8xf32>
    %dot_general3A_15 = arith.constant dense<0.000000e+00> : vector<2048x8xf32>
    %dot_general3A_16 = tpu.matmul %get3A_3, %get3A_14, %dot_general3A_15 {dimension_numbers = #tpu.dot_dimension_numbers<[1], [0], [0], [1], [0, 0, 1, 1], [], []>, transpose_lhs_hint = false} : vector<2048x768xf32>, vector<768x8xf32>, vector<2048x8xf32> -> vector<2048x8xf32>
    %get3A_17 = arith.constant 0 : index
    %get3A_18 = arith.constant 0 : index
    %get3A_19 = vector.load %arg5[%get3A_17, %get3A_18] : memref<1x8xf32, #tpu.memory_space<vmem>>, vector<1x8xf32>
    %add3A_20 = vector.broadcast %get3A_19 : vector<1x8xf32> to vector<2048x8xf32>
    %add3A_21 = arith.addf %dot_general3A_16, %add3A_20 : vector<2048x8xf32>
    %max3A = arith.constant 0.000000e+00 : f32
    %max3A_22 = vector.broadcast %max3A : f32 to vector<2048x8xf32>
    %max3A_23 = arith.maximumf %add3A_21, %max3A_22 : vector<2048x8xf32>
    %abs3A = math.absf %add3A_21 : vector<2048x8xf32>
    %neg3A = arith.constant 0.000000e+00 : f32
    %neg3A_24 = vector.broadcast %neg3A : f32 to vector<2048x8xf32>
    %neg3A_25 = arith.subf %neg3A_24, %abs3A : vector<2048x8xf32>
    %exp3A = math.exp %neg3A_25 : vector<2048x8xf32>
    %log1p3A = math.log1p %exp3A : vector<2048x8xf32>
    %add3A_26 = arith.addf %max3A_23, %log1p3A : vector<2048x8xf32>
    %get3A_27 = arith.constant 0 : index
    %get3A_28 = arith.constant 0 : index
    %get3A_29 = vector.load %arg1[%get3A_27, %get3A_28] : memref<2048x8xf32, #tpu.memory_space<vmem>>, vector<2048x8xf32>
    %mul3A = arith.mulf %get3A_29, %add3A_26 : vector<2048x8xf32>
    %add3A_30 = arith.addf %add3A_11, %mul3A : vector<2048x8xf32>
    %iota3A = tpu.iota {dimensions = array<i32: 1>} : vector<2048x8xi32>
    %reduce_max3A = arith.constant dense<0xFF800000> : vector<2048xf32>
    %reduce_max3A_31 = vector.multi_reduction <maximumf>, %add3A_30, %reduce_max3A [1] : vector<2048x8xf32> to vector<2048xf32>
    %broadcast_in_dim3A = vector.shape_cast %reduce_max3A_31 : vector<2048xf32> to vector<2048x1xf32>
    %eq3A = vector.broadcast %broadcast_in_dim3A : vector<2048x1xf32> to vector<2048x8xf32>
    %eq3A_32 = arith.cmpf oeq, %add3A_30, %eq3A : vector<2048x8xf32>
    %jit3A = arith.constant 8 : i32
    %broadcast_in_dim3A_33 = vector.broadcast %jit3A : i32 to vector<2048x8xi32>
    %select_n3A = arith.select %eq3A_32, %iota3A, %broadcast_in_dim3A_33 : vector<2048x8xi1>, vector<2048x8xi32>
    %reduce_min3A = arith.constant dense<2147483647> : vector<2048xi32>
    %reduce_min3A_34 = vector.multi_reduction <minsi>, %select_n3A, %reduce_min3A [1] : vector<2048x8xi32> to vector<2048xi32>
    %broadcast_in_dim3A_35 = vector.shape_cast %reduce_min3A_34 : vector<2048xi32> to vector<2048x1xi32>
    %eq3A_36 = vector.broadcast %broadcast_in_dim3A_35 : vector<2048x1xi32> to vector<2048x8xi32>
    %eq3A_37 = arith.cmpi eq, %iota3A, %eq3A_36 : vector<2048x8xi32>
    %jit3A_38 = arith.constant 0xFF800000 : f32
    %broadcast_in_dim3A_39 = vector.broadcast %jit3A_38 : f32 to vector<2048x8xf32>
    %select_n3A_40 = arith.select %eq3A_37, %broadcast_in_dim3A_39, %add3A_30 : vector<2048x8xi1>, vector<2048x8xf32>
    %reduce_max3A_41 = arith.constant dense<0xFF800000> : vector<2048xf32>
    %reduce_max3A_42 = vector.multi_reduction <maximumf>, %select_n3A_40, %reduce_max3A_41 [1] : vector<2048x8xf32> to vector<2048xf32>
    %broadcast_in_dim3A_43 = vector.shape_cast %reduce_max3A_42 : vector<2048xf32> to vector<2048x1xf32>
    %eq3A_44 = vector.broadcast %broadcast_in_dim3A_43 : vector<2048x1xf32> to vector<2048x8xf32>
    %eq3A_45 = arith.cmpf oeq, %select_n3A_40, %eq3A_44 : vector<2048x8xf32>
    %jit3A_46 = arith.constant 8 : i32
    %broadcast_in_dim3A_47 = vector.broadcast %jit3A_46 : i32 to vector<2048x8xi32>
    %select_n3A_48 = arith.select %eq3A_45, %iota3A, %broadcast_in_dim3A_47 : vector<2048x8xi1>, vector<2048x8xi32>
    %reduce_min3A_49 = arith.constant dense<2147483647> : vector<2048xi32>
    %reduce_min3A_50 = vector.multi_reduction <minsi>, %select_n3A_48, %reduce_min3A_49 [1] : vector<2048x8xi32> to vector<2048xi32>
    %broadcast_in_dim3A_51 = vector.shape_cast %reduce_min3A_50 : vector<2048xi32> to vector<2048x1xi32>
    %eq3A_52 = vector.broadcast %broadcast_in_dim3A_35 : vector<2048x1xi32> to vector<2048x8xi32>
    %eq3A_53 = arith.cmpi eq, %iota3A, %eq3A_52 : vector<2048x8xi32>
    %eq3A_54 = vector.broadcast %broadcast_in_dim3A_51 : vector<2048x1xi32> to vector<2048x8xi32>
    %eq3A_55 = arith.cmpi eq, %iota3A, %eq3A_54 : vector<2048x8xi32>
    %or3A = arith.ori %eq3A_53, %eq3A_55 : vector<2048x8xi1>
    %sub3A = vector.broadcast %broadcast_in_dim3A : vector<2048x1xf32> to vector<2048x8xf32>
    %sub3A_56 = arith.subf %add3A_30, %sub3A : vector<2048x8xf32>
    %exp3A_57 = math.exp %sub3A_56 : vector<2048x8xf32>
    %jit3A_58 = arith.constant 0.000000e+00 : f32
    %broadcast_in_dim3A_59 = vector.broadcast %jit3A_58 : f32 to vector<2048x8xf32>
    %select_n3A_60 = arith.select %or3A, %exp3A_57, %broadcast_in_dim3A_59 : vector<2048x8xi1>, vector<2048x8xf32>
    %reduce_sum3A = arith.constant dense<0.000000e+00> : vector<2048xf32>
    %reduce_sum3A_61 = vector.multi_reduction <add>, %select_n3A_60, %reduce_sum3A [1] : vector<2048x8xf32> to vector<2048xf32>
    %broadcast_in_dim3A_62 = vector.shape_cast %reduce_sum3A_61 : vector<2048xf32> to vector<2048x1xf32>
    %eq3A_63 = vector.broadcast %broadcast_in_dim3A_35 : vector<2048x1xi32> to vector<2048x8xi32>
    %eq3A_64 = arith.cmpi eq, %iota3A, %eq3A_63 : vector<2048x8xi32>
    %jit3A_65 = arith.constant 0.000000e+00 : f32
    %broadcast_in_dim3A_66 = vector.broadcast %jit3A_65 : f32 to vector<2048x8xf32>
    %select_n3A_67 = arith.select %eq3A_64, %select_n3A_60, %broadcast_in_dim3A_66 : vector<2048x8xi1>, vector<2048x8xf32>
    %reduce_sum3A_68 = arith.constant dense<0.000000e+00> : vector<2048xf32>
    %reduce_sum3A_69 = vector.multi_reduction <add>, %select_n3A_67, %reduce_sum3A_68 [1] : vector<2048x8xf32> to vector<2048xf32>
    %broadcast_in_dim3A_70 = vector.shape_cast %reduce_sum3A_69 : vector<2048xf32> to vector<2048x1xf32>
    %eq3A_71 = vector.broadcast %broadcast_in_dim3A_51 : vector<2048x1xi32> to vector<2048x8xi32>
    %eq3A_72 = arith.cmpi eq, %iota3A, %eq3A_71 : vector<2048x8xi32>
    %jit3A_73 = arith.constant 0.000000e+00 : f32
    %broadcast_in_dim3A_74 = vector.broadcast %jit3A_73 : f32 to vector<2048x8xf32>
    %select_n3A_75 = arith.select %eq3A_72, %select_n3A_60, %broadcast_in_dim3A_74 : vector<2048x8xi1>, vector<2048x8xf32>
    %reduce_sum3A_76 = arith.constant dense<0.000000e+00> : vector<2048xf32>
    %reduce_sum3A_77 = vector.multi_reduction <add>, %select_n3A_75, %reduce_sum3A_76 [1] : vector<2048x8xf32> to vector<2048xf32>
    %broadcast_in_dim3A_78 = vector.shape_cast %reduce_sum3A_77 : vector<2048xf32> to vector<2048x1xf32>
    %swap3A = arith.constant 0 : index
    %swap3A_79 = arith.constant 0 : index
    %swap3A_80 = vector.load %arg6[%swap3A, %swap3A_79] : memref<4096x1xi32, #tpu.memory_space<vmem>>, vector<2048x1xi32>
    tpu.vector_store %arg6[%swap3A, %swap3A_79], %broadcast_in_dim3A_35 {strides = array<i32>} : memref<4096x1xi32, #tpu.memory_space<vmem>>, vector<2048x1xi32>,
    %swap3A_81 = arith.constant 2048 : index
    %swap3A_82 = arith.constant 0 : index
    %swap3A_83 = vector.load %arg6[%swap3A_81, %swap3A_82] : memref<4096x1xi32, #tpu.memory_space<vmem>>, vector<2048x1xi32>
    tpu.vector_store %arg6[%swap3A_81, %swap3A_82], %broadcast_in_dim3A_51 {strides = array<i32>} : memref<4096x1xi32, #tpu.memory_space<vmem>>, vector<2048x1xi32>,
    %div3A = arith.divf %broadcast_in_dim3A_70, %broadcast_in_dim3A_62 : vector<2048x1xf32>
    %swap3A_84 = arith.constant 0 : index
    %swap3A_85 = arith.constant 0 : index
    %swap3A_86 = vector.load %arg7[%swap3A_84, %swap3A_85] : memref<4096x1xf32, #tpu.memory_space<vmem>>, vector<2048x1xf32>
    tpu.vector_store %arg7[%swap3A_84, %swap3A_85], %div3A {strides = array<i32>} : memref<4096x1xf32, #tpu.memory_space<vmem>>, vector<2048x1xf32>,
    %div3A_87 = arith.divf %broadcast_in_dim3A_78, %broadcast_in_dim3A_62 : vector<2048x1xf32>
    %swap3A_88 = arith.constant 2048 : index
    %swap3A_89 = arith.constant 0 : index
    %swap3A_90 = vector.load %arg7[%swap3A_88, %swap3A_89] : memref<4096x1xf32, #tpu.memory_space<vmem>>, vector<2048x1xf32>
    tpu.vector_store %arg7[%swap3A_88, %swap3A_89], %div3A_87 {strides = array<i32>} : memref<4096x1xf32, #tpu.memory_space<vmem>>, vector<2048x1xf32>,
    return
  }
}

module attributes {stable_mosaic.version = 14 : i64} {
  func.func @tc_ffn(%arg0: i32, %arg1: memref<24xi32, #tpu.memory_space<smem>>, %arg2: memref<1xi32, #tpu.memory_space<smem>>, %arg3: memref<256x768xf32, #tpu.memory_space<vmem>>, %arg4: memref<256x1xf32, #tpu.memory_space<vmem>>, %arg5: memref<1x768x3072xf32, #tpu.memory_space<vmem>>, %arg6: memref<1x1x3072xf32, #tpu.memory_space<vmem>>, %arg7: memref<1x3072x768xf32, #tpu.memory_space<vmem>>, %arg8: memref<1x1x768xf32, #tpu.memory_space<vmem>>, %arg9: memref<256x768xf32, #tpu.memory_space<vmem>>) attributes {dimension_semantics = [#tpu.dimension_semantics<arbitrary>], iteration_bounds = array<i64: 24>, scalar_prefetch = 2 : i64, scratch_operands = 0 : i64, tpu.core_type = #tpu.core_type<tc>, window_params = [{transform_indices = @transform_0, window_bounds = array<i64: 256, 768>}, {transform_indices = @transform_1, window_bounds = array<i64: 256, 1>}, {transform_indices = @transform_2, window_bounds = array<i64: 1, 768, 3072>}, {transform_indices = @transform_3, window_bounds = array<i64: 1, 1, 3072>}, {transform_indices = @transform_4, window_bounds = array<i64: 1, 3072, 768>}, {transform_indices = @transform_5, window_bounds = array<i64: 1, 1, 768>}, {transform_indices = @transform_6, window_bounds = array<i64: 256, 768>}]} {
    %get3A = arith.constant 0 : index
    %get3A_0 = memref.load %arg2[%get3A] : memref<1xi32, #tpu.memory_space<smem>>
    %lt3A = arith.cmpi slt, %arg0, %get3A_0 : i32
    %convert_element_type3A = arith.extui %lt3A : i1 to i32
    %cond3A = arith.constant 0 : i32
    %cond3A_1 = arith.cmpi ne, %convert_element_type3A, %cond3A : i32
    scf.if %cond3A_1 {
      %get3A_2 = arith.constant 0 : index
      %get3A_3 = arith.constant 0 : index
      %get3A_4 = vector.load %arg3[%get3A_2, %get3A_3] : memref<256x768xf32, #tpu.memory_space<vmem>>, vector<256x768xf32>
      %convert_element_type3A_5 = arith.truncf %get3A_4 : vector<256x768xf32> to vector<256x768xbf16>
      %get3A_6 = arith.constant 0 : index
      %get3A_7 = arith.constant 0 : index
      %get3A_8 = arith.constant 0 : index
      %get3A_9 = vector.load %arg5[%get3A_6, %get3A_7, %get3A_8] : memref<1x768x3072xf32, #tpu.memory_space<vmem>>, vector<1x768x3072xf32>
      %get3A_10 = vector.shape_cast %get3A_9 : vector<1x768x3072xf32> to vector<768x3072xf32>
      %convert_element_type3A_11 = arith.truncf %get3A_10 : vector<768x3072xf32> to vector<768x3072xbf16>
      %dot_general3A = arith.constant dense<0.000000e+00> : vector<256x3072xf32>
      %dot_general3A_12 = tpu.matmul %convert_element_type3A_5, %convert_element_type3A_11, %dot_general3A {dimension_numbers = #tpu.dot_dimension_numbers<[1], [0], [0], [1], [0, 0, 1, 1], [], []>, transpose_lhs_hint = false} : vector<256x768xbf16>, vector<768x3072xbf16>, vector<256x3072xf32> -> vector<256x3072xf32>
      %get3A_13 = arith.constant 0 : index
      %get3A_14 = arith.constant 0 : index
      %get3A_15 = arith.constant 0 : index
      %get3A_16 = vector.load %arg6[%get3A_13, %get3A_14, %get3A_15] : memref<1x1x3072xf32, #tpu.memory_space<vmem>>, vector<1x1x3072xf32>
      %get3A_17 = vector.shape_cast %get3A_16 : vector<1x1x3072xf32> to vector<1x3072xf32>
      %add3A = vector.broadcast %get3A_17 : vector<1x3072xf32> to vector<256x3072xf32>
      %add3A_18 = arith.addf %dot_general3A_12, %add3A : vector<256x3072xf32>
      %max3A = arith.constant 0.000000e+00 : f32
      %max3A_19 = vector.broadcast %max3A : f32 to vector<256x3072xf32>
      %max3A_20 = arith.maximumf %add3A_18, %max3A_19 : vector<256x3072xf32>
      %convert_element_type3A_21 = arith.truncf %max3A_20 : vector<256x3072xf32> to vector<256x3072xbf16>
      %get3A_22 = arith.constant 0 : index
      %get3A_23 = arith.constant 0 : index
      %get3A_24 = arith.constant 0 : index
      %get3A_25 = vector.load %arg7[%get3A_22, %get3A_23, %get3A_24] : memref<1x3072x768xf32, #tpu.memory_space<vmem>>, vector<1x3072x768xf32>
      %get3A_26 = vector.shape_cast %get3A_25 : vector<1x3072x768xf32> to vector<3072x768xf32>
      %convert_element_type3A_27 = arith.truncf %get3A_26 : vector<3072x768xf32> to vector<3072x768xbf16>
      %dot_general3A_28 = arith.constant dense<0.000000e+00> : vector<256x768xf32>
      %dot_general3A_29 = tpu.matmul %convert_element_type3A_21, %convert_element_type3A_27, %dot_general3A_28 {dimension_numbers = #tpu.dot_dimension_numbers<[1], [0], [0], [1], [0, 0, 1, 1], [], []>, transpose_lhs_hint = false} : vector<256x3072xbf16>, vector<3072x768xbf16>, vector<256x768xf32> -> vector<256x768xf32>
      %get3A_30 = arith.constant 0 : index
      %get3A_31 = arith.constant 0 : index
      %get3A_32 = arith.constant 0 : index
      %get3A_33 = vector.load %arg8[%get3A_30, %get3A_31, %get3A_32] : memref<1x1x768xf32, #tpu.memory_space<vmem>>, vector<1x1x768xf32>
      %get3A_34 = vector.shape_cast %get3A_33 : vector<1x1x768xf32> to vector<1x768xf32>
      %add3A_35 = vector.broadcast %get3A_34 : vector<1x768xf32> to vector<256x768xf32>
      %add3A_36 = arith.addf %dot_general3A_29, %add3A_35 : vector<256x768xf32>
      %get3A_37 = arith.constant 0 : index
      %get3A_38 = arith.constant 0 : index
      %get3A_39 = vector.load %arg4[%get3A_37, %get3A_38] : memref<256x1xf32, #tpu.memory_space<vmem>>, vector<256x1xf32>
      %mul3A = vector.broadcast %get3A_39 : vector<256x1xf32> to vector<256x768xf32>
      %mul3A_40 = arith.mulf %add3A_36, %mul3A : vector<256x768xf32>
      %swap3A = arith.constant 0 : index
      %swap3A_41 = arith.constant 0 : index
      %swap3A_42 = vector.load %arg9[%swap3A, %swap3A_41] : memref<256x768xf32, #tpu.memory_space<vmem>>, vector<256x768xf32>
      tpu.vector_store %arg9[%swap3A, %swap3A_41], %mul3A_40 {strides = array<i32>} : memref<256x768xf32, #tpu.memory_space<vmem>>, vector<256x768xf32>,
    } else {
    }
    return
  }
  func.func @transform_0(%arg0: i32, %arg1: memref<24xi32, #tpu.memory_space<smem>>, %arg2: memref<1xi32, #tpu.memory_space<smem>>) -> (i32, i32) {
    %c0_i32 = arith.constant 0 : i32
    %c0_i32_0 = arith.constant 0 : i32
    return %arg0, %c0_i32 : i32, i32
  }
  func.func @transform_1(%arg0: i32, %arg1: memref<24xi32, #tpu.memory_space<smem>>, %arg2: memref<1xi32, #tpu.memory_space<smem>>) -> (i32, i32) {
    %c0_i32 = arith.constant 0 : i32
    %c0_i32_0 = arith.constant 0 : i32
    return %arg0, %c0_i32 : i32, i32
  }
  func.func @transform_2(%arg0: i32, %arg1: memref<24xi32, #tpu.memory_space<smem>>, %arg2: memref<1xi32, #tpu.memory_space<smem>>) -> (i32, i32, i32) {
    %get3A = arith.index_cast %arg0 : i32 to index
    %get3A_0 = memref.load %arg1[%get3A] : memref<24xi32, #tpu.memory_space<smem>>
    %c0_i32 = arith.constant 0 : i32
    %c0_i32_1 = arith.constant 0 : i32
    %c0_i32_2 = arith.constant 0 : i32
    return %get3A_0, %c0_i32, %c0_i32_1 : i32, i32, i32
  }
  func.func @transform_3(%arg0: i32, %arg1: memref<24xi32, #tpu.memory_space<smem>>, %arg2: memref<1xi32, #tpu.memory_space<smem>>) -> (i32, i32, i32) {
    %get3A = arith.index_cast %arg0 : i32 to index
    %get3A_0 = memref.load %arg1[%get3A] : memref<24xi32, #tpu.memory_space<smem>>
    %c0_i32 = arith.constant 0 : i32
    %c0_i32_1 = arith.constant 0 : i32
    %c0_i32_2 = arith.constant 0 : i32
    return %get3A_0, %c0_i32, %c0_i32_1 : i32, i32, i32
  }
  func.func @transform_4(%arg0: i32, %arg1: memref<24xi32, #tpu.memory_space<smem>>, %arg2: memref<1xi32, #tpu.memory_space<smem>>) -> (i32, i32, i32) {
    %get3A = arith.index_cast %arg0 : i32 to index
    %get3A_0 = memref.load %arg1[%get3A] : memref<24xi32, #tpu.memory_space<smem>>
    %c0_i32 = arith.constant 0 : i32
    %c0_i32_1 = arith.constant 0 : i32
    %c0_i32_2 = arith.constant 0 : i32
    return %get3A_0, %c0_i32, %c0_i32_1 : i32, i32, i32
  }
  func.func @transform_5(%arg0: i32, %arg1: memref<24xi32, #tpu.memory_space<smem>>, %arg2: memref<1xi32, #tpu.memory_space<smem>>) -> (i32, i32, i32) {
    %get3A = arith.index_cast %arg0 : i32 to index
    %get3A_0 = memref.load %arg1[%get3A] : memref<24xi32, #tpu.memory_space<smem>>
    %c0_i32 = arith.constant 0 : i32
    %c0_i32_1 = arith.constant 0 : i32
    %c0_i32_2 = arith.constant 0 : i32
    return %get3A_0, %c0_i32, %c0_i32_1 : i32, i32, i32
  }
  func.func @transform_6(%arg0: i32, %arg1: memref<24xi32, #tpu.memory_space<smem>>, %arg2: memref<1xi32, #tpu.memory_space<smem>>) -> (i32, i32) {
    %c0_i32 = arith.constant 0 : i32
    %c0_i32_0 = arith.constant 0 : i32
    return %arg0, %c0_i32 : i32, i32
  }
}

</mosaic_0001>

<sc_bundles>
// kernel: sc_combine.3.cloned.1.call-start
scs
__scs_entry_jumppad:
0x0: {  	(pc) =	sbr.rel $0x88, $3  }
0x1: {  	(tag) =	ssettag $0x0;
	lr =	simm.s32 $0x1  }
0x2: {  	[smem:$0x3F97] =	sst lr;
	_ =	strace $0xD0000000  }
0x3: {  	_ = 	snop  }
0x4: {  	_ = 	snop  }
0x5: {  	_ = 	snop  }
0x6: {  	_ = 	snop  }
0x7: {  	_ = 	snop  }
__scs_overlays_trampoline_lowered:
0x8: {  	[smem:$0x3FA6] =	sst s0  }
0x9: {  	[smem:$0x3FA7] =	sst s1  }
0xa: {  	[smem:$0x3FA8] =	sst s2  }
0xb: {  	[smem:$0x3FA9] =	sst s3  }
0xc: {  	[smem:$0x3FAA] =	sst s4  }
0xd: {  	[smem:$0x3FAB] =	sst s5  }
0xe: {  	[smem:$0x3FAC] =	sst s6  }
0xf: {  	[smem:$0x3FAD] =	sst s7  }
0x10: {  	[smem:$0x3FAE] =	sst s8  }
0x11: {  	[smem:$0x3FAF] =	sst s9;
	s0 =	simm.s32 @!p0 $0x0  }
0x12: {  	s1 =	sld [smem:$0x3F95];
	s0 =	simm.s32 @p0 $0x1  }
0x13: {  	[smem:$0x3FB0] =	sst s0;
	s0 =	simm.s32 @!p1 $0x0  }
0x14: {  	s2 =	sld [smem:$0x3F94];
	s0 =	simm.s32 @p1 $0x1  }
0x15: {  	[smem:$0x3FB1] =	sst s0;
	s0 =	simm.s32 @!p2 $0x0  }
0x16: {  	s3 =	sld [smem:$0x3FDB];
	s0 =	simm.s32 @p2 $0x1  }
0x17: {  	s4 =	simm.s32 $0x1BF5;
	[smem:$0x3FB3] =	sst s0  }
0x18: {  	s0 =	sld [smem:$0x3F96];
	_ =	swait.ge [sflag:s4], $0x0  }
0x19: {  	s7 =	sld [smem:$0x3F97]  }
0x1a: {  	s8 =	sadd.s32 $0xFFFFE003, lr  }
0x1b: {  	s9 =	sadd.s32 $0xFFFFFEF7, lr;
	s5 =	simm.s32 $0xFFFFFFFF;
	p2 =	slt.u32 s8, $0xFFFFF086  }
0x1c: {  	p1 =	slt.u32 s9, $0xF7A;
	s5 =	simm.s32 @!p2 $0x0  }
0x1d: {  	s5 =	simm.s32 @p1 $0x1;
	p0 =	seq.s32 s7, s2  }
0x1e: {  	s7 =	smul.u32 @!p0 $0xF7A, s2;
	p2 =	seq.s32 @!p0 s5, $0x0  }
0x1f: {  	s9 =	smul.u32 $0xF7A, s1;
	s8 =	simm.s32 @!p0 $0x1BF5;
	p2 =	por !p2, p0  }
0x20: {  	[sflag:s8] =	ssyncset.s32 @!p0 $0xFFFFF086;
	s6 =	sadd.s32 @!p0 s3, s7;
	s7 =	simm.s32 @!p0 $0x108  }
0x21: {  	s3 =	sadd.s32 s3, s9;
	s6 =	sadd.s32 @!p0 $0x88, s6;
	s7 =	simm.s32 @p2 $0x1082  }
0x22: {  	[simem:s7], [sflag:s8] =	dma.local @!p0 [hbm:s6], $0xF7A  }
0x23: {  	s9 =	sor.u32 $0xD0000000, s2;
	s6 =	simm.s32 $0x108;
	_ =	swait.ge @!p0 [sflag:s8], $0x0  }
0x24: {  	s3 =	sadd.s32 $0x88, s3;
	s6 =	simm.s32 @!p1 $0x1082;
	[sflag:s4] =	ssyncset.s32 $0xFFFFF086  }
0x25: {  	[simem:s6], [sflag:s4] =	dma.local [hbm:s3], $0xF7A  }
0x26: {  	[smem:$0x3F97] =	sst s1;
	(tag) =	ssettag s2;
	_ =	strace s9  }
0x27: {  	s1 =	sld [smem:$0x3FA7]  }
0x28: {  	s2 =	sld [smem:$0x3FA8]  }
0x29: {  	s4 =	sld [smem:$0x3FAA]  }
0x2a: {  	p0 =	seq.s32 s5, $0x0;
	s5 =	sld [smem:$0x3FAB]  }
0x2b: {  	s6 =	sld [smem:$0x3FAC]  }
0x2c: {  	s7 =	sld [smem:$0x3FAD]  }
0x2d: {  	s3 =	simm.s32 $0x108;
	s8 =	sld [smem:$0x3FAE]  }
0x2e: {  	s3 =	simm.s32 @!p0 $0x1082;
	s9 =	sld [smem:$0x3FAF]  }
0x2f: {  	lr =	sadd.s32 s0, s3;
	s0 =	sld [smem:$0x3FA6]  }
0x30: {  	s3 =	sld [smem:$0x3FA9]  }
0x31: {  	[smem:$0x3FB2] =	sst s10  }
0x32: {  	s10 =	sld [smem:$0x3FB0];
	_ =	sdelay $0x3  }
0x33: {  	p0 =	seq.s32 s10, $0x1;
	s10 =	sld [smem:$0x3FB2];
	_ =	sdelay $0x3  }
0x34: {  	[smem:$0x3FB2] =	sst s10  }
0x35: {  	s10 =	sld [smem:$0x3FB1];
	_ =	sdelay $0x3  }
0x36: {  	p1 =	seq.s32 s10, $0x1;
	s10 =	sld [smem:$0x3FB2];
	_ =	sdelay $0x3  }
0x37: {  	[smem:$0x3FB2] =	sst s10  }
0x38: {  	s10 =	sld [smem:$0x3FB3]  }
0x39: {  	_ = 	snop;
	(pc) =	sbr.ind lr, $3  }
0x3a: {  	_ = 	snop  }
0x3b: {  	_ = 	snop  }
0x3c: {  	p2 =	seq.s32 s10, $0x1;
	s10 =	sld [smem:$0x3FB2]  }
0x3d: {  	_ =	shalt  }
0x3e: {  	_ =	shalt  }
0x3f: {  	_ =	shalt  }
0x40: {  	_ =	shalt  }
0x41: {  	_ =	shalt  }
0x42: {  	_ =	shalt  }
0x43: {  	_ =	shalt  }
0x44: {  	_ =	shalt  }
0x45: {  	_ =	shalt  }
0x46: {  	_ =	shalt  }
0x47: {  	_ =	shalt  }
0x48: {  	_ =	shalt  }
0x49: {  	_ =	shalt  }
0x4a: {  	_ =	shalt  }
0x4b: {  	_ =	shalt  }
0x4c: {  	_ =	shalt  }
0x4d: {  	_ =	shalt  }
0x4e: {  	_ =	shalt  }
0x4f: {  	_ =	shalt  }
0x50: {  	_ =	shalt  }
0x51: {  	_ =	shalt  }
0x52: {  	_ =	shalt  }
0x53: {  	_ =	shalt  }
0x54: {  	_ =	shalt  }
0x55: {  	_ =	shalt  }
0x56: {  	_ =	shalt  }
0x57: {  	_ =	shalt  }
0x58: {  	_ =	shalt  }
0x59: {  	_ =	shalt  }
0x5a: {  	_ =	shalt  }
0x5b: {  	_ =	shalt  }
0x5c: {  	_ =	shalt  }
0x5d: {  	_ =	shalt  }
0x5e: {  	_ =	shalt  }
0x5f: {  	_ =	shalt  }
0x60: {  	_ =	shalt  }
0x61: {  	_ =	shalt  }
0x62: {  	_ =	shalt  }
0x63: {  	_ =	shalt  }
0x64: {  	_ =	shalt  }
0x65: {  	_ =	shalt  }
0x66: {  	_ =	shalt  }
0x67: {  	_ =	shalt  }
0x68: {  	_ =	shalt  }
0x69: {  	_ =	shalt  }
0x6a: {  	_ =	shalt  }
0x6b: {  	_ =	shalt  }
0x6c: {  	_ =	shalt  }
0x6d: {  	_ =	shalt  }
0x6e: {  	_ =	shalt  }
0x6f: {  	_ =	shalt  }
0x70: {  	_ =	shalt  }
0x71: {  	_ =	shalt  }
0x72: {  	_ =	shalt  }
0x73: {  	_ =	shalt  }
0x74: {  	_ =	shalt  }
0x75: {  	_ =	shalt  }
0x76: {  	_ =	shalt  }
0x77: {  	_ =	shalt  }
0x78: {  	_ =	shalt  }
0x79: {  	_ =	shalt  }
0x7a: {  	_ =	shalt  }
0x7b: {  	_ =	shalt  }
0x7c: {  	_ =	shalt  }
0x7d: {  	_ =	shalt  }
0x7e: {  	_ =	shalt  }
0x7f: {  	_ =	shalt  }
0x80: {  	_ =	shalt  }
0x81: {  	_ =	shalt  }
0x82: {  	_ =	shalt  }
0x83: {  	_ =	shalt  }
0x84: {  	_ =	shalt  }
0x85: {  	_ =	shalt  }
0x86: {  	_ =	shalt  }
0x87: {  	_ =	shalt  }
.Lfunc_end0:
.L_simem_size_0:
called_computation.1_lowered:
.L_overlay_start_0:
0x88: {  	s2 =	sld [smem:$0x3FD9]  }
0x89: {  	s3 =	sld [smem:$0x3FFE];
	_ =	sdelay $0x1  }
0x8a: {  	s1 =	srdreg.scid  }
0x8b: {  	s0 =	sand.u32 $0x1, s1  }
0x8c: {  	s17 =	sshll.u32 s0, $0xA;
	s2 =	sadd.s32 s3, s2  }
0x8d: {  	s2 =	sadd.s32 s2, s17  }
0x8e: {  	[smem:$0x3FBE] =	sst s2  }
0x8f: {  	_ = 	snop  }
0x90: {  	s2 =	sld [smem:$0x3FD0];
	(tm) =	ssettm $0x1  }
0x91: {  	s18 =	sld [smem:$0x3FFB];
	_ =	sdelay $0x3  }
0x92: {  	_ =	strace s18  }
0x93: {  	s3 =	sld [smem:$0x3FFC];
	_ =	sdelay $0x3  }
0x94: {  	_ =	strace s3  }
0x95: {  	s3 =	sld [smem:$0x3FFD];
	_ =	sdelay $0x3  }
0x96: {  	_ =	strace s3  }
0x97: {  	_ =	strace $0x8FFFFFFF  }
0x98: {  	s19 =	sld [smem:$0x3FDB];
	_ =	sdelay $0x1  }
0x99: {  	s4 =	simm.s32 $_scs_section_size  }
0x9a: {  	s5 =	simm.s32 $_size__tile_overlayer_lowered;
	s6 =	simm.s32 $_tile_overlayer_lowered  }
0x9b: {  	s22 =	simm.s32 $0x1BFF;
	s21 =	sshll.u32 s6, $0x1;
	s3 =	sadd.s32 s4, s19  }
0x9c: {  	s7 =	simm.s32 $0x0;
	s20 =	sshll.u32 s5, $0x1;
	s5 =	sadd.s32 s21, s3  }
0x9d: {  	[timem:s7], [sflag:s22] =	dma.local [hbm:s5], s20  }
0x9e: {  	_ =	swait.ge [sflag:s22], s20  }
0x9f: {  	s4 =	ssub.s32 $0x0, s20;
	[sflag:s22] =	ssyncset.done $0x0  }
0xa0: {  	[sflag:s22] =	ssyncadd.s32 s4;
	_ =	sdelay $0x1  }
0xa1: {  	s23 =	simm.s32 $0x1B8B  }
0xa2: {  	_ =	swait.ge [sflag:s23], $0x1  }
0xa3: {  	[sflag:s23] =	ssyncset.done $0x0  }
0xa4: {  	s25 =	simm.s32 $0x1B8E;
	s24 =	sld [smem:$0x3FFE];
	[sflag:s23] =	ssyncadd.s32 $0xFFFFFFFF  }
0xa5: {  	s26 =	simm.s32 $execute0_lowered;
	[smem:$0x3FD2] =	sst s25  }
0xa6: {  	s5 =	sshll.u32 s26, $0x1;
	_ =	strace $0x80000049;
	[dreg:$0x1] =	wrdreg $0xFFFFFFFF  }
0xa7: {  	s28 =	simm.s32 $_size_execute0_lowered;
	s3 =	sadd.s32 s3, s5;
	[dreg:$0x0] =	wrdreg $0x0  }
0xa8: {  	s5 =	sshll.u32 s28, $0x1;
	[dreg:$0x2] =	wrdreg s3  }
0xa9: {  	[dreg:$0x3] =	wrdreg s5  }
0xaa: {  	[dreg:$0x4] =	wrdreg $0xC0  }
0xab: {  	_ =	task [dreg:s7], $0x5FFFF  }
0xac: {  	[dreg:$0x1] =	wrdreg $0xFFFFFFFF  }
0xad: {  	[dreg:$0x0] =	wrdreg $0x60  }
0xae: {  	[dreg:$0x2] =	wrdreg s24  }
0xaf: {  	[dreg:$0x3] =	wrdreg s2  }
0xb0: {  	[dreg:$0x4] =	wrdreg $0x9  }
0xb1: {  	_ =	task.clear_ibuf [dreg:s7], $0x5FFFF;
	_ =	strace $0x90000049  }
0xb2: {  	s29 =	simm.s32 $0x9;
	_ =	strace $0x8000004B  }
0xb3: {  	_ =	swait.ge [sflag:s29], $0x1  }
0xb4: {  	[sflag:s29] =	ssyncadd.s32 $0xFFFFFFFF  }
0xb5: {  	_ =	strace $0x9000004B  }
0xb6: {  	_ =	sfence  }
0xb7: {  	s30 =	sld [smem:$0x0];
	_ =	sdelay $0x2  }
0xb8: {  	s31 =	sshll.u32 s1, $0xD;
	s1 =	sshrl.u32 s1, $0x2  }
0xb9: {  	s3 =	sand.u32 $0x4000, s31;
	s1 =	sadd.s32 s1, s30  }
0xba: {  	s0 =	sor.u32 s3, s0;
	s1 =	sshll.u32 s1, $0x11  }
0xbb: {  	s0 =	sor.u32 s1, s0  }
0xbc: {  	s0 =	sadd.s32 $0x8F2B, s0  }
0xbd: {  	[sflag:s0] =	ssyncadd.remote.s32 $0x1  }
0xbe: {  	_ =	sfence.sel $0xFFFF  }
0xbf: {  	[dreg:$0x0] =	wrdreg $0xFFFFFFFF;
	(pc) =	sbr.abs _section_cstart, $3  }
0xc0: {  	[dreg:$0x1] =	wrdreg $0xFFFFFFFF  }
0xc1: {  	_ =	task.clear_ibuf [dreg:s7], $0x2FFFF;
	_ =	strace $0x9FFFFFFF  }
0xc2: {  	(tm) =	ssettm $0x7FFFFFFF  }
0xc3: {  	_ =	shalt  }
tec
execute0_lowered:
.L_overlay_start_1:
0x0: {  	(tag) =	ssettag $0x1  }
0x1: {  	s0 =	rddreg [dreg:$0x0]  }
0x2: {  	s1 =	rddreg [dreg:$0x1]  }
0x3: {  	s2 =	simm.s32 $0x0;
	s3 =	srdreg.scid;
	s5 =	stileid.u32  }
0x4: {  	s10 =	simm.s32 $0x3;
	s12 =	simm.s32 $0x100;
	s26 =	simm.s32 $0x11900  }
0x5: {  	s28 =	simm.s32 $0x12100;
	s29 =	simm.s32 $0x12900;
	s30 =	simm.s32 $0x13100  }
0x6: {  	s31 =	simm.s32 $0x13900;
	s11 =	simm.s32 $0x15100;
	s13 =	simm.s32 $0x15900  }
0x7: {  	s14 =	simm.s32 $0x16100;
	s15 =	simm.s32 $0x16900;
	s16 =	simm.s32 $0x17100  }
0x8: {  	s17 =	simm.s32 $0x17900;
	s18 =	simm.s32 $0x1;
	s19 =	simm.s32 $0x2  }
0x9: {  	s20 =	simm.s32 $0x0;
	[smem:$0x7FF] =	sst s2;
	s4 =	sand.u32 $0x1, s3  }
0xa: {  	s5 =	sshll.u32 s5, $0x4;
	s3 =	sadd.s32 $0x92A00, s0;
	s6 =	sshll.u32 s4, $0x3  }
0xb: {  	_ =	strace $0x8000004A;
	s4 =	ssub.s32 $0x2, s4;
	s5 =	sor.u32 s6, s5  }
0xc: {  	s7 =	sshrl.u32 s4, $0x1;
	s6 =	sadd.s32 s5, s0;
	s8 =	smul.u32 $0x300, s5  }
0xd: {  	v2 =	vlaneseq.u32;
	s9 =	ssub.s32 s4, s7;
	s7 =	sadd.s32 $0x92C00, s0;
	s4 =	sadd.s32 $0x91800, s6  }
0xe: {  	vm0 =	vmmov $0xffff;
	v1 =	vshrl.u32 v2, $0x3;
	s5 =	sadd.s32 $0x91900, s6;
	s6 =	sadd.s32 $0x92B00, s0;
	s9 =	smax.u32 s9, $0x1  }
0xf: {  	v0 =	vand.u32 $0x7, v2;
	v2 =	vor.u32 $0x8, v2;
	v1 =	vmul.u32 $0x8, v1;
	s0 =	simm.s32 $0x14100;
	s8 =	sadd.s32 s1, s8;
	s1 =	simm.s32 $0x14900  }
.LBB2_1:
0x10: {  	[tilespmem:s2], [sflag:$0x3] =	stream.linear.gather [hbm4b:s4+s2], $0x40, $0x38;
	[tilespmem:$0x18100] =	vst v63  }
0x11: {  	_ =	swait.ge [sflag:s10], $0x40  }
0x12: {  	[sflag:s10] =	ssyncset.done $0x0  }
0x13: {  	s21 =	simm.s32 $0x80;
	[sflag:s10] =	ssyncadd.s32 $0xFFFFFFC0  }
0x14: {  	[tilespmem:s21], [sflag:$0x3] =	stream.linear.gather [hbm4b:s5+s2], $0x40, $0x38;
	[tilespmem:$0x18100] =	vst v63  }
0x15: {  	_ =	swait.ge [sflag:s10], $0x40  }
0x16: {  	[sflag:s10] =	ssyncset.done $0x0  }
0x17: {  	[sflag:s10] =	ssyncadd.s32 $0xFFFFFFC0  }
0x18: {  	v3 =	vld [tilespmem:$0x0];
	_ =	sdelay $0x4  }
0x19: {  	v4 =	vshrl.u32 v3, $0x3  }
0x1a: {  	v4 =	vmul.u32 $0x30, v4  }
0x1b: {  	v3 =	vand.u32 $0x7, v3  }
0x1c: {  	v3 =	vor.u32 v3, v4  }
0x1d: {  	v4 =	vperm.xlane v3, v0;
	_ =	sdelay $0x1  }
0x1e: {  	v4 =	vadd.s32 v1, v4;
	_ =	sdelay $0x3  }
0x1f: {  	v3 =	vperm.xlane v3, v2  }
0x20: {  	[tilespmem:s12], [sflag:$0x1] =	stream.indirect_vreg.gather [hbm4b:s3+s2], $0x80, v4, vm0, $0xb8;
	[tilespmem:$0x18100] =	vst v63  }
0x21: {  	s23 =	simm.s32 $0x900;
	v3 =	vadd.s32 v1, v3  }
0x22: {  	[tilespmem:s23], [sflag:$0x1] =	stream.indirect_vreg.gather [hbm4b:s6+s2], $0x80, v4, vm0, $0xb8;
	[tilespmem:$0x18100] =	vst v63  }
0x23: {  	s24 =	simm.s32 $0x1100  }
0x24: {  	[tilespmem:s24], [sflag:$0x1] =	stream.indirect_vreg.gather [hbm4b:s7+s2], $0x80, v4, vm0, $0xb8;
	[tilespmem:$0x18100] =	vst v63  }
0x25: {  	s25 =	simm.s32 $0x1900  }
0x26: {  	[tilespmem:s25], [sflag:$0x1] =	stream.indirect_vreg.gather [hbm4b:s3+s2], $0x80, v3, vm0, $0xb8;
	[tilespmem:$0x18100] =	vst v63  }
0x27: {  	s22 =	simm.s32 $0x2100  }
0x28: {  	[tilespmem:s22], [sflag:$0x1] =	stream.indirect_vreg.gather [hbm4b:s6+s2], $0x80, v3, vm0, $0xb8;
	[tilespmem:$0x18100] =	vst v63  }
0x29: {  	s23 =	simm.s32 $0x2900  }
0x2a: {  	[tilespmem:s23], [sflag:$0x1] =	stream.indirect_vreg.gather [hbm4b:s7+s2], $0x80, v3, vm0, $0xb8;
	[tilespmem:$0x18100] =	vst v63  }
0x2b: {  	v3 =	vld [tilespmem:$0x10];
	_ =	sdelay $0x4  }
0x2c: {  	v4 =	vshrl.u32 v3, $0x3  }
0x2d: {  	v4 =	vmul.u32 $0x30, v4  }
0x2e: {  	v3 =	vand.u32 $0x7, v3  }
0x2f: {  	v3 =	vor.u32 v3, v4  }
0x30: {  	v4 =	vperm.xlane v3, v0;
	_ =	sdelay $0x1  }
0x31: {  	v4 =	vadd.s32 v1, v4;
	_ =	sdelay $0x3  }
0x32: {  	s24 =	simm.s32 $0x3100;
	v3 =	vperm.xlane v3, v2  }
0x33: {  	[tilespmem:s24], [sflag:$0x1] =	stream.indirect_vreg.gather [hbm4b:s3+s2], $0x80, v4, vm0, $0xb8;
	[tilespmem:$0x18100] =	vst v63  }
0x34: {  	s25 =	simm.s32 $0x3900;
	v3 =	vadd.s32 v1, v3  }
0x35: {  	[tilespmem:s25], [sflag:$0x1] =	stream.indirect_vreg.gather [hbm4b:s6+s2], $0x80, v4, vm0, $0xb8;
	[tilespmem:$0x18100] =	vst v63  }
0x36: {  	s22 =	simm.s32 $0x4100  }
0x37: {  	[tilespmem:s22], [sflag:$0x1] =	stream.indirect_vreg.gather [hbm4b:s7+s2], $0x80, v4, vm0, $0xb8;
	[tilespmem:$0x18100] =	vst v63  }
0x38: {  	s23 =	simm.s32 $0x4900  }
0x39: {  	[tilespmem:s23], [sflag:$0x1] =	stream.indirect_vreg.gather [hbm4b:s3+s2], $0x80, v3, vm0, $0xb8;
	[tilespmem:$0x18100] =	vst v63  }
0x3a: {  	s24 =	simm.s32 $0x5100  }
0x3b: {  	[tilespmem:s24], [sflag:$0x1] =	stream.indirect_vreg.gather [hbm4b:s6+s2], $0x80, v3, vm0, $0xb8;
	[tilespmem:$0x18100] =	vst v63  }
0x3c: {  	s25 =	simm.s32 $0x5900  }
0x3d: {  	[tilespmem:s25], [sflag:$0x1] =	stream.indirect_vreg.gather [hbm4b:s7+s2], $0x80, v3, vm0, $0xb8;
	[tilespmem:$0x18100] =	vst v63  }
0x3e: {  	v3 =	vld [tilespmem:$0x20];
	_ =	sdelay $0x4  }
0x3f: {  	v4 =	vshrl.u32 v3, $0x3  }
0x40: {  	v4 =	vmul.u32 $0x30, v4  }
0x41: {  	v3 =	vand.u32 $0x7, v3  }
0x42: {  	v3 =	vor.u32 v3, v4  }
0x43: {  	v4 =	vperm.xlane v3, v0;
	_ =	sdelay $0x1  }
0x44: {  	v4 =	vadd.s32 v1, v4;
	_ =	sdelay $0x3  }
0x45: {  	s22 =	simm.s32 $0x6100;
	v3 =	vperm.xlane v3, v2  }
0x46: {  	[tilespmem:s22], [sflag:$0x1] =	stream.indirect_vreg.gather [hbm4b:s3+s2], $0x80, v4, vm0, $0xb8;
	[tilespmem:$0x18100] =	vst v63  }
0x47: {  	s23 =	simm.s32 $0x6900;
	v3 =	vadd.s32 v1, v3  }
0x48: {  	[tilespmem:s23], [sflag:$0x1] =	stream.indirect_vreg.gather [hbm4b:s6+s2], $0x80, v4, vm0, $0xb8;
	[tilespmem:$0x18100] =	vst v63  }
0x49: {  	s24 =	simm.s32 $0x7100  }
0x4a: {  	[tilespmem:s24], [sflag:$0x1] =	stream.indirect_vreg.gather [hbm4b:s7+s2], $0x80, v4, vm0, $0xb8;
	[tilespmem:$0x18100] =	vst v63  }
0x4b: {  	s25 =	simm.s32 $0x7900  }
0x4c: {  	[tilespmem:s25], [sflag:$0x1] =	stream.indirect_vreg.gather [hbm4b:s3+s2], $0x80, v3, vm0, $0xb8;
	[tilespmem:$0x18100] =	vst v63  }
0x4d: {  	s22 =	simm.s32 $0x8100  }
0x4e: {  	[tilespmem:s22], [sflag:$0x1] =	stream.indirect_vreg.gather [hbm4b:s6+s2], $0x80, v3, vm0, $0xb8;
	[tilespmem:$0x18100] =	vst v63  }
0x4f: {  	s23 =	simm.s32 $0x8900  }
0x50: {  	[tilespmem:s23], [sflag:$0x1] =	stream.indirect_vreg.gather [hbm4b:s7+s2], $0x80, v3, vm0, $0xb8;
	[tilespmem:$0x18100] =	vst v63  }
0x51: {  	v3 =	vld [tilespmem:$0x30];
	_ =	sdelay $0x4  }
0x52: {  	v4 =	vshrl.u32 v3, $0x3  }
0x53: {  	v4 =	vmul.u32 $0x30, v4  }
0x54: {  	v3 =	vand.u32 $0x7, v3  }
0x55: {  	v3 =	vor.u32 v3, v4  }
0x56: {  	v4 =	vperm.xlane v3, v0;
	_ =	sdelay $0x1  }
0x57: {  	v4 =	vadd.s32 v1, v4;
	_ =	sdelay $0x3  }
0x58: {  	s24 =	simm.s32 $0x9100;
	v3 =	vperm.xlane v3, v2  }
0x59: {  	[tilespmem:s24], [sflag:$0x1] =	stream.indirect_vreg.gather [hbm4b:s3+s2], $0x80, v4, vm0, $0xb8;
	[tilespmem:$0x18100] =	vst v63  }
0x5a: {  	s25 =	simm.s32 $0x9900;
	v3 =	vadd.s32 v1, v3  }
0x5b: {  	[tilespmem:s25], [sflag:$0x1] =	stream.indirect_vreg.gather [hbm4b:s6+s2], $0x80, v4, vm0, $0xb8;
	[tilespmem:$0x18100] =	vst v63  }
0x5c: {  	s22 =	simm.s32 $0xA100  }
0x5d: {  	[tilespmem:s22], [sflag:$0x1] =	stream.indirect_vreg.gather [hbm4b:s7+s2], $0x80, v4, vm0, $0xb8;
	[tilespmem:$0x18100] =	vst v63  }
0x5e: {  	s23 =	simm.s32 $0xA900  }
0x5f: {  	[tilespmem:s23], [sflag:$0x1] =	stream.indirect_vreg.gather [hbm4b:s3+s2], $0x80, v3, vm0, $0xb8;
	[tilespmem:$0x18100] =	vst v63  }
0x60: {  	s24 =	simm.s32 $0xB100  }
0x61: {  	[tilespmem:s24], [sflag:$0x1] =	stream.indirect_vreg.gather [hbm4b:s6+s2], $0x80, v3, vm0, $0xb8;
	[tilespmem:$0x18100] =	vst v63  }
0x62: {  	s25 =	simm.s32 $0xB900  }
0x63: {  	[tilespmem:s25], [sflag:$0x1] =	stream.indirect_vreg.gather [hbm4b:s7+s2], $0x80, v3, vm0, $0xb8;
	[tilespmem:$0x18100] =	vst v63  }
0x64: {  	v3 =	vld [tilespmem:$0x80];
	_ =	sdelay $0x4  }
0x65: {  	v4 =	vshrl.u32 v3, $0x3  }
0x66: {  	v4 =	vmul.u32 $0x30, v4  }
0x67: {  	v3 =	vand.u32 $0x7, v3  }
0x68: {  	v3 =	vor.u32 v3, v4  }
0x69: {  	v4 =	vperm.xlane v3, v0;
	_ =	sdelay $0x1  }
0x6a: {  	v4 =	vadd.s32 v1, v4;
	_ =	sdelay $0x3  }
0x6b: {  	s22 =	simm.s32 $0xC100;
	v3 =	vperm.xlane v3, v2  }
0x6c: {  	[tilespmem:s22], [sflag:$0x2] =	stream.indirect_vreg.gather [hbm4b:s3+s2], $0x80, v4, vm0, $0xb8;
	[tilespmem:$0x18100] =	vst v63  }
0x6d: {  	s23 =	simm.s32 $0xC900;
	v3 =	vadd.s32 v1, v3  }
0x6e: {  	[tilespmem:s23], [sflag:$0x2] =	stream.indirect_vreg.gather [hbm4b:s6+s2], $0x80, v4, vm0, $0xb8;
	[tilespmem:$0x18100] =	vst v63  }
0x6f: {  	s24 =	simm.s32 $0xD100  }
0x70: {  	[tilespmem:s24], [sflag:$0x2] =	stream.indirect_vreg.gather [hbm4b:s7+s2], $0x80, v4, vm0, $0xb8;
	[tilespmem:$0x18100] =	vst v63  }
0x71: {  	s25 =	simm.s32 $0xD900  }
0x72: {  	[tilespmem:s25], [sflag:$0x2] =	stream.indirect_vreg.gather [hbm4b:s3+s2], $0x80, v3, vm0, $0xb8;
	[tilespmem:$0x18100] =	vst v63  }
0x73: {  	s22 =	simm.s32 $0xE100  }
0x74: {  	[tilespmem:s22], [sflag:$0x2] =	stream.indirect_vreg.gather [hbm4b:s6+s2], $0x80, v3, vm0, $0xb8;
	[tilespmem:$0x18100] =	vst v63  }
0x75: {  	s23 =	simm.s32 $0xE900  }
0x76: {  	[tilespmem:s23], [sflag:$0x2] =	stream.indirect_vreg.gather [hbm4b:s7+s2], $0x80, v3, vm0, $0xb8;
	[tilespmem:$0x18100] =	vst v63  }
0x77: {  	v3 =	vld [tilespmem:$0x90];
	_ =	sdelay $0x4  }
0x78: {  	v4 =	vshrl.u32 v3, $0x3  }
0x79: {  	v4 =	vmul.u32 $0x30, v4  }
0x7a: {  	v3 =	vand.u32 $0x7, v3  }
0x7b: {  	v3 =	vor.u32 v3, v4  }
0x7c: {  	v4 =	vperm.xlane v3, v0;
	_ =	sdelay $0x1  }
0x7d: {  	v4 =	vadd.s32 v1, v4;
	_ =	sdelay $0x3  }
0x7e: {  	s24 =	simm.s32 $0xF100;
	v3 =	vperm.xlane v3, v2  }
0x7f: {  	[tilespmem:s24], [sflag:$0x2] =	stream.indirect_vreg.gather [hbm4b:s3+s2], $0x80, v4, vm0, $0xb8;
	[tilespmem:$0x18100] =	vst v63  }
0x80: {  	s25 =	simm.s32 $0xF900;
	v3 =	vadd.s32 v1, v3  }
0x81: {  	[tilespmem:s25], [sflag:$0x2] =	stream.indirect_vreg.gather [hbm4b:s6+s2], $0x80, v4, vm0, $0xb8;
	[tilespmem:$0x18100] =	vst v63  }
0x82: {  	s22 =	simm.s32 $0x10100  }
0x83: {  	[tilespmem:s22], [sflag:$0x2] =	stream.indirect_vreg.gather [hbm4b:s7+s2], $0x80, v4, vm0, $0xb8;
	[tilespmem:$0x18100] =	vst v63  }
0x84: {  	s23 =	simm.s32 $0x10900  }
0x85: {  	[tilespmem:s23], [sflag:$0x2] =	stream.indirect_vreg.gather [hbm4b:s3+s2], $0x80, v3, vm0, $0xb8;
	[tilespmem:$0x18100] =	vst v63  }
0x86: {  	s24 =	simm.s32 $0x11100  }
0x87: {  	[tilespmem:s24], [sflag:$0x2] =	stream.indirect_vreg.gather [hbm4b:s6+s2], $0x80, v3, vm0, $0xb8;
	[tilespmem:$0x18100] =	vst v63  }
0x88: {  	_ = 	snop  }
0x89: {  	[tilespmem:s26], [sflag:$0x2] =	stream.indirect_vreg.gather [hbm4b:s7+s2], $0x80, v3, vm0, $0xb8;
	[tilespmem:$0x18100] =	vst v63  }
0x8a: {  	v3 =	vld [tilespmem:$0xA0];
	_ =	sdelay $0x4  }
0x8b: {  	v4 =	vshrl.u32 v3, $0x3  }
0x8c: {  	v4 =	vmul.u32 $0x30, v4  }
0x8d: {  	v3 =	vand.u32 $0x7, v3  }
0x8e: {  	v3 =	vor.u32 v3, v4  }
0x8f: {  	v4 =	vperm.xlane v3, v0;
	_ =	sdelay $0x1  }
0x90: {  	v4 =	vadd.s32 v1, v4;
	_ =	sdelay $0x3  }
0x91: {  	v3 =	vperm.xlane v3, v2  }
0x92: {  	[tilespmem:s28], [sflag:$0x2] =	stream.indirect_vreg.gather [hbm4b:s3+s2], $0x80, v4, vm0, $0xb8;
	[tilespmem:$0x18100] =	vst v63  }
0x93: {  	v3 =	vadd.s32 v1, v3  }
0x94: {  	[tilespmem:s29], [sflag:$0x2] =	stream.indirect_vreg.gather [hbm4b:s6+s2], $0x80, v4, vm0, $0xb8;
	[tilespmem:$0x18100] =	vst v63  }
0x95: {  	_ = 	snop  }
0x96: {  	[tilespmem:s30], [sflag:$0x2] =	stream.indirect_vreg.gather [hbm4b:s7+s2], $0x80, v4, vm0, $0xb8;
	[tilespmem:$0x18100] =	vst v63  }
0x97: {  	_ = 	snop  }
0x98: {  	[tilespmem:s31], [sflag:$0x2] =	stream.indirect_vreg.gather [hbm4b:s3+s2], $0x80, v3, vm0, $0xb8;
	[tilespmem:$0x18100] =	vst v63  }
0x99: {  	_ = 	snop  }
0x9a: {  	[tilespmem:s0], [sflag:$0x2] =	stream.indirect_vreg.gather [hbm4b:s6+s2], $0x80, v3, vm0, $0xb8;
	[tilespmem:$0x18100] =	vst v63  }
0x9b: {  	_ = 	snop  }
0x9c: {  	[tilespmem:s1], [sflag:$0x2] =	stream.indirect_vreg.gather [hbm4b:s7+s2], $0x80, v3, vm0, $0xb8;
	[tilespmem:$0x18100] =	vst v63  }
0x9d: {  	v3 =	vld [tilespmem:$0xB0];
	_ =	sdelay $0x4  }
0x9e: {  	v4 =	vshrl.u32 v3, $0x3  }
0x9f: {  	v4 =	vmul.u32 $0x30, v4  }
0xa0: {  	v3 =	vand.u32 $0x7, v3  }
0xa1: {  	v3 =	vor.u32 v3, v4  }
0xa2: {  	v4 =	vperm.xlane v3, v0;
	_ =	sdelay $0x1  }
0xa3: {  	v4 =	vadd.s32 v1, v4;
	_ =	sdelay $0x3  }
0xa4: {  	v3 =	vperm.xlane v3, v2  }
0xa5: {  	[tilespmem:s11], [sflag:$0x2] =	stream.indirect_vreg.gather [hbm4b:s3+s2], $0x80, v4, vm0, $0xb8;
	[tilespmem:$0x18100] =	vst v63  }
0xa6: {  	v3 =	vadd.s32 v1, v3  }
0xa7: {  	[tilespmem:s13], [sflag:$0x2] =	stream.indirect_vreg.gather [hbm4b:s6+s2], $0x80, v4, vm0, $0xb8;
	[tilespmem:$0x18100] =	vst v63  }
0xa8: {  	_ = 	snop  }
0xa9: {  	[tilespmem:s14], [sflag:$0x2] =	stream.indirect_vreg.gather [hbm4b:s7+s2], $0x80, v4, vm0, $0xb8;
	[tilespmem:$0x18100] =	vst v63  }
0xaa: {  	_ = 	snop  }
0xab: {  	[tilespmem:s15], [sflag:$0x2] =	stream.indirect_vreg.gather [hbm4b:s3+s2], $0x80, v3, vm0, $0xb8;
	[tilespmem:$0x18100] =	vst v63  }
0xac: {  	_ = 	snop  }
0xad: {  	[tilespmem:s16], [sflag:$0x2] =	stream.indirect_vreg.gather [hbm4b:s6+s2], $0x80, v3, vm0, $0xb8;
	[tilespmem:$0x18100] =	vst v63  }
0xae: {  	_ = 	snop  }
0xaf: {  	[tilespmem:s17], [sflag:$0x2] =	stream.indirect_vreg.gather [hbm4b:s7+s2], $0x80, v3, vm0, $0xb8;
	[tilespmem:$0x18100] =	vst v63  }
0xb0: {  	_ =	swait.ge [sflag:s18], $0xC000  }
0xb1: {  	[sflag:s18] =	ssyncset.done $0x0  }
0xb2: {  	s25 =	simm.s32 $0x0;
	[sflag:s18] =	ssyncadd.s32 $0xFFFF4000  }
0xb3: {  	s21 =	smul.u32 $0x1800, s25;
	_ =	swait.ge [sflag:s19], $0xC000  }
0xb4: {  	s22 =	sand.u32 $0x380, s2;
	[sflag:s19] =	ssyncset.done $0x0  }
0xb5: {  	s21 =	sor.u32 s22, s21;
	[sflag:s19] =	ssyncadd.s32 $0xFFFF4000  }
0xb6: {  	v12 =	vld [tilespmem:s21+$0xC100]  }
0xb7: {  	v13 =	vld [tilespmem:s21+$0xC110]  }
0xb8: {  	v14 =	vld [tilespmem:s21+$0xC120]  }
0xb9: {  	v15 =	vld [tilespmem:s21+$0xC130]  }
0xba: {  	v16 =	vld [tilespmem:s21+$0xC140]  }
0xbb: {  	v17 =	vld [tilespmem:s21+$0xC150]  }
0xbc: {  	v18 =	vld [tilespmem:s21+$0xC160]  }
0xbd: {  	v19 =	vld [tilespmem:s21+$0xC170]  }
0xbe: {  	v20 =	vld [tilespmem:s21+$0xC500]  }
0xbf: {  	v21 =	vld [tilespmem:s21+$0xC510]  }
0xc0: {  	v22 =	vld [tilespmem:s21+$0xC520]  }
0xc1: {  	v23 =	vld [tilespmem:s21+$0xC530]  }
0xc2: {  	v24 =	vld [tilespmem:s21+$0xC540]  }
0xc3: {  	v25 =	vld [tilespmem:s21+$0xC550]  }
0xc4: {  	v26 =	vld [tilespmem:s21+$0xC560]  }
0xc5: {  	v27 =	vld [tilespmem:s21+$0xC570]  }
0xc6: {  	v28 =	vld [tilespmem:s21+$0xC900]  }
0xc7: {  	v29 =	vld [tilespmem:s21+$0xC910]  }
0xc8: {  	v30 =	vld [tilespmem:s21+$0xC920]  }
0xc9: {  	v31 =	vld [tilespmem:s21+$0xC930]  }
0xca: {  	v32 =	vld [tilespmem:s21+$0xC940]  }
0xcb: {  	v33 =	vld [tilespmem:s21+$0xC950]  }
0xcc: {  	v34 =	vld [tilespmem:s21+$0xC960]  }
0xcd: {  	v35 =	vld [tilespmem:s21+$0xC970]  }
0xce: {  	v36 =	vld [tilespmem:s21+$0xCD00]  }
0xcf: {  	v37 =	vld [tilespmem:s21+$0xCD10]  }
0xd0: {  	v38 =	vld [tilespmem:s21+$0xCD20]  }
0xd1: {  	v39 =	vld [tilespmem:s21+$0xCD30]  }
0xd2: {  	v40 =	vld [tilespmem:s21+$0xCD40]  }
0xd3: {  	v41 =	vld [tilespmem:s21+$0xCD50]  }
0xd4: {  	v42 =	vld [tilespmem:s21+$0xCD60]  }
0xd5: {  	v43 =	vld [tilespmem:s21+$0xCD70]  }
0xd6: {  	v44 =	vld [tilespmem:s21+$0xD100]  }
0xd7: {  	v45 =	vld [tilespmem:s21+$0xD110]  }
0xd8: {  	v46 =	vld [tilespmem:s21+$0xD120]  }
0xd9: {  	v47 =	vld [tilespmem:s21+$0xD130]  }
0xda: {  	v48 =	vld [tilespmem:s21+$0xD140]  }
0xdb: {  	v49 =	vld [tilespmem:s21+$0xD150]  }
0xdc: {  	v50 =	vld [tilespmem:s21+$0xD160]  }
0xdd: {  	v11 =	vld [tilespmem:s21+$0xD170]  }
0xde: {  	v10 =	vld [tilespmem:s21+$0xD500]  }
0xdf: {  	v9 =	vld [tilespmem:s21+$0xD510]  }
0xe0: {  	v8 =	vld [tilespmem:s21+$0xD520]  }
0xe1: {  	v7 =	vld [tilespmem:s21+$0xD530]  }
0xe2: {  	v6 =	vld [tilespmem:s21+$0xD540]  }
0xe3: {  	v51 =	vld [tilespmem:s21+$0x100]  }
0xe4: {  	v52 =	vld [tilespmem:s21+$0x110]  }
0xe5: {  	v53 =	vld [tilespmem:s21+$0x120]  }
0xe6: {  	v54 =	vld [tilespmem:s21+$0x130]  }
0xe7: {  	v55 =	vld [tilespmem:s21+$0x140]  }
0xe8: {  	v62 =	vld [tilespmem:s21+$0x150];
	v12 =	vadd.f32 v12, v51  }
0xe9: {  	v63 =	vld [tilespmem:s21+$0x160];
	v13 =	vadd.f32 v13, v52  }
0xea: {  	[tilespmem:s21+$0x100] =	vst v12;
	v12 =	vadd.f32 v14, v53;
	v14 =	vld [tilespmem:s21+$0x170]  }
0xeb: {  	[tilespmem:s21+$0x110] =	vst v13;
	v13 =	vadd.f32 v15, v54;
	v15 =	vld [tilespmem:s21+$0x500]  }
0xec: {  	[tilespmem:s21+$0x120] =	vst v12;
	v12 =	vadd.f32 v16, v55;
	v16 =	vld [tilespmem:s21+$0x510]  }
0xed: {  	[tilespmem:s21+$0x130] =	vst v13;
	v13 =	vadd.f32 v17, v62;
	v17 =	vld [tilespmem:s21+$0x520]  }
0xee: {  	v5 =	vld [tilespmem:s21+$0xD550]  }
0xef: {  	[tilespmem:s21+$0x140] =	vst v12;
	v12 =	vadd.f32 v18, v63;
	v18 =	vld [tilespmem:s21+$0x570]  }
0xf0: {  	[tilespmem:s21+$0x150] =	vst v13;
	v13 =	vadd.f32 v19, v14;
	v14 =	vld [tilespmem:s21+$0x530]  }
0xf1: {  	[tilespmem:s21+$0x160] =	vst v12;
	v12 =	vadd.f32 v20, v15;
	v15 =	vld [tilespmem:s21+$0x540]  }
0xf2: {  	[tilespmem:s21+$0x170] =	vst v13;
	v13 =	vadd.f32 v21, v16;
	v16 =	vadd.f32 v22, v17;
	v17 =	vld [tilespmem:s21+$0x560]  }
0xf3: {  	[tilespmem:s21+$0x500] =	vst v12;
	v12 =	vld [tilespmem:s21+$0x550]  }
0xf4: {  	[tilespmem:s21+$0x510] =	vst v13;
	v13 =	vld [tilespmem:s21+$0x900];
	v18 =	vadd.f32 v27, v18  }
0xf5: {  	[tilespmem:s21+$0x520] =	vst v16;
	v16 =	vld [tilespmem:s21+$0x910];
	v14 =	vadd.f32 v23, v14  }
0xf6: {  	v4 =	vld [tilespmem:s21+$0xD560];
	v15 =	vadd.f32 v24, v15;
	[tilespmem:s21+$0x570] =	vst v18  }
0xf7: {  	[tilespmem:s21+$0x530] =	vst v14;
	v14 =	vld [tilespmem:s21+$0x920];
	v17 =	vadd.f32 v26, v17  }
0xf8: {  	v12 =	vadd.f32 v25, v12;
	[tilespmem:s21+$0x540] =	vst v15;
	v15 =	vld [tilespmem:s21+$0x930]  }
0xf9: {  	v18 =	vld [tilespmem:s21+$0x970];
	[tilespmem:s21+$0x560] =	vst v17;
	v13 =	vadd.f32 v28, v13  }
0xfa: {  	v16 =	vadd.f32 v29, v16;
	[tilespmem:s21+$0x550] =	vst v12;
	v12 =	vld [tilespmem:s21+$0x940]  }
0xfb: {  	v17 =	vld [tilespmem:s21+$0x950];
	[tilespmem:s21+$0x900] =	vst v13  }
0xfc: {  	[tilespmem:s21+$0x910] =	vst v16;
	v16 =	vld [tilespmem:s21+$0x960];
	v13 =	vadd.f32 v30, v14  }
0xfd: {  	v14 =	vld [tilespmem:s21+$0xD00];
	v15 =	vadd.f32 v31, v15  }
0xfe: {  	[tilespmem:s21+$0x920] =	vst v13;
	v13 =	vld [tilespmem:s21+$0xD10]  }
0xff: {  	v12 =	vadd.f32 v32, v12;
	[tilespmem:s21+$0x930] =	vst v15;
	v15 =	vld [tilespmem:s21+$0xD20]  }
0x100: {  	v3 =	vld [tilespmem:s21+$0xD570];
	v17 =	vadd.f32 v33, v17  }
0x101: {  	v16 =	vadd.f32 v34, v16;
	[tilespmem:s21+$0x940] =	vst v12;
	v12 =	vld [tilespmem:s21+$0xD30]  }
0x102: {  	[tilespmem:s21+$0x950] =	vst v17;
	v17 =	vld [tilespmem:s21+$0xD40];
	v14 =	vadd.f32 v36, v14  }
0x103: {  	v18 =	vadd.f32 v35, v18;
	[tilespmem:s21+$0x960] =	vst v16;
	v16 =	vld [tilespmem:s21+$0xD50]  }
0x104: {  	v13 =	vadd.f32 v37, v13;
	[tilespmem:s21+$0xD00] =	vst v14;
	v14 =	vadd.f32 v38, v15;
	v15 =	vld [tilespmem:s21+$0xD60]  }
0x105: {  	[tilespmem:s21+$0x970] =	vst v18;
	v18 =	vld [tilespmem:s21+$0xD70]  }
0x106: {  	[tilespmem:s21+$0xD10] =	vst v13;
	v13 =	vld [tilespmem:s21+$0x1100];
	v12 =	vadd.f32 v39, v12  }
0x107: {  	v17 =	vadd.f32 v40, v17;
	[tilespmem:s21+$0xD20] =	vst v14;
	v14 =	vld [tilespmem:s21+$0x1110]  }
0x108: {  	v16 =	vadd.f32 v41, v16;
	[tilespmem:s21+$0xD30] =	vst v12;
	v12 =	vld [tilespmem:s21+$0x1120]  }
0x109: {  	[tilespmem:s21+$0xD40] =	vst v17;
	v17 =	vld [tilespmem:s21+$0x1130];
	v15 =	vadd.f32 v42, v15  }
0x10a: {  	v19 =	vld [tilespmem:s21+$0x1140];
	[tilespmem:s21+$0xD50] =	vst v16;
	v16 =	vadd.f32 v43, v18  }
0x10b: {  	v18 =	vld [tilespmem:s21+$0x1150];
	v13 =	vadd.f32 v44, v13;
	[tilespmem:s21+$0xD60] =	vst v15  }
0x10c: {  	v20 =	vld [tilespmem:s21+$0x1160];
	[tilespmem:s21+$0xD70] =	vst v16;
	v14 =	vadd.f32 v45, v14  }
0x10d: {  	v16 =	vld [tilespmem:s21+$0x1170];
	[tilespmem:s21+$0x1100] =	vst v13;
	v12 =	vadd.f32 v46, v12  }
0x10e: {  	v15 =	vld [tilespmem:s21+$0x1500];
	v13 =	vadd.f32 v47, v17;
	[tilespmem:s21+$0x1110] =	vst v14  }
0x10f: {  	v14 =	vld [tilespmem:s21+$0x1510];
	[tilespmem:s21+$0x1120] =	vst v12;
	v12 =	vadd.f32 v48, v19  }
0x110: {  	[tilespmem:s21+$0x1130] =	vst v13;
	v13 =	vld [tilespmem:s21+$0x1520];
	v18 =	vadd.f32 v49, v18  }
0x111: {  	s22 =	simm.s32 $0x1;
	s23 =	simm.s32 $0x0;
	v17 =	vadd.f32 v50, v20;
	[tilespmem:s21+$0x1140] =	vst v12;
	v12 =	vld [tilespmem:s21+$0x1530]  }
.LBB2_2:
0x112: {  	s24 =	sshrl.u32 s22, $0x3;
	p0 =	sne.s32 s22, $0x3F;
	[tilespmem:s21+$0x1150] =	vst v18;
	v11 =	vadd.f32 v11, v16;
	v16 =	vld [tilespmem:s21+$0x1540]  }
0x113: {  	s23 =	sadd.s32 $0x80, s23;
	s24 =	smul.u32 $0x1800, s24;
	[tilespmem:s21+$0x1160] =	vst v17;
	v10 =	vadd.f32 v10, v15;
	v15 =	vld [tilespmem:s21+$0x1550]  }
0x114: {  	s25 =	sand.u32 $0x380, s23;
	[tilespmem:s21+$0x1170] =	vst v11;
	v9 =	vadd.f32 v9, v14;
	v11 =	vld [tilespmem:s21+$0x1560]  }
0x115: {  	s24 =	sor.u32 s25, s24;
	[tilespmem:s21+$0x1500] =	vst v10;
	v8 =	vadd.f32 v8, v13;
	v10 =	vld [tilespmem:s21+$0x1570]  }
0x116: {  	v39 =	vld [tilespmem:s24+$0xC100];
	[tilespmem:s21+$0x1510] =	vst v9;
	v7 =	vadd.f32 v7, v12  }
0x117: {  	v40 =	vld [tilespmem:s24+$0xC110];
	[tilespmem:s21+$0x1520] =	vst v8;
	v6 =	vadd.f32 v6, v16  }
0x118: {  	v41 =	vld [tilespmem:s24+$0xC120];
	[tilespmem:s21+$0x1530] =	vst v7;
	v5 =	vadd.f32 v5, v15  }
0x119: {  	v42 =	vld [tilespmem:s24+$0xC130];
	[tilespmem:s21+$0x1540] =	vst v6;
	v4 =	vadd.f32 v4, v11  }
0x11a: {  	v43 =	vld [tilespmem:s24+$0xC140];
	[tilespmem:s21+$0x1550] =	vst v5;
	v3 =	vadd.f32 v3, v10  }
0x11b: {  	v44 =	vld [tilespmem:s24+$0xC150];
	[tilespmem:s21+$0x1560] =	vst v4  }
0x11c: {  	v45 =	vld [tilespmem:s24+$0xC160];
	[tilespmem:s21+$0x1570] =	vst v3;
	s21 =	smov.u32 s24  }
0x11d: {  	v46 =	vld [tilespmem:s21+$0xC170]  }
0x11e: {  	v47 =	vld [tilespmem:s21+$0xC500]  }
0x11f: {  	v48 =	vld [tilespmem:s21+$0xC510]  }
0x120: {  	v49 =	vld [tilespmem:s21+$0xC520]  }
0x121: {  	v50 =	vld [tilespmem:s21+$0xC530]  }
0x122: {  	v38 =	vld [tilespmem:s21+$0xC540]  }
0x123: {  	v37 =	vld [tilespmem:s21+$0xC550]  }
0x124: {  	v36 =	vld [tilespmem:s21+$0xC560]  }
0x125: {  	v35 =	vld [tilespmem:s21+$0xC570]  }
0x126: {  	v34 =	vld [tilespmem:s21+$0xC900]  }
0x127: {  	v33 =	vld [tilespmem:s21+$0xC910]  }
0x128: {  	v32 =	vld [tilespmem:s21+$0xC920]  }
0x129: {  	v31 =	vld [tilespmem:s21+$0xC930]  }
0x12a: {  	v30 =	vld [tilespmem:s21+$0xC940]  }
0x12b: {  	v29 =	vld [tilespmem:s21+$0xC950]  }
0x12c: {  	v28 =	vld [tilespmem:s21+$0xC960]  }
0x12d: {  	v27 =	vld [tilespmem:s21+$0xC970]  }
0x12e: {  	v26 =	vld [tilespmem:s21+$0xCD00]  }
0x12f: {  	v25 =	vld [tilespmem:s21+$0xCD10]  }
0x130: {  	v24 =	vld [tilespmem:s21+$0xCD20]  }
0x131: {  	v23 =	vld [tilespmem:s21+$0xCD30]  }
0x132: {  	v22 =	vld [tilespmem:s21+$0xCD40]  }
0x133: {  	v21 =	vld [tilespmem:s21+$0xCD50]  }
0x134: {  	v20 =	vld [tilespmem:s21+$0xCD60]  }
0x135: {  	v19 =	vld [tilespmem:s21+$0xCD70]  }
0x136: {  	v18 =	vld [tilespmem:s21+$0xD100]  }
0x137: {  	v17 =	vld [tilespmem:s21+$0xD110]  }
0x138: {  	v16 =	vld [tilespmem:s21+$0xD120]  }
0x139: {  	v15 =	vld [tilespmem:s21+$0xD130]  }
0x13a: {  	v14 =	vld [tilespmem:s21+$0xD140]  }
0x13b: {  	v13 =	vld [tilespmem:s21+$0xD150]  }
0x13c: {  	v12 =	vld [tilespmem:s21+$0xD160]  }
0x13d: {  	v11 =	vld [tilespmem:s21+$0xD170]  }
0x13e: {  	v10 =	vld [tilespmem:s21+$0xD500]  }
0x13f: {  	v9 =	vld [tilespmem:s21+$0xD510]  }
0x140: {  	v8 =	vld [tilespmem:s21+$0xD520]  }
0x141: {  	v7 =	vld [tilespmem:s21+$0xD530]  }
0x142: {  	v6 =	vld [tilespmem:s21+$0xD540]  }
0x143: {  	v5 =	vld [tilespmem:s21+$0xD550]  }
0x144: {  	v4 =	vld [tilespmem:s21+$0xD560]  }
0x145: {  	v3 =	vld [tilespmem:s21+$0xD570]  }
0x146: {  	v51 =	vld [tilespmem:s21+$0x100]  }
0x147: {  	v52 =	vld [tilespmem:s21+$0x110]  }
0x148: {  	v53 =	vld [tilespmem:s21+$0x120]  }
0x149: {  	v54 =	vld [tilespmem:s21+$0x130]  }
0x14a: {  	v55 =	vld [tilespmem:s21+$0x140]  }
0x14b: {  	v39 =	vadd.f32 v39, v51;
	v51 =	vld [tilespmem:s21+$0x150]  }
0x14c: {  	v40 =	vadd.f32 v40, v52;
	v52 =	vld [tilespmem:s21+$0x160]  }
0x14d: {  	[tilespmem:s21+$0x100] =	vst v39;
	v39 =	vadd.f32 v41, v53;
	v41 =	vld [tilespmem:s21+$0x170]  }
0x14e: {  	[tilespmem:s21+$0x110] =	vst v40;
	v40 =	vadd.f32 v42, v54;
	v42 =	vld [tilespmem:s21+$0x500]  }
0x14f: {  	[tilespmem:s21+$0x120] =	vst v39;
	v39 =	vadd.f32 v43, v55;
	v43 =	vld [tilespmem:s21+$0x510]  }
0x150: {  	[tilespmem:s21+$0x130] =	vst v40;
	v40 =	vadd.f32 v44, v51;
	v44 =	vld [tilespmem:s21+$0x520]  }
0x151: {  	[tilespmem:s21+$0x140] =	vst v39;
	v39 =	vadd.f32 v45, v52;
	v45 =	vld [tilespmem:s21+$0x530]  }
0x152: {  	[tilespmem:s21+$0x150] =	vst v40;
	v40 =	vadd.f32 v46, v41;
	v41 =	vld [tilespmem:s21+$0x540]  }
0x153: {  	[tilespmem:s21+$0x160] =	vst v39;
	v39 =	vadd.f32 v47, v42;
	v42 =	vld [tilespmem:s21+$0x550]  }
0x154: {  	[tilespmem:s21+$0x170] =	vst v40;
	v40 =	vadd.f32 v48, v43;
	v43 =	vld [tilespmem:s21+$0x560]  }
0x155: {  	[tilespmem:s21+$0x500] =	vst v39;
	v39 =	vadd.f32 v49, v44;
	v44 =	vld [tilespmem:s21+$0x570]  }
0x156: {  	[tilespmem:s21+$0x510] =	vst v40;
	v40 =	vadd.f32 v50, v45;
	v45 =	vld [tilespmem:s21+$0x900]  }
0x157: {  	[tilespmem:s21+$0x520] =	vst v39;
	v38 =	vadd.f32 v38, v41;
	v39 =	vld [tilespmem:s21+$0x910]  }
0x158: {  	[tilespmem:s21+$0x530] =	vst v40;
	v37 =	vadd.f32 v37, v42;
	v40 =	vld [tilespmem:s21+$0x920]  }
0x159: {  	[tilespmem:s21+$0x540] =	vst v38;
	v36 =	vadd.f32 v36, v43;
	v38 =	vld [tilespmem:s21+$0x930]  }
0x15a: {  	[tilespmem:s21+$0x550] =	vst v37;
	v35 =	vadd.f32 v35, v44;
	v37 =	vld [tilespmem:s21+$0x940]  }
0x15b: {  	[tilespmem:s21+$0x560] =	vst v36;
	v34 =	vadd.f32 v34, v45;
	v36 =	vld [tilespmem:s21+$0x950]  }
0x15c: {  	[tilespmem:s21+$0x570] =	vst v35;
	v33 =	vadd.f32 v33, v39;
	v35 =	vld [tilespmem:s21+$0x960]  }
0x15d: {  	[tilespmem:s21+$0x900] =	vst v34;
	v32 =	vadd.f32 v32, v40;
	v34 =	vld [tilespmem:s21+$0x970]  }
0x15e: {  	[tilespmem:s21+$0x910] =	vst v33;
	v31 =	vadd.f32 v31, v38;
	v33 =	vld [tilespmem:s21+$0xD00]  }
0x15f: {  	[tilespmem:s21+$0x920] =	vst v32;
	v30 =	vadd.f32 v30, v37;
	v32 =	vld [tilespmem:s21+$0xD10]  }
0x160: {  	[tilespmem:s21+$0x930] =	vst v31;
	v29 =	vadd.f32 v29, v36;
	v31 =	vld [tilespmem:s21+$0xD20]  }
0x161: {  	[tilespmem:s21+$0x940] =	vst v30;
	v28 =	vadd.f32 v28, v35;
	v30 =	vld [tilespmem:s21+$0xD30]  }
0x162: {  	[tilespmem:s21+$0x950] =	vst v29;
	v27 =	vadd.f32 v27, v34;
	v29 =	vld [tilespmem:s21+$0xD40]  }
0x163: {  	[tilespmem:s21+$0x960] =	vst v28;
	v26 =	vadd.f32 v26, v33;
	v28 =	vld [tilespmem:s21+$0xD50]  }
0x164: {  	[tilespmem:s21+$0x970] =	vst v27;
	v25 =	vadd.f32 v25, v32;
	v27 =	vld [tilespmem:s21+$0xD60]  }
0x165: {  	[tilespmem:s21+$0xD00] =	vst v26;
	v24 =	vadd.f32 v24, v31;
	v26 =	vld [tilespmem:s21+$0xD70]  }
0x166: {  	[tilespmem:s21+$0xD10] =	vst v25;
	v23 =	vadd.f32 v23, v30;
	v25 =	vld [tilespmem:s21+$0x1100]  }
0x167: {  	[tilespmem:s21+$0xD20] =	vst v24;
	v22 =	vadd.f32 v22, v29;
	v24 =	vld [tilespmem:s21+$0x1110]  }
0x168: {  	[tilespmem:s21+$0xD30] =	vst v23;
	v21 =	vadd.f32 v21, v28;
	v23 =	vld [tilespmem:s21+$0x1120]  }
0x169: {  	[tilespmem:s21+$0xD40] =	vst v22;
	v20 =	vadd.f32 v20, v27;
	v22 =	vld [tilespmem:s21+$0x1130]  }
0x16a: {  	[tilespmem:s21+$0xD50] =	vst v21;
	v19 =	vadd.f32 v19, v26;
	v21 =	vld [tilespmem:s21+$0x1140]  }
0x16b: {  	[tilespmem:s21+$0xD60] =	vst v20;
	v18 =	vadd.f32 v18, v25;
	v20 =	vld [tilespmem:s21+$0x1150]  }
0x16c: {  	[tilespmem:s21+$0xD70] =	vst v19;
	v17 =	vadd.f32 v17, v24;
	v19 =	vld [tilespmem:s21+$0x1160]  }
.Ltmp0:
0x16d: {  	[tilespmem:s21+$0x1100] =	vst v18;
	v18 =	vadd.f32 v16, v23;
	v16 =	vld [tilespmem:s21+$0x1170];
	(pc) =	sbr.rel @p0 .LBB2_2-.Ltmp0, $4  }
0x16e: {  	[tilespmem:s21+$0x1110] =	vst v17;
	v17 =	vadd.f32 v15, v22;
	v15 =	vld [tilespmem:s21+$0x1500]  }
0x16f: {  	[tilespmem:s21+$0x1120] =	vst v18;
	v21 =	vadd.f32 v14, v21;
	v14 =	vld [tilespmem:s21+$0x1510]  }
0x170: {  	[tilespmem:s21+$0x1130] =	vst v17;
	v18 =	vadd.f32 v13, v20;
	v13 =	vld [tilespmem:s21+$0x1520]  }
0x171: {  	s22 =	sadd.s32 $0x1, s22;
	[tilespmem:s21+$0x1140] =	vst v21;
	v17 =	vadd.f32 v12, v19;
	v12 =	vld [tilespmem:s21+$0x1530]  }
0x172: {  	[tilespmem:s21+$0x1150] =	vst v18;
	v60 =	vld [tilespmem:s21+$0x1540];
	v11 =	vadd.f32 v11, v16  }
0x173: {  	v61 =	vld [tilespmem:s21+$0x1550];
	[tilespmem:s21+$0x1160] =	vst v17;
	v10 =	vadd.f32 v10, v15  }
0x174: {  	v62 =	vld [tilespmem:s21+$0x1560];
	[tilespmem:s21+$0x1170] =	vst v11;
	v9 =	vadd.f32 v9, v14  }
0x175: {  	v63 =	vld [tilespmem:s21+$0x1570];
	[tilespmem:s21+$0x1500] =	vst v10;
	v8 =	vadd.f32 v8, v13  }
0x176: {  	[tilespmem:s21+$0x1510] =	vst v9;
	v7 =	vadd.f32 v7, v12  }
0x177: {  	[tilespmem:s21+$0x1520] =	vst v8;
	v6 =	vadd.f32 v6, v60  }
0x178: {  	v5 =	vadd.f32 v5, v61;
	[tilespmem:s21+$0x1530] =	vst v7  }
0x179: {  	v4 =	vadd.f32 v4, v62;
	[tilespmem:s21+$0x1540] =	vst v6  }
0x17a: {  	s20 =	sadd.s32 $0x1, s20;
	v3 =	vadd.f32 v3, v63;
	[tilespmem:s21+$0x1550] =	vst v5  }
0x17b: {  	p0 =	sne.s32 s20, s9;
	[tilespmem:s21+$0x1560] =	vst v4  }
.Ltmp1:
0x17c: {  	[tilespmem:s21+$0x1570] =	vst v3;
	(pc) =	sbr.rel @p0 .LBB2_1-.Ltmp1, $4  }
0x17d: {  	[hbm4b:s8+s2] =	stream.linear.scatter [tilespmem:s12], [sflag:$0x3], $0xC000, $0x38;
	[tilespmem:$0x18100] =	vst v63  }
0x17e: {  	_ =	swait.ge [sflag:s10], $0xC000  }
0x17f: {  	[sflag:s10] =	ssyncset.done $0x0  }
0x180: {  	[sflag:s10] =	ssyncadd.s32 $0xFFFF4000  }
0x181: {  	_ =	sfence.sel $0x180000  }
0x182: {  	[bflag:$0x0] =	sbarrier.arrive $0xFFFF  }
0x183: {  	_ =	strace $0x9000004A  }
0x184: {  	s0 =	stileid.u32;
	[bflag:$0x2] =	sbarrier.arrive $0xFFFF  }
0x185: {  	p0 =	sne.s32 s0, $0x0;
	s0 =	rddreg [dreg:$0x2]  }
0x186: {  	s0 =	sadd.s32 @!p0 $0x100000, s0  }
0x187: {  	[sflag:s0] =	ssyncadd.tile.s32 @!p0 $0x1;
	_ =	shalt  }
.Lfunc_end2:
_tile_overlayer_lowered:
.L_overlay_start_2:
0x188: {  	(tag) =	ssettag $0x2  }
0x189: {  	s0 =	rddreg [dreg:$0x0];
	s2 =	stileid.u32  }
0x18a: {  	s1 =	rddreg [dreg:$0x1];
	p0 =	sne.s32 s2, $0x0  }
0x18b: {  	s3 =	rddreg [dreg:$0x2];
	[bflag:$0x3] =	sbarrier.arrive $0xFFFF;
	s2 =	simm.s32 @!p0 $0x1C03  }
0x18c: {  	[timem:s3], [sflag:s2] =	dma.local @!p0 [hbm:s0], s1  }
0x18d: {  	s0 =	simm.s32 @!p0 $0x3  }
0x18e: {  	_ =	swait.ge @!p0 [sflag:s0], s1  }
0x18f: {  	s1 =	ssub.s32 @!p0 $0x0, s1;
	[sflag:s0] =	ssyncset.done @!p0 $0x0  }
0x190: {  	[sflag:s0] =	ssyncadd.s32 @!p0 s1  }
0x191: {  	[bflag:$0x3] =	sbarrier.arrive $0xFFFF  }
0x192: {  	_ =	shalt  }

// kernel: sc_dispatch.3.cloned.1.call-start
scs
__scs_entry_jumppad:
0x0: {  	(pc) =	sbr.rel $0x88, $3  }
0x1: {  	(tag) =	ssettag $0x0;
	lr =	simm.s32 $0x1  }
0x2: {  	[smem:$0x3F97] =	sst lr;
	_ =	strace $0xD0000000  }
0x3: {  	_ = 	snop  }
0x4: {  	_ = 	snop  }
0x5: {  	_ = 	snop  }
0x6: {  	_ = 	snop  }
0x7: {  	_ = 	snop  }
__scs_overlays_trampoline_lowered:
0x8: {  	[smem:$0x3FA6] =	sst s0  }
0x9: {  	[smem:$0x3FA7] =	sst s1  }
0xa: {  	[smem:$0x3FA8] =	sst s2  }
0xb: {  	[smem:$0x3FA9] =	sst s3  }
0xc: {  	[smem:$0x3FAA] =	sst s4  }
0xd: {  	[smem:$0x3FAB] =	sst s5  }
0xe: {  	[smem:$0x3FAC] =	sst s6  }
0xf: {  	[smem:$0x3FAD] =	sst s7  }
0x10: {  	[smem:$0x3FAE] =	sst s8  }
0x11: {  	[smem:$0x3FAF] =	sst s9;
	s0 =	simm.s32 @!p0 $0x0  }
0x12: {  	s1 =	sld [smem:$0x3F95];
	s0 =	simm.s32 @p0 $0x1  }
0x13: {  	[smem:$0x3FB0] =	sst s0;
	s0 =	simm.s32 @!p1 $0x0  }
0x14: {  	s2 =	sld [smem:$0x3F94];
	s0 =	simm.s32 @p1 $0x1  }
0x15: {  	[smem:$0x3FB1] =	sst s0;
	s0 =	simm.s32 @!p2 $0x0  }
0x16: {  	s3 =	sld [smem:$0x3FDB];
	s0 =	simm.s32 @p2 $0x1  }
0x17: {  	s4 =	simm.s32 $0x1BF5;
	[smem:$0x3FB3] =	sst s0  }
0x18: {  	s0 =	sld [smem:$0x3F96];
	_ =	swait.ge [sflag:s4], $0x0  }
0x19: {  	s7 =	sld [smem:$0x3F97]  }
0x1a: {  	s8 =	sadd.s32 $0xFFFFE003, lr  }
0x1b: {  	s9 =	sadd.s32 $0xFFFFFEF7, lr;
	s5 =	simm.s32 $0xFFFFFFFF;
	p2 =	slt.u32 s8, $0xFFFFF086  }
0x1c: {  	p1 =	slt.u32 s9, $0xF7A;
	s5 =	simm.s32 @!p2 $0x0  }
0x1d: {  	s5 =	simm.s32 @p1 $0x1;
	p0 =	seq.s32 s7, s2  }
0x1e: {  	s7 =	smul.u32 @!p0 $0xF7A, s2;
	p2 =	seq.s32 @!p0 s5, $0x0  }
0x1f: {  	s9 =	smul.u32 $0xF7A, s1;
	s8 =	simm.s32 @!p0 $0x1BF5;
	p2 =	por !p2, p0  }
0x20: {  	[sflag:s8] =	ssyncset.s32 @!p0 $0xFFFFF086;
	s6 =	sadd.s32 @!p0 s3, s7;
	s7 =	simm.s32 @!p0 $0x108  }
0x21: {  	s3 =	sadd.s32 s3, s9;
	s6 =	sadd.s32 @!p0 $0x88, s6;
	s7 =	simm.s32 @p2 $0x1082  }
0x22: {  	[simem:s7], [sflag:s8] =	dma.local @!p0 [hbm:s6], $0xF7A  }
0x23: {  	s9 =	sor.u32 $0xD0000000, s2;
	s6 =	simm.s32 $0x108;
	_ =	swait.ge @!p0 [sflag:s8], $0x0  }
0x24: {  	s3 =	sadd.s32 $0x88, s3;
	s6 =	simm.s32 @!p1 $0x1082;
	[sflag:s4] =	ssyncset.s32 $0xFFFFF086  }
0x25: {  	[simem:s6], [sflag:s4] =	dma.local [hbm:s3], $0xF7A  }
0x26: {  	[smem:$0x3F97] =	sst s1;
	(tag) =	ssettag s2;
	_ =	strace s9  }
0x27: {  	s1 =	sld [smem:$0x3FA7]  }
0x28: {  	s2 =	sld [smem:$0x3FA8]  }
0x29: {  	s4 =	sld [smem:$0x3FAA]  }
0x2a: {  	p0 =	seq.s32 s5, $0x0;
	s5 =	sld [smem:$0x3FAB]  }
0x2b: {  	s6 =	sld [smem:$0x3FAC]  }
0x2c: {  	s7 =	sld [smem:$0x3FAD]  }
0x2d: {  	s3 =	simm.s32 $0x108;
	s8 =	sld [smem:$0x3FAE]  }
0x2e: {  	s3 =	simm.s32 @!p0 $0x1082;
	s9 =	sld [smem:$0x3FAF]  }
0x2f: {  	lr =	sadd.s32 s0, s3;
	s0 =	sld [smem:$0x3FA6]  }
0x30: {  	s3 =	sld [smem:$0x3FA9]  }
0x31: {  	[smem:$0x3FB2] =	sst s10  }
0x32: {  	s10 =	sld [smem:$0x3FB0];
	_ =	sdelay $0x3  }
0x33: {  	p0 =	seq.s32 s10, $0x1;
	s10 =	sld [smem:$0x3FB2];
	_ =	sdelay $0x3  }
0x34: {  	[smem:$0x3FB2] =	sst s10  }
0x35: {  	s10 =	sld [smem:$0x3FB1];
	_ =	sdelay $0x3  }
0x36: {  	p1 =	seq.s32 s10, $0x1;
	s10 =	sld [smem:$0x3FB2];
	_ =	sdelay $0x3  }
0x37: {  	[smem:$0x3FB2] =	sst s10  }
0x38: {  	s10 =	sld [smem:$0x3FB3]  }
0x39: {  	_ = 	snop;
	(pc) =	sbr.ind lr, $3  }
0x3a: {  	_ = 	snop  }
0x3b: {  	_ = 	snop  }
0x3c: {  	p2 =	seq.s32 s10, $0x1;
	s10 =	sld [smem:$0x3FB2]  }
0x3d: {  	_ =	shalt  }
0x3e: {  	_ =	shalt  }
0x3f: {  	_ =	shalt  }
0x40: {  	_ =	shalt  }
0x41: {  	_ =	shalt  }
0x42: {  	_ =	shalt  }
0x43: {  	_ =	shalt  }
0x44: {  	_ =	shalt  }
0x45: {  	_ =	shalt  }
0x46: {  	_ =	shalt  }
0x47: {  	_ =	shalt  }
0x48: {  	_ =	shalt  }
0x49: {  	_ =	shalt  }
0x4a: {  	_ =	shalt  }
0x4b: {  	_ =	shalt  }
0x4c: {  	_ =	shalt  }
0x4d: {  	_ =	shalt  }
0x4e: {  	_ =	shalt  }
0x4f: {  	_ =	shalt  }
0x50: {  	_ =	shalt  }
0x51: {  	_ =	shalt  }
0x52: {  	_ =	shalt  }
0x53: {  	_ =	shalt  }
0x54: {  	_ =	shalt  }
0x55: {  	_ =	shalt  }
0x56: {  	_ =	shalt  }
0x57: {  	_ =	shalt  }
0x58: {  	_ =	shalt  }
0x59: {  	_ =	shalt  }
0x5a: {  	_ =	shalt  }
0x5b: {  	_ =	shalt  }
0x5c: {  	_ =	shalt  }
0x5d: {  	_ =	shalt  }
0x5e: {  	_ =	shalt  }
0x5f: {  	_ =	shalt  }
0x60: {  	_ =	shalt  }
0x61: {  	_ =	shalt  }
0x62: {  	_ =	shalt  }
0x63: {  	_ =	shalt  }
0x64: {  	_ =	shalt  }
0x65: {  	_ =	shalt  }
0x66: {  	_ =	shalt  }
0x67: {  	_ =	shalt  }
0x68: {  	_ =	shalt  }
0x69: {  	_ =	shalt  }
0x6a: {  	_ =	shalt  }
0x6b: {  	_ =	shalt  }
0x6c: {  	_ =	shalt  }
0x6d: {  	_ =	shalt  }
0x6e: {  	_ =	shalt  }
0x6f: {  	_ =	shalt  }
0x70: {  	_ =	shalt  }
0x71: {  	_ =	shalt  }
0x72: {  	_ =	shalt  }
0x73: {  	_ =	shalt  }
0x74: {  	_ =	shalt  }
0x75: {  	_ =	shalt  }
0x76: {  	_ =	shalt  }
0x77: {  	_ =	shalt  }
0x78: {  	_ =	shalt  }
0x79: {  	_ =	shalt  }
0x7a: {  	_ =	shalt  }
0x7b: {  	_ =	shalt  }
0x7c: {  	_ =	shalt  }
0x7d: {  	_ =	shalt  }
0x7e: {  	_ =	shalt  }
0x7f: {  	_ =	shalt  }
0x80: {  	_ =	shalt  }
0x81: {  	_ =	shalt  }
0x82: {  	_ =	shalt  }
0x83: {  	_ =	shalt  }
0x84: {  	_ =	shalt  }
0x85: {  	_ =	shalt  }
0x86: {  	_ =	shalt  }
0x87: {  	_ =	shalt  }
.Lfunc_end0:
.L_simem_size_0:
called_computation_lowered:
.L_overlay_start_0:
0x88: {  	s2 =	sld [smem:$0x3FD9]  }
0x89: {  	s3 =	sld [smem:$0x3FFE];
	_ =	sdelay $0x1  }
0x8a: {  	s1 =	srdreg.scid  }
0x8b: {  	s0 =	sand.u32 $0x1, s1  }
0x8c: {  	s17 =	sshll.u32 s0, $0xA;
	s2 =	sadd.s32 s3, s2  }
0x8d: {  	s2 =	sadd.s32 s2, s17  }
0x8e: {  	[smem:$0x3FBE] =	sst s2  }
0x8f: {  	_ = 	snop  }
0x90: {  	s2 =	sld [smem:$0x3FC9]  }
0x91: {  	s18 =	sld [smem:$0x3FD0];
	(tm) =	ssettm $0x1  }
0x92: {  	s4 =	sld [smem:$0x3FFB];
	_ =	sdelay $0x3  }
0x93: {  	_ =	strace s4  }
0x94: {  	s4 =	sld [smem:$0x3FFC];
	_ =	sdelay $0x3  }
0x95: {  	_ =	strace s4  }
0x96: {  	s4 =	sld [smem:$0x3FFD];
	_ =	sdelay $0x3  }
0x97: {  	_ =	strace s4  }
0x98: {  	_ =	strace $0x8FFFFFFF  }
0x99: {  	s19 =	sld [smem:$0x3FDB];
	_ =	sdelay $0x1  }
0x9a: {  	s5 =	simm.s32 $_scs_section_size  }
0x9b: {  	s6 =	simm.s32 $_size__tile_overlayer_lowered;
	s7 =	simm.s32 $_tile_overlayer_lowered  }
0x9c: {  	s22 =	simm.s32 $0x1BFF;
	s21 =	sshll.u32 s7, $0x1;
	s4 =	sadd.s32 s5, s19  }
0x9d: {  	s8 =	simm.s32 $0x0;
	s20 =	sshll.u32 s6, $0x1;
	s6 =	sadd.s32 s21, s4  }
0x9e: {  	[timem:s8], [sflag:s22] =	dma.local [hbm:s6], s20  }
0x9f: {  	_ =	swait.ge [sflag:s22], s20  }
0xa0: {  	s5 =	ssub.s32 $0x0, s20;
	[sflag:s22] =	ssyncset.done $0x0  }
0xa1: {  	[sflag:s22] =	ssyncadd.s32 s5;
	_ =	sdelay $0x1  }
0xa2: {  	s23 =	simm.s32 $0x1B8B  }
0xa3: {  	_ =	swait.ge [sflag:s23], $0x1  }
0xa4: {  	[sflag:s23] =	ssyncset.done $0x0  }
0xa5: {  	s25 =	simm.s32 $0x1B8E;
	s24 =	sld [smem:$0x3FFE];
	[sflag:s23] =	ssyncadd.s32 $0xFFFFFFFF  }
0xa6: {  	s26 =	simm.s32 $execute0_lowered;
	[smem:$0x3FD2] =	sst s25  }
0xa7: {  	s6 =	sshll.u32 s26, $0x1;
	_ =	strace $0x80000046;
	[dreg:$0x1] =	wrdreg $0xFFFFFFFF  }
0xa8: {  	s28 =	simm.s32 $_size_execute0_lowered;
	s4 =	sadd.s32 s4, s6;
	[dreg:$0x0] =	wrdreg $0x0  }
0xa9: {  	s6 =	sshll.u32 s28, $0x1;
	[dreg:$0x2] =	wrdreg s4  }
0xaa: {  	[dreg:$0x3] =	wrdreg s6  }
0xab: {  	[dreg:$0x4] =	wrdreg $0xC0  }
0xac: {  	_ =	task [dreg:s8], $0x5FFFF  }
0xad: {  	[dreg:$0x1] =	wrdreg $0xFFFFFFFF  }
0xae: {  	[dreg:$0x0] =	wrdreg $0x60  }
0xaf: {  	[dreg:$0x2] =	wrdreg s18  }
0xb0: {  	[dreg:$0x3] =	wrdreg s24  }
0xb1: {  	[dreg:$0x4] =	wrdreg s2  }
0xb2: {  	[dreg:$0x5] =	wrdreg $0x0  }
0xb3: {  	[dreg:$0x6] =	wrdreg $0x9  }
0xb4: {  	_ =	task.clear_ibuf [dreg:s8], $0x7FFFF;
	_ =	strace $0x90000046  }
0xb5: {  	s29 =	simm.s32 $0x9;
	_ =	strace $0x80000048  }
0xb6: {  	_ =	swait.ge [sflag:s29], $0x1  }
0xb7: {  	[sflag:s29] =	ssyncadd.s32 $0xFFFFFFFF  }
0xb8: {  	_ =	strace $0x90000048  }
0xb9: {  	_ =	sfence  }
0xba: {  	s30 =	sld [smem:$0x0];
	_ =	sdelay $0x2  }
0xbb: {  	s31 =	sshll.u32 s1, $0xD;
	s1 =	sshrl.u32 s1, $0x2  }
0xbc: {  	s3 =	sand.u32 $0x4000, s31;
	s1 =	sadd.s32 s1, s30  }
0xbd: {  	s0 =	sor.u32 s3, s0;
	s1 =	sshll.u32 s1, $0x11  }
0xbe: {  	s0 =	sor.u32 s1, s0  }
0xbf: {  	s0 =	sadd.s32 $0x8F2B, s0  }
0xc0: {  	[sflag:s0] =	ssyncadd.remote.s32 $0x1  }
0xc1: {  	_ =	sfence.sel $0xFFFF  }
0xc2: {  	[dreg:$0x0] =	wrdreg $0xFFFFFFFF;
	(pc) =	sbr.abs _section_cstart, $3  }
0xc3: {  	[dreg:$0x1] =	wrdreg $0xFFFFFFFF  }
0xc4: {  	_ =	task.clear_ibuf [dreg:s8], $0x2FFFF;
	_ =	strace $0x9FFFFFFF  }
0xc5: {  	(tm) =	ssettm $0x7FFFFFFF  }
tec
execute0_lowered:
.L_overlay_start_1:
0x0: {  	(tag) =	ssettag $0x1  }
0x1: {  	s0 =	srdreg.scid  }
0x2: {  	s1 =	stileid.u32;
	s3 =	rddreg [dreg:$0x1]  }
0x3: {  	s9 =	rddreg [dreg:$0x3];
	s14 =	simm.s32 $0x4180;
	s13 =	simm.s32 $0x5980  }
0x4: {  	s18 =	simm.s32 $0x7400;
	s15 =	simm.s32 $0xBC00;
	s16 =	simm.s32 $0xCC00  }
0x5: {  	s29 =	simm.s32 $0xD400;
	s31 =	simm.s32 $0xDC00;
	s28 =	simm.s32 $0xEC00  }
0x6: {  	s30 =	simm.s32 $0xF400;
	s0 =	sand.u32 $0x1, s0;
	s2 =	sshll.u32 s1, $0x1  }
0x7: {  	s7 =	sadd.s32 $0xE00, s3;
	s8 =	sadd.s32 $0x1000, s3;
	s21 =	sadd.s32 $0x91400, s3  }
0x8: {  	s10 =	sadd.s32 $0x91800, s3;
	p0 =	sne.s32 s1, $0x0;
	s1 =	simm.s32 $0x0  }
0x9: {  	s4 =	sor.u32 s0, s2;
	s2 =	rddreg [dreg:$0x2];
	s20 =	ssub.s32 $0x2, s0  }
0xa: {  	p1 =	sne.s32 s0, $0x0;
	s5 =	smul.u32 $0xC0, s4;
	s4 =	simm.s32 $0x0  }
0xb: {  	s22 =	sshrl.u32 s20, $0x1;
	s11 =	sadd.s32 $0x100, s2;
	[smem:$0x7FF] =	sst s4  }
0xc: {  	s12 =	sadd.s32 $0x200, s2;
	_ =	strace $0x80000047;
	[dreg:$0x5] =	wrdreg s7  }
0xd: {  	s23 =	ssub.s32 s20, s22;
	s6 =	sshrl.u32 s5, $0x3;
	[dreg:$0x6] =	wrdreg s8  }
0xe: {  	s20 =	simm.s32 $0x7C00;
	[dreg:$0x7] =	wrdreg s21;
	s6 =	smul.u32 $0x300, s6  }
0xf: {  	s22 =	simm.s32 $0x8400;
	[dreg:$0x8] =	wrdreg s10;
	s5 =	sadd.s32 s5, s9  }
0x10: {  	[dreg:$0xa] =	wrdreg s5;
	s6 =	sadd.s32 s6, s3;
	s3 =	sadd.s32 $0x91600, s3  }
0x11: {  	v0 =	vlaneseq.u32;
	s21 =	simm.s32 $0x8C00;
	[dreg:$0x9] =	wrdreg s3;
	s24 =	sadd.s32 $0x1400, s6  }
.Ltmp0:
0x12: {  	v1 =	vimm.s32 $0x0;
	vm0 =	vcmask $0x320;
	vm1 =	vcmask $0x720;
	s25 =	sadd.s32 $0x2C00, s6;
	[dreg:$0xb] =	wrdreg s24;
	(pc) =	sbr.rel .LBB2_1-.Ltmp0, $4  }
0x13: {  	vm2 =	vcmask $0xB20;
	vm3 =	vcmask $0xF20;
	vm4 =	vcmask $0x1320;
	s7 =	simm.s32 $0x11400;
	s26 =	sadd.s32 $0x4400, s6;
	[dreg:$0xc] =	wrdreg s25  }
0x14: {  	vm5 =	vcmask $0x1720;
	vm6 =	vcmask $0x1B20;
	vm7 =	vmmov $0xffff;
	s8 =	simm.s32 $0x11C00;
	s3 =	smax.u32 s23, $0x1;
	[dreg:$0xd] =	wrdreg s26  }
0x15: {  	v2 =	vadd.s32 $0x1, v0;
	v3 =	vadd.s32 $0x11, v0;
	v5 =	vshrl.u32 v0, $0x3;
	s9 =	simm.s32 $0x12400;
	s23 =	simm.s32 $0x12C00;
	[dreg:$0xe] =	wrdreg s3  }
0x16: {  	v4 =	vand.u32 $0x7, v0;
	v6 =	vor.u32 $0x8, v0;
	v5 =	vmul.u32 $0x8, v5;
	s25 =	simm.s32 $0xB400;
	s26 =	simm.s32 $0xC400;
	s24 =	simm.s32 $0xE400  }
.LBB2_7:
0x17: {  	[bflag:$0x0] =	sbarrier.arrive $0xFFFF  }
0x18: {  	s3 =	simm.s32 $0x7300;
	s10 =	simm.s32 $0x5;
	s0 =	rddreg [dreg:$0xa]  }
0x19: {  	[tilespmem:s3], [sflag:$0x5] =	stream.linear.gather [spmem:s0], $0xC0, $0x38;
	[tilespmem:$0x1F400] =	vst v63  }
0x1a: {  	_ =	swait.ge [sflag:s10], $0xC0  }
0x1b: {  	[sflag:s10] =	ssyncset.done $0x0  }
0x1c: {  	[sflag:s10] =	ssyncadd.s32 $0xFFFFFF40  }
0x1d: {  	v7 =	vld [tilespmem:$0x7300]  }
0x1e: {  	v8 =	vld [tilespmem:$0x7310]  }
0x1f: {  	v9 =	vld [tilespmem:$0x7320]  }
0x20: {  	v10 =	vld [tilespmem:$0x7330]  }
0x21: {  	v11 =	vld [tilespmem:$0x7340]  }
0x22: {  	v13 =	vld [tilespmem:$0x7350];
	v12 =	vand.u32 $0x7FF, v7  }
0x23: {  	v14 =	vld [tilespmem:$0x7360];
	v8 =	vand.u32 $0x7FF, v8;
	[tilespmem:$0x7300] =	vst v12  }
0x24: {  	v57 =	vld [tilespmem:$0x7370];
	[tilespmem:$0x7310] =	vst v8;
	v8 =	vand.u32 $0x7FF, v9;
	v12 =	vshrl.u32 v12, $0x3  }
0x25: {  	v58 =	vld [tilespmem:$0x7380];
	[tilespmem:$0x7320] =	vst v8;
	v8 =	vand.u32 $0x7FF, v10;
	v12 =	vmul.u32 $0x30, v12  }
0x26: {  	v59 =	vld [tilespmem:$0x7390];
	v7 =	vand.u32 $0x7, v7;
	[tilespmem:$0x7330] =	vst v8;
	v8 =	vand.u32 $0x7FF, v11  }
0x27: {  	v60 =	vld [tilespmem:$0x73A0];
	[tilespmem:$0x7340] =	vst v8;
	v8 =	vand.u32 $0x7FF, v13;
	v7 =	vor.u32 v7, v12  }
0x28: {  	v61 =	vld [tilespmem:$0x73B0];
	[tilespmem:$0x7350] =	vst v8;
	v8 =	vand.u32 $0x7FF, v14;
	v62 =	vperm.xlane v7, v4  }
0x29: {  	[tilespmem:$0x7360] =	vst v8;
	v8 =	vand.u32 $0x7FF, v57  }
0x2a: {  	[tilespmem:$0x7370] =	vst v8;
	v8 =	vand.u32 $0x7FF, v58;
	v63 =	vadd.s32 v5, v62  }
0x2b: {  	[tilespmem:$0x7380] =	vst v8;
	v8 =	vand.u32 $0x7FF, v59  }
0x2c: {  	[tilespmem:$0x7390] =	vst v8;
	v8 =	vand.u32 $0x7FF, v60  }
0x2d: {  	[tilespmem:$0x73A0] =	vst v8;
	v8 =	vand.u32 $0x7FF, v61  }
0x2e: {  	v7 =	vperm.xlane v7, v6;
	[tilespmem:$0x73B0] =	vst v8  }
0x2f: {  	[tilespmem:s18], [sflag:$0x1] =	stream.indirect_vreg.gather [hbm4b:s2+s4], $0x80, v63, vm7, $0xb8;
	[tilespmem:$0x1F400] =	vst v63  }
0x30: {  	v7 =	vadd.s32 v5, v7  }
0x31: {  	[tilespmem:s20], [sflag:$0x1] =	stream.indirect_vreg.gather [hbm4b:s11+s4], $0x80, v63, vm7, $0xb8;
	[tilespmem:$0x1F400] =	vst v63  }
0x32: {  	_ = 	snop  }
0x33: {  	[tilespmem:s22], [sflag:$0x1] =	stream.indirect_vreg.gather [hbm4b:s12+s4], $0x80, v63, vm7, $0xb8;
	[tilespmem:$0x1F400] =	vst v63  }
0x34: {  	_ = 	snop  }
0x35: {  	[tilespmem:s21], [sflag:$0x1] =	stream.indirect_vreg.gather [hbm4b:s2+s4], $0x80, v7, vm7, $0xb8;
	[tilespmem:$0x1F400] =	vst v63  }
0x36: {  	s17 =	simm.s32 $0x9400  }
0x37: {  	[tilespmem:s17], [sflag:$0x1] =	stream.indirect_vreg.gather [hbm4b:s11+s4], $0x80, v7, vm7, $0xb8;
	[tilespmem:$0x1F400] =	vst v63  }
0x38: {  	s10 =	simm.s32 $0x9C00  }
0x39: {  	[tilespmem:s10], [sflag:$0x1] =	stream.indirect_vreg.gather [hbm4b:s12+s4], $0x80, v7, vm7, $0xb8;
	[tilespmem:$0x1F400] =	vst v63  }
0x3a: {  	v7 =	vld [tilespmem:$0x7310];
	_ =	sdelay $0x4  }
0x3b: {  	v8 =	vshrl.u32 v7, $0x3  }
0x3c: {  	v8 =	vmul.u32 $0x30, v8  }
0x3d: {  	v7 =	vand.u32 $0x7, v7  }
0x3e: {  	v7 =	vor.u32 v7, v8  }
0x3f: {  	v8 =	vperm.xlane v7, v4;
	_ =	sdelay $0x1  }
0x40: {  	v8 =	vadd.s32 v5, v8;
	_ =	sdelay $0x3  }
0x41: {  	s13 =	simm.s32 $0xA400;
	v7 =	vperm.xlane v7, v6  }
0x42: {  	[tilespmem:s13], [sflag:$0x1] =	stream.indirect_vreg.gather [hbm4b:s2+s4], $0x80, v8, vm7, $0xb8;
	[tilespmem:$0x1F400] =	vst v63  }
0x43: {  	s14 =	simm.s32 $0xAC00;
	v7 =	vadd.s32 v5, v7  }
0x44: {  	[tilespmem:s14], [sflag:$0x1] =	stream.indirect_vreg.gather [hbm4b:s11+s4], $0x80, v8, vm7, $0xb8;
	[tilespmem:$0x1F400] =	vst v63  }
0x45: {  	_ = 	snop  }
0x46: {  	[tilespmem:s25], [sflag:$0x1] =	stream.indirect_vreg.gather [hbm4b:s12+s4], $0x80, v8, vm7, $0xb8;
	[tilespmem:$0x1F400] =	vst v63  }
0x47: {  	_ = 	snop  }
0x48: {  	[tilespmem:s15], [sflag:$0x1] =	stream.indirect_vreg.gather [hbm4b:s2+s4], $0x80, v7, vm7, $0xb8;
	[tilespmem:$0x1F400] =	vst v63  }
0x49: {  	_ = 	snop  }
0x4a: {  	[tilespmem:s26], [sflag:$0x1] =	stream.indirect_vreg.gather [hbm4b:s11+s4], $0x80, v7, vm7, $0xb8;
	[tilespmem:$0x1F400] =	vst v63  }
0x4b: {  	_ = 	snop  }
0x4c: {  	[tilespmem:s16], [sflag:$0x1] =	stream.indirect_vreg.gather [hbm4b:s12+s4], $0x80, v7, vm7, $0xb8;
	[tilespmem:$0x1F400] =	vst v63  }
0x4d: {  	v7 =	vld [tilespmem:$0x7320];
	_ =	sdelay $0x4  }
0x4e: {  	v8 =	vshrl.u32 v7, $0x3  }
0x4f: {  	v8 =	vmul.u32 $0x30, v8  }
0x50: {  	v7 =	vand.u32 $0x7, v7  }
0x51: {  	v7 =	vor.u32 v7, v8  }
0x52: {  	v8 =	vperm.xlane v7, v4;
	_ =	sdelay $0x1  }
0x53: {  	v8 =	vadd.s32 v5, v8;
	_ =	sdelay $0x3  }
0x54: {  	v7 =	vperm.xlane v7, v6  }
0x55: {  	[tilespmem:s29], [sflag:$0x1] =	stream.indirect_vreg.gather [hbm4b:s2+s4], $0x80, v8, vm7, $0xb8;
	[tilespmem:$0x1F400] =	vst v63  }
0x56: {  	v7 =	vadd.s32 v5, v7  }
0x57: {  	[tilespmem:s31], [sflag:$0x1] =	stream.indirect_vreg.gather [hbm4b:s11+s4], $0x80, v8, vm7, $0xb8;
	[tilespmem:$0x1F400] =	vst v63  }
0x58: {  	_ = 	snop  }
0x59: {  	[tilespmem:s24], [sflag:$0x1] =	stream.indirect_vreg.gather [hbm4b:s12+s4], $0x80, v8, vm7, $0xb8;
	[tilespmem:$0x1F400] =	vst v63  }
0x5a: {  	_ = 	snop  }
0x5b: {  	[tilespmem:s28], [sflag:$0x1] =	stream.indirect_vreg.gather [hbm4b:s2+s4], $0x80, v7, vm7, $0xb8;
	[tilespmem:$0x1F400] =	vst v63  }
0x5c: {  	_ = 	snop  }
0x5d: {  	[tilespmem:s30], [sflag:$0x1] =	stream.indirect_vreg.gather [hbm4b:s11+s4], $0x80, v7, vm7, $0xb8;
	[tilespmem:$0x1F400] =	vst v63  }
0x5e: {  	s0 =	simm.s32 $0xFC00  }
0x5f: {  	[tilespmem:s0], [sflag:$0x1] =	stream.indirect_vreg.gather [hbm4b:s12+s4], $0x80, v7, vm7, $0xb8;
	[tilespmem:$0x1F400] =	vst v63  }
0x60: {  	v7 =	vld [tilespmem:$0x7330];
	_ =	sdelay $0x4  }
0x61: {  	v8 =	vshrl.u32 v7, $0x3  }
0x62: {  	v8 =	vmul.u32 $0x30, v8  }
0x63: {  	v7 =	vand.u32 $0x7, v7  }
0x64: {  	v7 =	vor.u32 v7, v8  }
0x65: {  	v8 =	vperm.xlane v7, v4;
	_ =	sdelay $0x1  }
0x66: {  	v8 =	vadd.s32 v5, v8;
	_ =	sdelay $0x3  }
0x67: {  	s5 =	simm.s32 $0x10400;
	v7 =	vperm.xlane v7, v6  }
0x68: {  	[tilespmem:s5], [sflag:$0x1] =	stream.indirect_vreg.gather [hbm4b:s2+s4], $0x80, v8, vm7, $0xb8;
	[tilespmem:$0x1F400] =	vst v63  }
0x69: {  	s3 =	simm.s32 $0x10C00;
	v7 =	vadd.s32 v5, v7  }
0x6a: {  	[tilespmem:s3], [sflag:$0x1] =	stream.indirect_vreg.gather [hbm4b:s11+s4], $0x80, v8, vm7, $0xb8;
	[tilespmem:$0x1F400] =	vst v63  }
0x6b: {  	_ = 	snop  }
0x6c: {  	[tilespmem:s7], [sflag:$0x1] =	stream.indirect_vreg.gather [hbm4b:s12+s4], $0x80, v8, vm7, $0xb8;
	[tilespmem:$0x1F400] =	vst v63  }
0x6d: {  	_ = 	snop  }
0x6e: {  	[tilespmem:s8], [sflag:$0x1] =	stream.indirect_vreg.gather [hbm4b:s2+s4], $0x80, v7, vm7, $0xb8;
	[tilespmem:$0x1F400] =	vst v63  }
0x6f: {  	_ = 	snop  }
0x70: {  	[tilespmem:s9], [sflag:$0x1] =	stream.indirect_vreg.gather [hbm4b:s11+s4], $0x80, v7, vm7, $0xb8;
	[tilespmem:$0x1F400] =	vst v63  }
0x71: {  	_ = 	snop  }
0x72: {  	[tilespmem:s23], [sflag:$0x1] =	stream.indirect_vreg.gather [hbm4b:s12+s4], $0x80, v7, vm7, $0xb8;
	[tilespmem:$0x1F400] =	vst v63  }
0x73: {  	v7 =	vld [tilespmem:$0x7340];
	_ =	sdelay $0x4  }
0x74: {  	v8 =	vshrl.u32 v7, $0x3  }
0x75: {  	v8 =	vmul.u32 $0x30, v8  }
0x76: {  	v7 =	vand.u32 $0x7, v7  }
0x77: {  	v7 =	vor.u32 v7, v8  }
0x78: {  	v8 =	vperm.xlane v7, v4;
	_ =	sdelay $0x1  }
0x79: {  	v8 =	vadd.s32 v5, v8;
	_ =	sdelay $0x3  }
0x7a: {  	s6 =	simm.s32 $0x13400;
	v7 =	vperm.xlane v7, v6  }
0x7b: {  	[tilespmem:s6], [sflag:$0x2] =	stream.indirect_vreg.gather [hbm4b:s2+s4], $0x80, v8, vm7, $0xb8;
	[tilespmem:$0x1F400] =	vst v63  }
0x7c: {  	s17 =	simm.s32 $0x13C00;
	v7 =	vadd.s32 v5, v7  }
0x7d: {  	[tilespmem:s17], [sflag:$0x2] =	stream.indirect_vreg.gather [hbm4b:s11+s4], $0x80, v8, vm7, $0xb8;
	[tilespmem:$0x1F400] =	vst v63  }
0x7e: {  	s19 =	simm.s32 $0x14400  }
0x7f: {  	[tilespmem:s19], [sflag:$0x2] =	stream.indirect_vreg.gather [hbm4b:s12+s4], $0x80, v8, vm7, $0xb8;
	[tilespmem:$0x1F400] =	vst v63  }
0x80: {  	s19 =	simm.s32 $0x14C00  }
0x81: {  	[tilespmem:s19], [sflag:$0x2] =	stream.indirect_vreg.gather [hbm4b:s2+s4], $0x80, v7, vm7, $0xb8;
	[tilespmem:$0x1F400] =	vst v63  }
0x82: {  	s19 =	simm.s32 $0x15400  }
0x83: {  	[tilespmem:s19], [sflag:$0x2] =	stream.indirect_vreg.gather [hbm4b:s11+s4], $0x80, v7, vm7, $0xb8;
	[tilespmem:$0x1F400] =	vst v63  }
0x84: {  	s19 =	simm.s32 $0x15C00  }
0x85: {  	[tilespmem:s19], [sflag:$0x2] =	stream.indirect_vreg.gather [hbm4b:s12+s4], $0x80, v7, vm7, $0xb8;
	[tilespmem:$0x1F400] =	vst v63  }
0x86: {  	v7 =	vld [tilespmem:$0x7350];
	_ =	sdelay $0x4  }
0x87: {  	v8 =	vshrl.u32 v7, $0x3  }
0x88: {  	v8 =	vmul.u32 $0x30, v8  }
0x89: {  	v7 =	vand.u32 $0x7, v7  }
0x8a: {  	v7 =	vor.u32 v7, v8  }
0x8b: {  	v8 =	vperm.xlane v7, v4;
	_ =	sdelay $0x1  }
0x8c: {  	v8 =	vadd.s32 v5, v8;
	_ =	sdelay $0x3  }
0x8d: {  	s19 =	simm.s32 $0x16400;
	v7 =	vperm.xlane v7, v6  }
0x8e: {  	[tilespmem:s19], [sflag:$0x2] =	stream.indirect_vreg.gather [hbm4b:s2+s4], $0x80, v8, vm7, $0xb8;
	[tilespmem:$0x1F400] =	vst v63  }
0x8f: {  	v7 =	vadd.s32 v5, v7;
	s19 =	simm.s32 $0x16C00  }
0x90: {  	[tilespmem:s19], [sflag:$0x2] =	stream.indirect_vreg.gather [hbm4b:s11+s4], $0x80, v8, vm7, $0xb8;
	[tilespmem:$0x1F400] =	vst v63  }
0x91: {  	s19 =	simm.s32 $0x17400  }
0x92: {  	[tilespmem:s19], [sflag:$0x2] =	stream.indirect_vreg.gather [hbm4b:s12+s4], $0x80, v8, vm7, $0xb8;
	[tilespmem:$0x1F400] =	vst v63  }
0x93: {  	s19 =	simm.s32 $0x17C00  }
0x94: {  	[tilespmem:s19], [sflag:$0x2] =	stream.indirect_vreg.gather [hbm4b:s2+s4], $0x80, v7, vm7, $0xb8;
	[tilespmem:$0x1F400] =	vst v63  }
0x95: {  	s19 =	simm.s32 $0x18400  }
0x96: {  	[tilespmem:s19], [sflag:$0x2] =	stream.indirect_vreg.gather [hbm4b:s11+s4], $0x80, v7, vm7, $0xb8;
	[tilespmem:$0x1F400] =	vst v63  }
0x97: {  	s19 =	simm.s32 $0x18C00  }
0x98: {  	[tilespmem:s19], [sflag:$0x2] =	stream.indirect_vreg.gather [hbm4b:s12+s4], $0x80, v7, vm7, $0xb8;
	[tilespmem:$0x1F400] =	vst v63  }
0x99: {  	v7 =	vld [tilespmem:$0x7360];
	_ =	sdelay $0x4  }
0x9a: {  	v8 =	vshrl.u32 v7, $0x3  }
0x9b: {  	v8 =	vmul.u32 $0x30, v8  }
0x9c: {  	v7 =	vand.u32 $0x7, v7  }
0x9d: {  	v7 =	vor.u32 v7, v8  }
0x9e: {  	v8 =	vperm.xlane v7, v4;
	_ =	sdelay $0x1  }
0x9f: {  	v8 =	vadd.s32 v5, v8;
	_ =	sdelay $0x3  }
0xa0: {  	s19 =	simm.s32 $0x19400;
	v7 =	vperm.xlane v7, v6  }
0xa1: {  	[tilespmem:s19], [sflag:$0x2] =	stream.indirect_vreg.gather [hbm4b:s2+s4], $0x80, v8, vm7, $0xb8;
	[tilespmem:$0x1F400] =	vst v63  }
0xa2: {  	v7 =	vadd.s32 v5, v7;
	s19 =	simm.s32 $0x19C00  }
0xa3: {  	[tilespmem:s19], [sflag:$0x2] =	stream.indirect_vreg.gather [hbm4b:s11+s4], $0x80, v8, vm7, $0xb8;
	[tilespmem:$0x1F400] =	vst v63  }
0xa4: {  	s19 =	simm.s32 $0x1A400  }
0xa5: {  	[tilespmem:s19], [sflag:$0x2] =	stream.indirect_vreg.gather [hbm4b:s12+s4], $0x80, v8, vm7, $0xb8;
	[tilespmem:$0x1F400] =	vst v63  }
0xa6: {  	s19 =	simm.s32 $0x1AC00  }
0xa7: {  	[tilespmem:s19], [sflag:$0x2] =	stream.indirect_vreg.gather [hbm4b:s2+s4], $0x80, v7, vm7, $0xb8;
	[tilespmem:$0x1F400] =	vst v63  }
0xa8: {  	s19 =	simm.s32 $0x1B400  }
0xa9: {  	[tilespmem:s19], [sflag:$0x2] =	stream.indirect_vreg.gather [hbm4b:s11+s4], $0x80, v7, vm7, $0xb8;
	[tilespmem:$0x1F400] =	vst v63  }
0xaa: {  	s19 =	simm.s32 $0x1BC00  }
0xab: {  	[tilespmem:s19], [sflag:$0x2] =	stream.indirect_vreg.gather [hbm4b:s12+s4], $0x80, v7, vm7, $0xb8;
	[tilespmem:$0x1F400] =	vst v63  }
0xac: {  	v7 =	vld [tilespmem:$0x7370];
	_ =	sdelay $0x4  }
0xad: {  	v8 =	vshrl.u32 v7, $0x3  }
0xae: {  	v8 =	vmul.u32 $0x30, v8  }
0xaf: {  	v7 =	vand.u32 $0x7, v7  }
0xb0: {  	v7 =	vor.u32 v7, v8  }
0xb1: {  	v8 =	vperm.xlane v7, v4;
	_ =	sdelay $0x1  }
0xb2: {  	v8 =	vadd.s32 v5, v8;
	_ =	sdelay $0x3  }
0xb3: {  	s19 =	simm.s32 $0x1C400;
	v7 =	vperm.xlane v7, v6  }
0xb4: {  	[tilespmem:s19], [sflag:$0x2] =	stream.indirect_vreg.gather [hbm4b:s2+s4], $0x80, v8, vm7, $0xb8;
	[tilespmem:$0x1F400] =	vst v63  }
0xb5: {  	v7 =	vadd.s32 v5, v7;
	s19 =	simm.s32 $0x1CC00  }
0xb6: {  	[tilespmem:s19], [sflag:$0x2] =	stream.indirect_vreg.gather [hbm4b:s11+s4], $0x80, v8, vm7, $0xb8;
	[tilespmem:$0x1F400] =	vst v63  }
0xb7: {  	s19 =	simm.s32 $0x1D400  }
0xb8: {  	[tilespmem:s19], [sflag:$0x2] =	stream.indirect_vreg.gather [hbm4b:s12+s4], $0x80, v8, vm7, $0xb8;
	[tilespmem:$0x1F400] =	vst v63  }
0xb9: {  	s19 =	simm.s32 $0x1DC00  }
0xba: {  	[tilespmem:s19], [sflag:$0x2] =	stream.indirect_vreg.gather [hbm4b:s2+s4], $0x80, v7, vm7, $0xb8;
	[tilespmem:$0x1F400] =	vst v63  }
0xbb: {  	s19 =	simm.s32 $0x1E400  }
0xbc: {  	[tilespmem:s19], [sflag:$0x2] =	stream.indirect_vreg.gather [hbm4b:s11+s4], $0x80, v7, vm7, $0xb8;
	[tilespmem:$0x1F400] =	vst v63  }
0xbd: {  	s17 =	simm.s32 $0x1;
	s19 =	simm.s32 $0x1EC00  }
0xbe: {  	[tilespmem:s19], [sflag:$0x2] =	stream.indirect_vreg.gather [hbm4b:s12+s4], $0x80, v7, vm7, $0xb8;
	[tilespmem:$0x1F400] =	vst v63  }
0xbf: {  	_ =	swait.ge [sflag:s17], $0xC000  }
0xc0: {  	[sflag:s17] =	ssyncset.done $0x0  }
0xc1: {  	s19 =	rddreg [dreg:$0xb];
	[sflag:s17] =	ssyncadd.s32 $0xFFFF4000  }
0xc2: {  	[hbm4b:s19+s4] =	stream.linear.scatter [tilespmem:s18], [sflag:$0x3], $0xC000, $0x38;
	[tilespmem:$0x1F400] =	vst v63  }
0xc3: {  	s19 =	simm.s32 $0x2  }
0xc4: {  	_ =	swait.ge [sflag:s19], $0xC000  }
0xc5: {  	[sflag:s19] =	ssyncset.done $0x0  }
0xc6: {  	[sflag:s19] =	ssyncadd.s32 $0xFFFF4000;
	s19 =	rddreg [dreg:$0xc]  }
0xc7: {  	[hbm4b:s19+s4] =	stream.linear.scatter [tilespmem:s6], [sflag:$0x4], $0xC000, $0x38;
	[tilespmem:$0x1F400] =	vst v63  }
0xc8: {  	s6 =	simm.s32 $0x3  }
0xc9: {  	_ =	swait.ge [sflag:s6], $0xC000  }
0xca: {  	[sflag:s6] =	ssyncset.done $0x0  }
0xcb: {  	[sflag:s6] =	ssyncadd.s32 $0xFFFF4000  }
0xcc: {  	v7 =	vld [tilespmem:$0x7380];
	_ =	sdelay $0x4  }
0xcd: {  	v8 =	vshrl.u32 v7, $0x3  }
0xce: {  	v8 =	vmul.u32 $0x30, v8  }
0xcf: {  	v7 =	vand.u32 $0x7, v7  }
0xd0: {  	v7 =	vor.u32 v7, v8  }
0xd1: {  	v8 =	vperm.xlane v7, v4;
	_ =	sdelay $0x1  }
0xd2: {  	v8 =	vadd.s32 v5, v8;
	_ =	sdelay $0x3  }
0xd3: {  	v7 =	vperm.xlane v7, v6  }
0xd4: {  	[tilespmem:s18], [sflag:$0x1] =	stream.indirect_vreg.gather [hbm4b:s2+s4], $0x80, v8, vm7, $0xb8;
	[tilespmem:$0x1F400] =	vst v63  }
0xd5: {  	v7 =	vadd.s32 v5, v7  }
0xd6: {  	[tilespmem:s20], [sflag:$0x1] =	stream.indirect_vreg.gather [hbm4b:s11+s4], $0x80, v8, vm7, $0xb8;
	[tilespmem:$0x1F400] =	vst v63  }
0xd7: {  	_ = 	snop  }
0xd8: {  	[tilespmem:s22], [sflag:$0x1] =	stream.indirect_vreg.gather [hbm4b:s12+s4], $0x80, v8, vm7, $0xb8;
	[tilespmem:$0x1F400] =	vst v63  }
0xd9: {  	_ = 	snop  }
0xda: {  	[tilespmem:s21], [sflag:$0x1] =	stream.indirect_vreg.gather [hbm4b:s2+s4], $0x80, v7, vm7, $0xb8;
	[tilespmem:$0x1F400] =	vst v63  }
0xdb: {  	s19 =	simm.s32 $0x9400  }
0xdc: {  	[tilespmem:s19], [sflag:$0x1] =	stream.indirect_vreg.gather [hbm4b:s11+s4], $0x80, v7, vm7, $0xb8;
	[tilespmem:$0x1F400] =	vst v63  }
0xdd: {  	_ = 	snop  }
0xde: {  	[tilespmem:s10], [sflag:$0x1] =	stream.indirect_vreg.gather [hbm4b:s12+s4], $0x80, v7, vm7, $0xb8;
	[tilespmem:$0x1F400] =	vst v63  }
0xdf: {  	v7 =	vld [tilespmem:$0x7390];
	_ =	sdelay $0x4  }
0xe0: {  	v8 =	vshrl.u32 v7, $0x3  }
0xe1: {  	v8 =	vmul.u32 $0x30, v8  }
0xe2: {  	v7 =	vand.u32 $0x7, v7  }
0xe3: {  	v7 =	vor.u32 v7, v8  }
0xe4: {  	v8 =	vperm.xlane v7, v4;
	_ =	sdelay $0x1  }
0xe5: {  	v8 =	vadd.s32 v5, v8;
	_ =	sdelay $0x3  }
0xe6: {  	v7 =	vperm.xlane v7, v6  }
0xe7: {  	[tilespmem:s13], [sflag:$0x1] =	stream.indirect_vreg.gather [hbm4b:s2+s4], $0x80, v8, vm7, $0xb8;
	[tilespmem:$0x1F400] =	vst v63  }
0xe8: {  	v7 =	vadd.s32 v5, v7  }
0xe9: {  	[tilespmem:s14], [sflag:$0x1] =	stream.indirect_vreg.gather [hbm4b:s11+s4], $0x80, v8, vm7, $0xb8;
	[tilespmem:$0x1F400] =	vst v63  }
0xea: {  	_ = 	snop  }
0xeb: {  	[tilespmem:s25], [sflag:$0x1] =	stream.indirect_vreg.gather [hbm4b:s12+s4], $0x80, v8, vm7, $0xb8;
	[tilespmem:$0x1F400] =	vst v63  }
0xec: {  	_ = 	snop  }
0xed: {  	[tilespmem:s15], [sflag:$0x1] =	stream.indirect_vreg.gather [hbm4b:s2+s4], $0x80, v7, vm7, $0xb8;
	[tilespmem:$0x1F400] =	vst v63  }
0xee: {  	_ = 	snop  }
0xef: {  	[tilespmem:s26], [sflag:$0x1] =	stream.indirect_vreg.gather [hbm4b:s11+s4], $0x80, v7, vm7, $0xb8;
	[tilespmem:$0x1F400] =	vst v63  }
0xf0: {  	_ = 	snop  }
0xf1: {  	[tilespmem:s16], [sflag:$0x1] =	stream.indirect_vreg.gather [hbm4b:s12+s4], $0x80, v7, vm7, $0xb8;
	[tilespmem:$0x1F400] =	vst v63  }
0xf2: {  	v7 =	vld [tilespmem:$0x73A0];
	_ =	sdelay $0x4  }
0xf3: {  	v8 =	vshrl.u32 v7, $0x3  }
0xf4: {  	v8 =	vmul.u32 $0x30, v8  }
0xf5: {  	v7 =	vand.u32 $0x7, v7  }
0xf6: {  	v7 =	vor.u32 v7, v8  }
0xf7: {  	v8 =	vperm.xlane v7, v4;
	_ =	sdelay $0x1  }
0xf8: {  	v8 =	vadd.s32 v5, v8;
	_ =	sdelay $0x3  }
0xf9: {  	v7 =	vperm.xlane v7, v6  }
0xfa: {  	[tilespmem:s29], [sflag:$0x1] =	stream.indirect_vreg.gather [hbm4b:s2+s4], $0x80, v8, vm7, $0xb8;
	[tilespmem:$0x1F400] =	vst v63  }
0xfb: {  	v7 =	vadd.s32 v5, v7  }
0xfc: {  	[tilespmem:s31], [sflag:$0x1] =	stream.indirect_vreg.gather [hbm4b:s11+s4], $0x80, v8, vm7, $0xb8;
	[tilespmem:$0x1F400] =	vst v63  }
0xfd: {  	_ = 	snop  }
0xfe: {  	[tilespmem:s24], [sflag:$0x1] =	stream.indirect_vreg.gather [hbm4b:s12+s4], $0x80, v8, vm7, $0xb8;
	[tilespmem:$0x1F400] =	vst v63  }
0xff: {  	_ = 	snop  }
0x100: {  	[tilespmem:s28], [sflag:$0x1] =	stream.indirect_vreg.gather [hbm4b:s2+s4], $0x80, v7, vm7, $0xb8;
	[tilespmem:$0x1F400] =	vst v63  }
0x101: {  	_ = 	snop  }
0x102: {  	[tilespmem:s30], [sflag:$0x1] =	stream.indirect_vreg.gather [hbm4b:s11+s4], $0x80, v7, vm7, $0xb8;
	[tilespmem:$0x1F400] =	vst v63  }
0x103: {  	_ = 	snop  }
0x104: {  	[tilespmem:s0], [sflag:$0x1] =	stream.indirect_vreg.gather [hbm4b:s12+s4], $0x80, v7, vm7, $0xb8;
	[tilespmem:$0x1F400] =	vst v63  }
0x105: {  	v7 =	vld [tilespmem:$0x73B0];
	_ =	sdelay $0x4  }
0x106: {  	v8 =	vshrl.u32 v7, $0x3  }
0x107: {  	v8 =	vmul.u32 $0x30, v8  }
0x108: {  	v7 =	vand.u32 $0x7, v7  }
0x109: {  	v7 =	vor.u32 v7, v8  }
0x10a: {  	v8 =	vperm.xlane v7, v4;
	_ =	sdelay $0x1  }
0x10b: {  	v8 =	vadd.s32 v5, v8;
	_ =	sdelay $0x3  }
0x10c: {  	v7 =	vperm.xlane v7, v6  }
0x10d: {  	[tilespmem:s5], [sflag:$0x1] =	stream.indirect_vreg.gather [hbm4b:s2+s4], $0x80, v8, vm7, $0xb8;
	[tilespmem:$0x1F400] =	vst v63  }
0x10e: {  	v7 =	vadd.s32 v5, v7  }
0x10f: {  	[tilespmem:s3], [sflag:$0x1] =	stream.indirect_vreg.gather [hbm4b:s11+s4], $0x80, v8, vm7, $0xb8;
	[tilespmem:$0x1F400] =	vst v63  }
0x110: {  	_ = 	snop  }
0x111: {  	[tilespmem:s7], [sflag:$0x1] =	stream.indirect_vreg.gather [hbm4b:s12+s4], $0x80, v8, vm7, $0xb8;
	[tilespmem:$0x1F400] =	vst v63  }
0x112: {  	_ = 	snop  }
0x113: {  	[tilespmem:s8], [sflag:$0x1] =	stream.indirect_vreg.gather [hbm4b:s2+s4], $0x80, v7, vm7, $0xb8;
	[tilespmem:$0x1F400] =	vst v63  }
0x114: {  	_ = 	snop  }
0x115: {  	[tilespmem:s9], [sflag:$0x1] =	stream.indirect_vreg.gather [hbm4b:s11+s4], $0x80, v7, vm7, $0xb8;
	[tilespmem:$0x1F400] =	vst v63  }
0x116: {  	_ = 	snop  }
0x117: {  	[tilespmem:s23], [sflag:$0x1] =	stream.indirect_vreg.gather [hbm4b:s12+s4], $0x80, v7, vm7, $0xb8;
	[tilespmem:$0x1F400] =	vst v63  }
0x118: {  	_ =	swait.ge [sflag:s17], $0xC000  }
0x119: {  	[sflag:s17] =	ssyncset.done $0x0  }
0x11a: {  	s10 =	rddreg [dreg:$0xd];
	[sflag:s17] =	ssyncadd.s32 $0xFFFF4000;
	s17 =	simm.s32 $0x4  }
0x11b: {  	[hbm4b:s10+s4] =	stream.linear.scatter [tilespmem:s18], [sflag:$0x3], $0xC000, $0x38;
	[tilespmem:$0x1F400] =	vst v63  }
0x11c: {  	_ =	swait.ge [sflag:s17], $0xC000  }
0x11d: {  	[sflag:s17] =	ssyncset.done $0x0  }
0x11e: {  	[sflag:s17] =	ssyncadd.s32 $0xFFFF4000  }
0x11f: {  	_ =	swait.ge [sflag:s6], $0xC000  }
0x120: {  	s1 =	sadd.s32 $0x1, s1;
	s19 =	rddreg [dreg:$0xe]  }
0x121: {  	p2 =	sne.s32 s1, s19  }
.Ltmp1:
0x122: {  	_ = 	snop;
	(pc) =	sbr.rel @!p2 .LBB2_8-.Ltmp1, $3  }
0x123: {  	_ =	sdelay $0x1  }
0x124: {  	[sflag:s6] =	ssyncset.done $0x0  }
0x125: {  	s13 =	simm.s32 $0x5980;
	s14 =	simm.s32 $0x4180;
	[sflag:s6] =	ssyncadd.s32 $0xFFFF4000  }
.LBB2_1:
.Ltmp2:
0x126: {  	(pc) =	sbr.rel @p0 .LBB2_7-.Ltmp2, $1  }
0x127: {  	_ =	sdelay $0x3  }
0x128: {  	s0 =	simm.s32 $0x0  }
0x129: {  	s3 =	rddreg [dreg:$0x0];
	s5 =	simm.s32 $0x180;
	s10 =	simm.s32 $0x5  }
0x12a: {  	[tilespmem:s5], [sflag:$0x5] =	stream.linear.gather [hbm4b:s3+s0], $0x1000, $0x38;
	[tilespmem:$0x1F400] =	vst v63  }
0x12b: {  	_ =	swait.ge [sflag:s10], $0x1000  }
0x12c: {  	[sflag:s10] =	ssyncset.done $0x0  }
0x12d: {  	s19 =	simm.s32 $0x1180;
	s17 =	rddreg [dreg:$0x5];
	[sflag:s10] =	ssyncadd.s32 $0xFFFFF000  }
0x12e: {  	[tilespmem:s19], [sflag:$0x5] =	stream.linear.gather [hbm4b:s17+s0], $0x1000, $0x38;
	[tilespmem:$0x1F400] =	vst v63  }
0x12f: {  	_ =	swait.ge [sflag:s10], $0x1000  }
0x130: {  	[sflag:s10] =	ssyncset.done $0x0  }
0x131: {  	s0 =	simm.s32 $0x0;
	[sflag:s10] =	ssyncadd.s32 $0xFFFFF000  }
0x132: {  	v8 =	vld [tilespmem:s0+$0x180];
	_ =	sdelay $0x4  }
0x133: {  	vm14 =	veq.s32 v8, $0x0  }
0x134: {  	vm15 =	veq.s32 v8, $0x1;
	v7 =	vsel vm14, $0x1, v1  }
0x135: {  	vm13 =	veq.s32 v8, $0x2;
	v9 =	vsel vm15, $0x1, v1;
	(xrf0) =	vadd.scan.msk.s32 $0xffff, v7  }
0x136: {  	v7 =	vsel vm13, $0x1, v1;
	(xrf0) =	vadd.scan.msk.s32 $0xffff, v9  }
0x137: {  	(xrf0) =	vadd.scan.msk.s32 $0xffff, v7;
	_ =	sdelay $0x1  }
0x138: {  	vm12 =	veq.s32 v8, $0x3  }
0x139: {  	vm11 =	veq.s32 v8, $0x4;
	v7 =	vsel vm12, $0x1, v1  }
0x13a: {  	vm10 =	veq.s32 v8, $0x5;
	v9 =	vsel vm11, $0x1, v1;
	(xrf0) =	vadd.scan.msk.s32 $0xffff, v7;
	v7 =	vimm.s32 $0x0;
	v17, _, _ =	vpop (xrf0)  }
0x13b: {  	vm9 =	veq.s32 v8, $0x6;
	(xrf0) =	vadd.scan.msk.s32 $0xffff, v9;
	v9 =	vsel vm10, $0x1, v1;
	v10 =	vadd.s32 v17, v7;
	v18, _, _ =	vpop (xrf0)  }
0x13c: {  	vm8 =	veq.s32 v8, $0x7;
	(xrf0) =	vadd.scan.msk.s32 $0xffff, v9;
	v8 =	vadd.s32 $0xFFFFFFFF, v10;
	v9 =	vadd.s32 v18, v7;
	v14, _, _ =	vpop (xrf0)  }
0x13d: {  	v8 =	vnsel vm14, $0x0, v8;
	v9 =	vadd.s32 $0xFFFFFFFF, v9;
	v10 =	vadd.s32 v14, v7  }
0x13e: {  	v8 =	vsel vm15, v9, v8;
	v9 =	vadd.s32 $0xFFFFFFFF, v10;
	v10 =	vsel vm9, $0x1, v1  }
0x13f: {  	v11 =	vsel vm8, $0x1, v1;
	(xrf0) =	vadd.scan.msk.s32 $0xffff, v10  }
0x140: {  	v13, _, _ =	vpop (xrf0);
	(xrf0) =	vadd.scan.msk.s32 $0xffff, v11  }
0x141: {  	v16 =	vimm.s32 $0x0;
	v12 =	vadd.s32 v13, v7  }
0x142: {  	v15 =	vimm.s32 $0x0;
	v19, _, _ =	vpop (xrf0);
	v22 =	vsel vm13, v9, v8;
	v23 =	vadd.s32 $0xFFFFFFFF, v12  }
0x143: {  	s17 =	simm.s32 $0x10;
	v24 =	vadd.s32 v19, v7;
	v8 =	vimm.s32 $0x0;
	v9 =	vimm.s32 $0x0  }
0x144: {  	s19 =	simm.s32 $0x80;
	v21 =	vld [tilespmem:s17+$0x180];
	v20, _, _ =	vpop (xrf0);
	v12 =	vimm.s32 $0x0;
	v10 =	vimm.s32 $0x0;
	v11 =	vimm.s32 $0x0  }
.LBB2_3:
0x145: {  	p2 =	sne.s32 s19, $0x3FC0;
	v22 =	vsel vm12, v23, v22;
	v23 =	vadd.s32 $0xFFFFFFFF, v24;
	v24 =	vadd.s32 v20, v7;
	v25, _, _ =	vpop (xrf0)  }
0x146: {  	v22 =	vsel vm11, v23, v22;
	v23 =	vadd.s32 $0xFFFFFFFF, v24;
	v24 =	vadd.s32 v25, v8;
	v26, _, _ =	vpop (xrf0)  }
0x147: {  	v22 =	vsel vm10, v23, v22;
	v23 =	vadd.s32 $0xFFFFFFFF, v24;
	v24 =	vadd.s32 v26, v9  }
0x148: {  	v22 =	vsel vm9, v23, v22;
	v23 =	vadd.s32 $0xFFFFFFFF, v24  }
0x149: {  	vm9 =	veq.s32 v21, $0x6;
	v22 =	vsel vm8, v23, v22;
	vm8 =	veq.s32 v21, $0x7  }
0x14a: {  	vm14 =	veq.s32 v21, $0x0;
	vm11 =	veq.s32 v21, $0x4;
	vm10 =	veq.s32 v21, $0x5;
	[tilespmem:s0+$0x2180] =	vst v22;
	s0 =	smov.u32 s17  }
0x14b: {  	vm15 =	veq.s32 v21, $0x1;
	vm12 =	veq.s32 v21, $0x3;
	v22 =	vsel vm14, $0x1, v1  }
0x14c: {  	vm13 =	veq.s32 v21, $0x2;
	v23 =	vsel vm15, $0x1, v1;
	v21 =	vsel vm8, $0x1, v1;
	(xrf0) =	vadd.scan.msk.s32 $0xffff, v22  }
0x14d: {  	v17 =	vbroadcast v17, $0xF;
	v24 =	vsel vm9, $0x1, v1;
	v22 =	vsel vm13, $0x1, v1;
	(xrf0) =	vadd.scan.msk.s32 $0xffff, v23  }
0x14e: {  	v18 =	vbroadcast v18, $0xF;
	v14 =	vbroadcast v14, $0xF;
	v23 =	vsel vm12, $0x1, v1;
	(xrf0) =	vadd.scan.msk.s32 $0xffff, v22  }
0x14f: {  	v13 =	vbroadcast v13, $0xF;
	v19 =	vbroadcast v19, $0xF;
	v22 =	vsel vm11, $0x1, v1;
	(xrf0) =	vadd.scan.msk.s32 $0xffff, v23  }
0x150: {  	v20 =	vbroadcast v20, $0xF;
	v23 =	vsel vm10, $0x1, v1;
	(xrf0) =	vadd.scan.msk.s32 $0xffff, v22;
	v22 =	vbroadcast v25, $0xF  }
0x151: {  	v16 =	vadd.s32 v16, v17;
	v15 =	vadd.s32 v15, v18;
	(xrf0) =	vadd.scan.msk.s32 $0xffff, v23;
	v23 =	vbroadcast v26, $0xF  }
0x152: {  	v12 =	vadd.s32 v12, v14;
	v10 =	vadd.s32 v10, v13;
	v11 =	vadd.s32 v11, v19;
	v17, _, _ =	vpop (xrf0);
	(xrf0) =	vadd.scan.msk.s32 $0xffff, v24  }
.Ltmp3:
0x153: {  	v7 =	vadd.s32 v7, v20;
	v8 =	vadd.s32 v8, v22;
	v25 =	vadd.s32 v17, v16;
	v18, _, _ =	vpop (xrf0);
	(xrf0) =	vadd.scan.msk.s32 $0xffff, v21;
	(pc) =	sbr.rel @p2 .LBB2_3-.Ltmp3, $4  }
0x154: {  	v9 =	vadd.s32 v9, v23;
	v22 =	vadd.s32 $0xFFFFFFFF, v25;
	v26 =	vadd.s32 v18, v15;
	v14, _, _ =	vpop (xrf0)  }
0x155: {  	v27 =	vnsel vm14, $0x0, v22;
	v24 =	vadd.s32 $0xFFFFFFFF, v26;
	v21 =	vadd.s32 v14, v12;
	v13, _, _ =	vpop (xrf0)  }
0x156: {  	s17 =	sshra.s32 s19, $0x2;
	v25 =	vsel vm15, v24, v27;
	v22 =	vadd.s32 $0xFFFFFFFF, v21;
	v23 =	vadd.s32 v13, v10;
	v19, _, _ =	vpop (xrf0)  }
0x157: {  	s19 =	sadd.s32 $0x40, s19;
	v21 =	vld [tilespmem:s17+$0x180];
	v22 =	vsel vm13, v22, v25;
	v23 =	vadd.s32 $0xFFFFFFFF, v23;
	v24 =	vadd.s32 v19, v11;
	v20, _, _ =	vpop (xrf0)  }
0x158: {  	v22 =	vsel vm12, v23, v22  }
0x159: {  	v55 =	vadd.s32 $0xFFFFFFFF, v24;
	v17 =	vbroadcast v17, $0xF;
	v18 =	vbroadcast v18, $0xF  }
0x15a: {  	v56 =	vadd.s32 v20, v7;
	v14 =	vbroadcast v14, $0xF;
	v13 =	vbroadcast v13, $0xF  }
0x15b: {  	v57, _, _ =	vpop (xrf0);
	v19 =	vbroadcast v19, $0xF;
	v37 =	vbroadcast v20, $0xF;
	v22 =	vsel vm11, v55, v22  }
0x15c: {  	v58 =	vadd.s32 $0xFFFFFFFF, v56;
	v59 =	vadd.s32 v57, v8;
	vm14 =	veq.s32 v21, $0x0  }
0x15d: {  	v22 =	vsel vm10, v58, v22;
	vm13 =	veq.s32 v21, $0x1;
	v25 =	vsel vm14, $0x1, v1  }
0x15e: {  	v26, _, _ =	vpop (xrf0);
	v16 =	vadd.s32 v16, v17;
	v15 =	vadd.s32 v15, v18;
	v54 =	vsel vm13, $0x1, v1;
	(xrf0) =	vadd.scan.msk.s32 $0xffff, v25  }
0x15f: {  	v34 =	vadd.s32 v26, v9;
	v12 =	vadd.s32 v12, v14;
	vm15 =	veq.s32 v21, $0x2;
	(xrf0) =	vadd.scan.msk.s32 $0xffff, v54  }
0x160: {  	v26 =	vbroadcast v26, $0xF;
	v10 =	vadd.s32 v10, v13;
	v27 =	vsel vm15, $0x1, v1  }
0x161: {  	v11 =	vadd.s32 v11, v19;
	v24 =	vadd.s32 $0xFFFFFFFF, v59;
	vm12 =	veq.s32 v21, $0x3;
	(xrf0) =	vadd.scan.msk.s32 $0xffff, v27  }
0x162: {  	v39 =	vadd.s32 v7, v37;
	v22 =	vsel vm9, v24, v22;
	v28 =	vsel vm12, $0x1, v1  }
0x163: {  	vm10 =	veq.s32 v21, $0x6;
	vm11 =	veq.s32 v21, $0x4;
	v25 =	vbroadcast v57, $0xF;
	(xrf0) =	vadd.scan.msk.s32 $0xffff, v28  }
0x164: {  	v42 =	vadd.s32 v9, v26;
	v32 =	vsel vm11, $0x1, v1;
	v35 =	vsel vm10, $0x1, v1;
	v60, _, _ =	vpop (xrf0)  }
0x165: {  	v40 =	vadd.s32 v8, v25;
	v61 =	vadd.s32 v60, v16;
	v62, _, _ =	vpop (xrf0);
	v17 =	vbroadcast v60, $0xF  }
0x166: {  	v23 =	vadd.s32 $0xFFFFFFFF, v61;
	v63 =	vadd.s32 v62, v15;
	v18 =	vbroadcast v62, $0xF  }
0x167: {  	v38, _, _ =	vpop (xrf0);
	v23 =	vnsel vm14, $0x0, v23;
	vm14 =	veq.s32 v21, $0x5;
	v27 =	vadd.s32 $0xFFFFFFFF, v63  }
0x168: {  	v7 =	vadd.s32 v38, v12;
	v13 =	vbroadcast v38, $0xF;
	v16 =	vadd.s32 v16, v17  }
0x169: {  	(xrf0) =	vadd.scan.msk.s32 $0xffff, v32;
	v41, _, _ =	vpop (xrf0);
	v23 =	vsel vm13, v27, v23;
	v33 =	vsel vm14, $0x1, v1;
	vm13 =	veq.s32 v21, $0x7  }
0x16a: {  	v7 =	vadd.s32 $0xFFFFFFFF, v7;
	v8 =	vadd.s32 v41, v10;
	v21 =	vadd.s32 $0xFFFFFFFF, v34  }
0x16b: {  	v20 =	vbroadcast v41, $0xF;
	v16 =	vadd.s32 $0xFF, v16;
	v15 =	vadd.s32 v15, v18  }
0x16c: {  	v36 =	vsel vm13, $0x1, v1;
	v7 =	vsel vm15, v7, v23;
	v8 =	vadd.s32 $0xFFFFFFFF, v8  }
0x16d: {  	v53 =	vshra.s32 v16, $0x1F;
	v12 =	vadd.s32 v12, v13;
	v56 =	vand.u32 $0xFF, v16  }
0x16e: {  	(xrf0) =	vadd.scan.msk.s32 $0xffff, v33;
	v15 =	vadd.s32 $0xFF, v15;
	v7 =	vsel vm12, v8, v7;
	v55 =	vshrl.u32 v53, $0x18  }
0x16f: {  	(xrf0) =	vadd.scan.msk.s32 $0xffff, v35;
	v43, _, _ =	vpop (xrf0);
	v10 =	vadd.s32 v10, v20;
	v57 =	vshra.s32 v15, $0x1F;
	v58 =	vand.u32 $0xFF, v15  }
0x170: {  	v12 =	vadd.s32 $0xFF, v12;
	v44 =	vadd.s32 v43, v11;
	v50 =	vbroadcast v43, $0xF  }
0x171: {  	(xrf0) =	vadd.scan.msk.s32 $0xffff, v36;
	v13 =	vadd.s32 v55, v16;
	vm15 =	vne.s32 v58, $0x0;
	v25 =	vshra.s32 v12, $0x1F  }
0x172: {  	v26 =	vand.u32 $0xFF, v12;
	v10 =	vadd.s32 $0xFF, v10;
	v8 =	vadd.s32 $0xFFFFFFFF, v44  }
0x173: {  	v13 =	vshra.s32 v13, $0x8;
	v20 =	vshrl.u32 v25, $0x18;
	v11 =	vadd.s32 v11, v50  }
0x174: {  	v29 =	vshra.s32 v10, $0x1F;
	v30 =	vand.u32 $0xFF, v10;
	v11 =	vadd.s32 $0xFF, v11;
	v45, _, _ =	vpop (xrf0)  }
0x175: {  	v7 =	vsel vm11, v8, v7;
	v41 =	vand.u32 $0xFF, v11;
	v46 =	vadd.s32 v45, v39;
	v27, _, _ =	vpop (xrf0)  }
0x176: {  	v51 =	vbroadcast v45, $0xF;
	v8 =	vadd.s32 $0xFFFFFFFF, v46;
	v47 =	vadd.s32 v27, v40  }
0x177: {  	v48, _, _ =	vpop (xrf0);
	v52 =	vbroadcast v27, $0xF;
	v7 =	vsel vm14, v8, v7;
	v8 =	vadd.s32 $0xFFFFFFFF, v47  }
0x178: {  	v54 =	vbroadcast v48, $0xF;
	v14 =	vadd.s32 v39, v51;
	vm14 =	vlt.s32 v15, $0x1  }
0x179: {  	v7 =	vsel vm10, v8, v7;
	v8 =	vadd.s32 v48, v42;
	v61 =	vadd.s32 v40, v52  }
0x17a: {  	v40 =	vshra.s32 v11, $0x1F;
	v14 =	vadd.s32 $0xFF, v14;
	v49 =	vadd.s32 $0xFFFFFFFF, v8  }
0x17b: {  	v8 =	vsel vm8, v21, v22;
	vm8 =	vlt.s32 v16, $0x1;
	v16 =	vshrl.u32 v57, $0x18  }
0x17c: {  	v9 =	vadd.s32 v42, v54;
	v43 =	vshra.s32 v14, $0x1F;
	v44 =	vand.u32 $0xFF, v14  }
0x17d: {  	v51 =	vadd.s32 $0xFF, v61;
	v7 =	vsel vm13, v49, v7;
	vm13 =	vne.s32 v56, $0x0  }
0x17e: {  	v15 =	vadd.s32 v16, v15;
	v53 =	vshra.s32 v51, $0x1F;
	v55 =	vand.u32 $0xFF, v51  }
0x17f: {  	v9 =	vadd.s32 $0xFF, v9;
	vm8 =	vmand vm8, vm13;
	v15 =	vshra.s32 v15, $0x8  }
0x180: {  	vm13 =	vne.s32 v26, $0x0;
	v54 =	vshrl.u32 v53, $0x18;
	v59 =	vsel vm8, $0xFFFFFFFF, v1  }
0x181: {  	v57 =	vshra.s32 v9, $0x1F;
	vm8 =	vmand vm14, vm15;
	v13 =	vadd.s32 v59, v13  }
0x182: {  	v58 =	vand.u32 $0xFF, v9;
	v60 =	vsel vm8, $0xFFFFFFFF, v1;
	vm8 =	vlt.s32 v13, v2  }
0x183: {  	vm14 =	vne.s32 v30, $0x0;
	v15 =	vadd.s32 v60, v15;
	v62 =	vsel vm8, $0x1, v1  }
0x184: {  	v15 =	vadd.s32 v13, v15;
	vm8 =	vlt.s32 v13, v3;
	v13 =	vshll.u32 v13, $0x8  }
0x185: {  	vm12 =	vlt.s32 v15, v2;
	v63 =	vsel vm8, $0x1, v1;
	v13 =	vsel vm0, $0x0, v13  }
0x186: {  	vm8 =	vlt.s32 v15, v3;
	v27 =	vshll.u32 v15, $0x8;
	v23 =	vsel vm12, $0x1, v1  }
0x187: {  	v24 =	vsel vm8, $0x1, v1;
	vm8 =	vlt.s32 v12, $0x1;
	v12 =	vadd.s32 v20, v12  }
0x188: {  	v13 =	vsel vm1, v13, v27;
	v16 =	vadd.s32 v62, v23;
	vm8 =	vmand vm8, vm13  }
0x189: {  	v12 =	vshra.s32 v12, $0x8;
	v28 =	vsel vm8, $0xFFFFFFFF, v1;
	vm8 =	vlt.s32 v10, $0x1  }
0x18a: {  	v18 =	vadd.s32 v63, v24;
	v12 =	vadd.s32 v28, v12;
	vm8 =	vmand vm8, vm14  }
0x18b: {  	vm14 =	vne.s32 v41, $0x0;
	v12 =	vadd.s32 v15, v12;
	v15 =	vshrl.u32 v29, $0x18  }
0x18c: {  	v31 =	vsel vm8, $0xFFFFFFFF, v1;
	vm15 =	vlt.s32 v12, v2;
	v10 =	vadd.s32 v15, v10  }
0x18d: {  	vm12 =	vlt.s32 v12, v3;
	v10 =	vshra.s32 v10, $0x8;
	v32 =	vsel vm15, $0x1, v1  }
0x18e: {  	v33 =	vsel vm12, $0x1, v1;
	vm15 =	vne.s32 v44, $0x0;
	v10 =	vadd.s32 v31, v10  }
0x18f: {  	v34 =	vadd.s32 v32, v16;
	v35 =	vadd.s32 v33, v18;
	v18 =	vshrl.u32 v40, $0x18  }
0x190: {  	v16 =	vshrl.u32 v43, $0x18;
	v10 =	vadd.s32 v12, v10;
	v12 =	vshll.u32 v12, $0x8  }
0x191: {  	v45 =	vadd.s32 v16, v14;
	v16 =	vshrl.u32 v57, $0x18;
	vm8 =	vlt.s32 v10, v2  }
0x192: {  	vm13 =	vlt.s32 v10, v3;
	v12 =	vsel vm2, v13, v12;
	v39 =	vshll.u32 v10, $0x8  }
0x193: {  	v36 =	vsel vm8, $0x1, v1;
	v37 =	vsel vm13, $0x1, v1;
	vm8 =	vlt.s32 v11, $0x1  }
0x194: {  	v12 =	vsel vm3, v12, v39;
	v11 =	vadd.s32 v18, v11;
	vm13 =	vne.s32 v55, $0x0  }
0x195: {  	v13 =	vadd.s32 v36, v34;
	v38 =	vadd.s32 v37, v35;
	vm8 =	vmand vm8, vm14  }
0x196: {  	v11 =	vshra.s32 v11, $0x8;
	v42 =	vsel vm8, $0xFFFFFFFF, v1;
	vm8 =	vlt.s32 v14, $0x1  }
0x197: {  	vm14 =	vne.s32 v58, $0x0;
	v11 =	vadd.s32 v42, v11;
	vm8 =	vmand vm8, vm15  }
0x198: {  	v10 =	vadd.s32 v10, v11;
	v11 =	vshra.s32 v45, $0x8;
	v46 =	vsel vm8, $0xFFFFFFFF, v1  }
0x199: {  	vm12 =	vlt.s32 v10, v2;
	vm8 =	vlt.s32 v10, v3;
	v11 =	vadd.s32 v46, v11  }
0x19a: {  	v47 =	vsel vm12, $0x1, v1;
	v48 =	vsel vm8, $0x1, v1;
	v11 =	vadd.s32 v10, v11  }
0x19b: {  	v10 =	vshll.u32 v10, $0x8;
	v13 =	vadd.s32 v47, v13;
	v14 =	vadd.s32 v48, v38  }
0x19c: {  	vm8 =	vlt.s32 v11, v2;
	v10 =	vsel vm4, v12, v10;
	v52 =	vshll.u32 v11, $0x8  }
0x19d: {  	v49 =	vsel vm8, $0x1, v1;
	vm8 =	vlt.s32 v11, v3;
	v10 =	vsel vm5, v10, v52  }
0x19e: {  	v12 =	vadd.s32 v49, v13;
	v50 =	vsel vm8, $0x1, v1;
	vm8 =	vlt.s32 v51, $0x1  }
0x19f: {  	v13 =	vadd.s32 v50, v14;
	v14 =	vadd.s32 v54, v51;
	vm8 =	vmand vm8, vm13  }
0x1a0: {  	v14 =	vshra.s32 v14, $0x8;
	v56 =	vsel vm8, $0xFFFFFFFF, v1;
	vm8 =	vlt.s32 v9, $0x1  }
0x1a1: {  	v9 =	vadd.s32 v16, v9;
	v14 =	vadd.s32 v56, v14;
	vm8 =	vmand vm8, vm14  }
0x1a2: {  	v9 =	vshra.s32 v9, $0x8;
	v11 =	vadd.s32 v11, v14;
	v59 =	vsel vm8, $0xFFFFFFFF, v1  }
0x1a3: {  	vm8 =	vlt.s32 v11, v2;
	vm15 =	vlt.s32 v11, v3;
	v9 =	vadd.s32 v59, v9  }
0x1a4: {  	[tilespmem:s0+$0x2180] =	vst v8;
	v8 =	vshll.u32 v11, $0x8;
	v60 =	vsel vm8, $0x1, v1;
	v9 =	vadd.s32 v11, v9  }
0x1a5: {  	[tilespmem:s17+$0x2180] =	vst v7;
	v61 =	vsel vm15, $0x1, v1;
	v7 =	vsel vm6, v10, v8;
	vm8 =	vlt.s32 v9, v2  }
0x1a6: {  	v12 =	vadd.s32 v60, v12;
	v62 =	vsel vm8, $0x1, v1;
	vm8 =	vlt.s32 v9, v3  }
0x1a7: {  	v13 =	vadd.s32 v61, v13;
	[tilespmem:$0x7180] =	vst v7;
	v8 =	vadd.s32 v62, v12;
	v63 =	vsel vm8, $0x1, v1  }
0x1a8: {  	[tilespmem:$0x7280] =	vst v9;
	v10 =	vadd.s32 v63, v13;
	v7 =	vmin.u32 v8, $0x7  }
0x1a9: {  	s19 =	simm.s32 $0x2180;
	s3 =	simm.s32 $0x1180;
	s5 =	simm.s32 $0x3180;
	[tilespmem:$0x7200] =	vst v7;
	v7 =	vmin.u32 v10, $0x7  }
0x1aa: {  	s10 =	simm.s32 $0x7180;
	s0 =	simm.s32 $0x0;
	s17 =	simm.s32 $0x180;
	[tilespmem:$0x7210] =	vst v7  }
.LBB2_5:
0x1ab: {  	v7 =	vld [tilespmem:s17+$0x0];
	_ =	sdelay $0x6  }
0x1ac: {  	v8 =	vld [tilespmem:s19+$0x0]  }
0x1ad: {  	v7 =	vld.idx.msk [tilespmem:v7+s10+$0x0], $0xffff;
	_ =	sdelay $0x4  }
0x1ae: {  	v7 =	vadd.s32 v8, v7  }
0x1af: {  	v8 =	vld [tilespmem:s3+$0x0]  }
0x1b0: {  	p2 =	sne.s32 s0, $0xFF0  }
.Ltmp4:
0x1b1: {  	v9 =	vor.u32 s0, v0;
	(pc) =	sbr.rel @p2 .LBB2_5-.Ltmp4, $4  }
0x1b2: {  	v9 =	vand.u32 $0x7FF, v9  }
0x1b3: {  	[tilespmem:v7+s14+$0x0] =	vst.idx.msk $0xffff, v9  }
0x1b4: {  	s17 =	sadd.s32 $0x10, s17;
	s19 =	sadd.s32 $0x10, s19;
	[tilespmem:v7+s13+$0x0] =	vst.idx.msk $0xffff, v8  }
0x1b5: {  	s0 =	sadd.s32 $0x10, s0;
	s3 =	sadd.s32 $0x10, s3;
	[tilespmem:s5+$0x0] =	vst v7;
	s5 =	sadd.s32 $0x10, s5  }
0x1b6: {  	s0 =	rddreg [dreg:$0x3];
	s19 =	simm.s32 $0x5  }
0x1b7: {  	[spmem:s0] =	stream.linear.scatter [tilespmem:s14], [sflag:$0x5], $0x1800, $0x38;
	[tilespmem:$0x1F400] =	vst v63  }
0x1b8: {  	_ =	swait.ge [sflag:s19], $0x1800  }
0x1b9: {  	s3 =	simm.s32 @!p1 $0x5980;
	[sflag:s19] =	ssyncset.done $0x0  }
0x1ba: {  	s0 =	simm.s32 @!p1 $0x0;
	s5 =	rddreg [dreg:$0x6];
	[sflag:s19] =	ssyncadd.s32 $0xFFFFE800  }
0x1bb: {  	[hbm4b:s5+s0] =	stream.linear.scatter @!p1 [tilespmem:s3], [sflag:$0x5], $0x1800, $0x38;
	[tilespmem:$0x1F400] =	vst v63  }
0x1bc: {  	s3 =	simm.s32 @!p1 $0x5  }
0x1bd: {  	_ =	swait.ge @!p1 [sflag:s3], $0x1800  }
0x1be: {  	[sflag:s3] =	ssyncset.done @!p1 $0x0  }
0x1bf: {  	s5 =	simm.s32 @!p1 $0x3180;
	s17 =	rddreg [dreg:$0x8];
	[sflag:s3] =	ssyncadd.s32 @!p1 $0xFFFFE800  }
0x1c0: {  	[hbm4b:s17+s0] =	stream.linear.scatter @!p1 [tilespmem:s5], [sflag:$0x5], $0x1000, $0x38;
	[tilespmem:$0x1F400] =	vst v63  }
0x1c1: {  	_ =	swait.ge @!p1 [sflag:s3], $0x1000  }
0x1c2: {  	[sflag:s3] =	ssyncset.done @!p1 $0x0  }
0x1c3: {  	s5 =	simm.s32 @!p1 $0x7200;
	s17 =	rddreg [dreg:$0x7];
	[sflag:s3] =	ssyncadd.s32 @!p1 $0xFFFFF000  }
0x1c4: {  	[hbm4b:s17+s0] =	stream.linear.scatter @!p1 [tilespmem:s5], [sflag:$0x5], $0x80, $0x38;
	[tilespmem:$0x1F400] =	vst v63  }
0x1c5: {  	_ =	swait.ge @!p1 [sflag:s3], $0x80  }
0x1c6: {  	s5 =	simm.s32 @!p1 $0x7280;
	[sflag:s3] =	ssyncset.done @!p1 $0x0  }
.Ltmp5:
0x1c7: {  	s17 =	rddreg [dreg:$0x9];
	[sflag:s3] =	ssyncadd.s32 @!p1 $0xFFFFFF80;
	(pc) =	sbr.rel .LBB2_7-.Ltmp5, $4  }
0x1c8: {  	[hbm4b:s17+s0] =	stream.linear.scatter @!p1 [tilespmem:s5], [sflag:$0x5], $0x80, $0x38;
	[tilespmem:$0x1F400] =	vst v63  }
0x1c9: {  	_ =	swait.ge @!p1 [sflag:s3], $0x80  }
0x1ca: {  	[sflag:s3] =	ssyncset.done @!p1 $0x0  }
0x1cb: {  	[sflag:s3] =	ssyncadd.s32 @!p1 $0xFFFFFF80  }
.LBB2_8:
0x1cc: {  	_ =	sfence.sel $0x180000  }
0x1cd: {  	[bflag:$0x0] =	sbarrier.arrive $0xFFFF  }
0x1ce: {  	_ =	strace $0x90000047  }
0x1cf: {  	[bflag:$0x2] =	sbarrier.arrive $0xFFFF  }
0x1d0: {  	s0 =	rddreg [dreg:$0x4]  }
0x1d1: {  	s0 =	sadd.s32 @!p0 $0x100000, s0  }
0x1d2: {  	[sflag:s0] =	ssyncadd.tile.s32 @!p0 $0x1;
	_ =	shalt  }
.Lfunc_end2:
_tile_overlayer_lowered:
.L_overlay_start_2:
0x1d3: {  	(tag) =	ssettag $0x2  }
0x1d4: {  	s0 =	rddreg [dreg:$0x0];
	s2 =	stileid.u32  }
0x1d5: {  	s1 =	rddreg [dreg:$0x1];
	p0 =	sne.s32 s2, $0x0  }
0x1d6: {  	s3 =	rddreg [dreg:$0x2];
	[bflag:$0x3] =	sbarrier.arrive $0xFFFF;
	s2 =	simm.s32 @!p0 $0x1C05  }
0x1d7: {  	[timem:s3], [sflag:s2] =	dma.local @!p0 [hbm:s0], s1  }
0x1d8: {  	s0 =	simm.s32 @!p0 $0x5  }
0x1d9: {  	_ =	swait.ge @!p0 [sflag:s0], s1  }
0x1da: {  	s1 =	ssub.s32 @!p0 $0x0, s1;
	[sflag:s0] =	ssyncset.done @!p0 $0x0  }
0x1db: {  	[sflag:s0] =	ssyncadd.s32 @!p0 s1  }
0x1dc: {  	[bflag:$0x3] =	sbarrier.arrive $0xFFFF  }
0x1dd: {  	_ =	shalt  }

</sc_bundles>
